<compile_context>
chip_gen: v7x
topology: tpu7x:2x2x1
jax: 0.10.2.dev20260603
libtpu: 0.0.44.dev20260713+nightly
codegen_flags: <defaults>
</compile_context>

<pallas_src>
import functools

import jax
import jax.numpy as jnp
from jax import lax
from jax.experimental import pallas as pl
from jax.experimental.pallas import tpu as pltpu
from jax.experimental.pallas import tpu_sc as plsc

B, S, D = 16, 4096, 512
NP = 8
T = 32
LANES = 16
SM = S // 128


def _sc_pool_body(latent_hbm, mask_hbm, patches_hbm, mask_v, data_v, acc_v, off_v, cnt_s):
    wid = lax.axis_index("s") * 2 + lax.axis_index("c")

    @pl.when(wid < B)
    def _():
        row = wid
        l_iota = lax.iota(jnp.int32, 16)

        pltpu.sync_copy(mask_hbm.at[row], mask_v)

        off_v[...] = jnp.where(l_iota == 0, 0, S).astype(jnp.int32)

        cnt_s[0] = jnp.int32(0)

        @pl.loop(0, S // LANES)
        def scan_body(k):
            cnt = cnt_s[0]

            @pl.when(cnt < NP)
            def _():
                mv = mask_v[k // 8, pl.ds((k % 8) * LANES, LANES)]
                cs = jnp.cumsum(mv)
                gid = cnt + cs
                sel = jnp.logical_and(mv > 0, gid <= NP)
                pos1 = k * LANES + l_iota + 1
                plsc.store_scatter(off_v, [jnp.minimum(gid, 15)], pos1, mask=sel)
                cnt_s[0] = cnt + jnp.sum(mv)

        off_reg = off_v[...]

        def off_at(j):
            return jnp.sum(jnp.where(l_iota == j, off_reg, 0))

        o8 = off_at(NP)

        @pl.loop(0, NP)
        def zero_body(j):
            for q in range(D // LANES):
                acc_v[j, pl.ds(q * LANES, LANES)] = jnp.zeros((LANES,), jnp.float32)

        nchunks = (o8 + (T - 1)) // T

        @pl.loop(0, nchunks)
        def chunk_body(ci):
            c0 = ci * T
            pltpu.sync_copy(latent_hbm.at[row, pl.ds(c0, T), :], data_v)

            @pl.loop(0, NP)
            def patch_body(j):
                lo = jnp.maximum(off_at(j), c0)
                hi = jnp.minimum(off_at(j + 1), c0 + T)

                @pl.loop(lo, hi)
                def tok_body(t):
                    for q in range(D // LANES):
                        sl = pl.ds(q * LANES, LANES)
                        acc_v[j, sl] = acc_v[j, sl] + data_v[t - c0, sl]

        @pl.loop(0, NP)
        def scale_body(j):
            cnt = off_at(j + 1) - off_at(j)
            cntf = jnp.broadcast_to(cnt.astype(jnp.float32), (LANES,))
            inv = 1.0 / jnp.maximum(cntf, 1.0)
            for q in range(D // LANES):
                sl = pl.ds(q * LANES, LANES)
                acc_v[j, sl] = acc_v[j, sl] * inv

        pltpu.sync_copy(acc_v, patches_hbm.at[row])


_sc_pool = functools.partial(
    pl.kernel,
    mesh=plsc.VectorSubcoreMesh(core_axis_name="c", subcore_axis_name="s"),
    out_type=jax.ShapeDtypeStruct((B, NP, D), jnp.float32),
    scratch_types=[
        pltpu.VMEM((SM, 128), jnp.int32),
        pltpu.VMEM((T, D), jnp.float32),
        pltpu.VMEM((NP, D), jnp.float32),
        pltpu.VMEM((16,), jnp.int32),
        pltpu.SMEM((1,), jnp.int32),
    ],
    compiler_params=pltpu.CompilerParams(
        needs_layout_passes=False, use_tc_tiling_on_sc=True
    ),
)(_sc_pool_body)


def _proj_body(x_ref, w_ref, b_ref, o_ref):
    o_ref[...] = (
        lax.dot_general(
            x_ref[...],
            w_ref[...],
            dimension_numbers=(((1,), (1,)), ((), ())),
            preferred_element_type=jnp.float32,
        )
        + b_ref[...]
    )


_proj = pl.pallas_call(
    _proj_body,
    out_shape=jax.ShapeDtypeStruct((B * NP, D), jnp.float32),
)


def kernel(latent_states, binary_mask, W, b):
    mask2 = binary_mask.reshape(B, SM, 128).astype(jnp.int32)
    patches = _sc_pool(latent_states, mask2)
    out = _proj(patches.reshape(B * NP, D), W, b.reshape(1, D))
    return out.reshape(B, NP, D)

# --- scband reference (transcript-rebuilt; emitter-appended) ---
"""Pipeline reference for scband-patch-aggregator-14800457302125 (READ-ONLY COPY).

The authoritative reference and input builder live on the scoring server;
editing this copy changes nothing except your own understanding.
"""

import jax, jax.numpy as jnp
import numpy as np

MAX_N_LATENT = 8


def setup_inputs(seed: int = 0) -> dict:
    key = jax.random.key(seed)
    k1, k2, k3, k4 = jax.random.split(key, 4)
    B, S, D_in, D_out = 16, 4096, 512, 512
    latent_states = jax.random.normal(k1, (B, S, D_in), dtype=jnp.float32)
    binary_mask = jax.random.randint(k2, (B, S, 1), 0, 2, dtype=jnp.int64)
    bound = 1.0 / np.sqrt(D_in)
    W = jax.random.uniform(k3, (D_out, D_in), dtype=jnp.float32, minval=-bound, maxval=bound)
    b = jax.random.uniform(k4, (D_out,), dtype=jnp.float32, minval=-bound, maxval=bound)
    return {"latent_states": latent_states, "binary_mask": binary_mask, "W": W, "b": b}


def reference(latent_states, binary_mask, W, b):
    # Faithful translation of PatchAggregator.forward (pooling='mean').
    # Token i belongs to patch j = number of boundaries strictly before i
    # (exclusive cumsum of the binary mask). Patches beyond MAX_N_LATENT are
    # truncated; missing patches are zero-padded. A trailing patch exists iff
    # the last position is not a boundary.
    m = (binary_mask[..., 0] == 1).astype(jnp.int32)  # [B, S]

    def per_row(x, mrow):
        seg = jnp.cumsum(mrow) - mrow  # exclusive cumsum -> patch id per token
        sums = jax.ops.segment_sum(x, seg, num_segments=MAX_N_LATENT)
        counts = jax.ops.segment_sum(jnp.ones(mrow.shape, dtype=x.dtype), seg, num_segments=MAX_N_LATENT)
        mean = sums / jnp.clip(counts, 1, None)[:, None]
        n_bound = jnp.sum(mrow)
        n_patches = n_bound + (mrow[-1] == 0).astype(jnp.int32)
        valid = jnp.arange(MAX_N_LATENT) < n_patches
        return jnp.where(valid[:, None], mean, 0.0)

    patches = jax.vmap(per_row)(latent_states, m)  # [B, 8, D_in]
    return patches @ W.T + b

if __name__ == "__main__":
    import jax
    _d = setup_inputs()
    print(jax.jit(kernel)(*tuple(_d.values())))

</pallas_src>

<mosaic_0001>
#map = affine_map<(d0, d1) -> (0, 0, 0)>
module attributes {stable_mosaic.version = 14 : i64} {
  func.func @_sc_pool_body(%arg0: i32, %arg1: i32, %arg2: memref<16x4096x512xf32, #tpu.memory_space<hbm>>, %arg3: memref<16x32x128xi32, #tpu.memory_space<hbm>>, %arg4: memref<16x8x512xf32, #tpu.memory_space<hbm>>, %arg5: memref<32x128xi32, #tpu.memory_space<vmem>>, %arg6: memref<32x512xf32, #tpu.memory_space<vmem>>, %arg7: memref<8x512xf32, #tpu.memory_space<vmem>>, %arg8: memref<16xi32, #tpu.memory_space<vmem>>, %arg9: memref<1xi32, #tpu.memory_space<smem>>) attributes {dimension_semantics = [#tpu.dimension_semantics<core_parallel>, #tpu.dimension_semantics<subcore_parallel>], iteration_bounds = array<i64: 2, 16>, scalar_prefetch = 0 : i64, scratch_operands = 5 : i64, tpu.core_type = #tpu.core_type<sc_vector_subcore>, window_params = [{transform_indices = #map}, {transform_indices = #map}, {transform_indices = #map}]} {
    %mul3A = arith.constant 2 : i32
    %mul3A_0 = arith.muli %arg1, %mul3A : i32
    %add3A = arith.addi %mul3A_0, %arg0 : i32
    %lt3A = arith.constant 16 : i32
    %lt3A_1 = arith.cmpi slt, %add3A, %lt3A : i32
    %convert_element_type3A = arith.extui %lt3A_1 : i1 to i32
    %cond3A = arith.constant 0 : i32
    %cond3A_2 = arith.cmpi ne, %convert_element_type3A, %cond3A : i32
    scf.if %cond3A_2 {
      %iota3A = tpu.iota {dimensions = array<i32: 0>} : vector<16xi32>
      "tpu.region"() ({
        %run_scoped3A = tpu.sem_alloc : memref<!tpu.dma_semaphore, #tpu.memory_space<semaphore_mem>>
        %dma_start3A = arith.constant 0 : i32
        %dma_start3A_74 = arith.constant 0 : i32
        %dma_start3A_75 = tpu.memref_slice %arg3[%add3A, %dma_start3A, %dma_start3A_74] : memref<16x32x128xi32, #tpu.memory_space<hbm>> -> memref<1x32x128xi32, #tpu.memory_space<hbm>>
        %dma_start3A_76 = tpu.memref_squeeze %dma_start3A_75 : memref<1x32x128xi32, #tpu.memory_space<hbm>> -> memref<32x128xi32, #tpu.memory_space<hbm>>
        %dma_start3A_77 = arith.constant 0 : i32
        %dma_start3A_78 = arith.constant 0 : i32
        %dma_start3A_79 = tpu.memref_slice %arg3[%add3A, %dma_start3A_77, %dma_start3A_78] : memref<16x32x128xi32, #tpu.memory_space<hbm>> -> memref<1x32x128xi32, #tpu.memory_space<hbm>>
        %dma_start3A_80 = tpu.memref_squeeze %dma_start3A_79 : memref<1x32x128xi32, #tpu.memory_space<hbm>> -> memref<32x128xi32, #tpu.memory_space<hbm>>
        tpu.enqueue_dma source(%dma_start3A_80 : memref<32x128xi32, #tpu.memory_space<hbm>>) target(%arg5 : memref<32x128xi32, #tpu.memory_space<vmem>>) target_semaphore(%run_scoped3A : memref<!tpu.dma_semaphore, #tpu.memory_space<semaphore_mem>>)
        %dma_wait3A = arith.constant 0 : i32
        %dma_wait3A_81 = arith.constant 0 : i32
        %dma_wait3A_82 = tpu.memref_slice %arg3[%add3A, %dma_wait3A, %dma_wait3A_81] : memref<16x32x128xi32, #tpu.memory_space<hbm>> -> memref<1x32x128xi32, #tpu.memory_space<hbm>>
        %dma_wait3A_83 = tpu.memref_squeeze %dma_wait3A_82 : memref<1x32x128xi32, #tpu.memory_space<hbm>> -> memref<32x128xi32, #tpu.memory_space<hbm>>
        %dma_wait3A_84 = arith.constant 0 : i32
        %dma_wait3A_85 = arith.constant 0 : i32
        %dma_wait3A_86 = tpu.memref_slice %arg3[%add3A, %dma_wait3A_84, %dma_wait3A_85] : memref<16x32x128xi32, #tpu.memory_space<hbm>> -> memref<1x32x128xi32, #tpu.memory_space<hbm>>
        %dma_wait3A_87 = tpu.memref_squeeze %dma_wait3A_86 : memref<1x32x128xi32, #tpu.memory_space<hbm>> -> memref<32x128xi32, #tpu.memory_space<hbm>>
        tpu.wait_dma2 semaphore(%run_scoped3A : memref<!tpu.dma_semaphore, #tpu.memory_space<semaphore_mem>>) src(%dma_wait3A_87 : memref<32x128xi32, #tpu.memory_space<hbm>>) dst(%arg5 : memref<32x128xi32, #tpu.memory_space<vmem>>)
        tpu.yield
      }) : () -> ()
      %eq3A = arith.constant 0 : i32
      %eq3A_3 = vector.broadcast %eq3A : i32 to vector<16xi32>
      %eq3A_4 = arith.cmpi eq, %iota3A, %eq3A_3 : vector<16xi32>
      %jit3A = arith.constant 0 : i32
      %jit3A_5 = arith.constant 4096 : i32
      %broadcast_in_dim3A = vector.broadcast %jit3A : i32 to vector<16xi32>
      %broadcast_in_dim3A_6 = vector.broadcast %jit3A_5 : i32 to vector<16xi32>
      %select_n3A = arith.select %eq3A_4, %broadcast_in_dim3A, %broadcast_in_dim3A_6 : vector<16xi1>, vector<16xi32>
      %swap3A = arith.constant 0 : index
      %swap3A_7 = tpu.vector_load %arg8[%swap3A] {strides = array<i32>} : memref<16xi32, #tpu.memory_space<vmem>>, vector<16xi32>,
      tpu.vector_store %arg8[%swap3A], %select_n3A {strides = array<i32>} : memref<16xi32, #tpu.memory_space<vmem>>, vector<16xi32>,
      %swap3A_8 = arith.constant 0 : i32
      %swap3A_9 = arith.constant 0 : i32
      %swap3A_10 = arith.index_cast %swap3A_9 : i32 to index
      %swap3A_11 = memref.load %arg9[%swap3A_10] : memref<1xi32, #tpu.memory_space<smem>>
      memref.store %swap3A_8, %arg9[%swap3A_10] : memref<1xi32, #tpu.memory_space<smem>>
      %scan3A = arith.constant 0 : i32
      %scan3A_12 = arith.constant 256 : i32
      %scan3A_13 = arith.addi %scan3A, %scan3A_12 : i32
      %scan3A_14 = arith.constant 1 : i32
      scf.for %scan3A_74 = %scan3A to %scan3A_13 step %scan3A_14  : i32 {
        %mul3A_75 = arith.constant 1 : i32
        %mul3A_76 = arith.muli %scan3A_74, %mul3A_75 : i32
        %add3A_77 = arith.constant 0 : i32
        %add3A_78 = arith.addi %add3A_77, %mul3A_76 : i32
        %get3A_79 = arith.constant 0 : i32
        %get3A_80 = arith.index_cast %get3A_79 : i32 to index
        %get3A_81 = memref.load %arg9[%get3A_80] : memref<1xi32, #tpu.memory_space<smem>>
        %lt3A_82 = arith.constant 8 : i32
        %lt3A_83 = arith.cmpi slt, %get3A_81, %lt3A_82 : i32
        %convert_element_type3A_84 = arith.extui %lt3A_83 : i1 to i32
        %cond3A_85 = arith.constant 0 : i32
        %cond3A_86 = arith.cmpi ne, %convert_element_type3A_84, %cond3A_85 : i32
        scf.if %cond3A_86 {
          %jit3A_87 = arith.constant 8 : i32
          %div3A_88 = arith.divsi %add3A_78, %jit3A_87 : i32
          %sign3A_89 = arith.constant 0 : i32
          %sign3A_90 = arith.cmpi sgt, %add3A_78, %sign3A_89 : i32
          %sign3A_91 = arith.extui %sign3A_90 : i1 to i32
          %sign3A_92 = arith.constant 0 : i32
          %sign3A_93 = arith.cmpi slt, %add3A_78, %sign3A_92 : i32
          %sign3A_94 = arith.extui %sign3A_93 : i1 to i32
          %sign3A_95 = arith.subi %sign3A_91, %sign3A_94 : i32
          %sign3A_96 = arith.constant 0 : i32
          %sign3A_97 = arith.cmpi sgt, %jit3A_87, %sign3A_96 : i32
          %sign3A_98 = arith.extui %sign3A_97 : i1 to i32
          %sign3A_99 = arith.constant 0 : i32
          %sign3A_100 = arith.cmpi slt, %jit3A_87, %sign3A_99 : i32
          %sign3A_101 = arith.extui %sign3A_100 : i1 to i32
          %sign3A_102 = arith.subi %sign3A_98, %sign3A_101 : i32
          %ne3A_103 = arith.cmpi ne, %sign3A_95, %sign3A_102 : i32
          %rem3A_104 = arith.remsi %add3A_78, %jit3A_87 : i32
          %ne3A_105 = arith.constant 0 : i32
          %ne3A_106 = arith.cmpi ne, %rem3A_104, %ne3A_105 : i32
          %and3A_107 = arith.andi %ne3A_103, %ne3A_106 : i1
          %sub3A_108 = arith.constant 1 : i32
          %sub3A_109 = arith.subi %div3A_88, %sub3A_108 : i32
          %select_n3A_110 = arith.select %and3A_107, %sub3A_109, %div3A_88 : i32
          %jit3A_111 = arith.constant 8 : i32
          %eq3A_112 = arith.constant 0 : i32
          %eq3A_113 = arith.cmpi eq, %jit3A_111, %eq3A_112 : i32
          %jit3A_114 = arith.constant 1 : i32
          %select_n3A_115 = arith.select %eq3A_113, %jit3A_114, %jit3A_111 : i32
          %rem3A_116 = arith.remsi %add3A_78, %select_n3A_115 : i32
          %ne3A_117 = arith.constant 0 : i32
          %ne3A_118 = arith.cmpi ne, %rem3A_116, %ne3A_117 : i32
          %lt3A_119 = arith.constant 0 : i32
          %lt3A_120 = arith.cmpi slt, %rem3A_116, %lt3A_119 : i32
          %lt3A_121 = arith.constant 0 : i32
          %lt3A_122 = arith.cmpi slt, %select_n3A_115, %lt3A_121 : i32
          %ne3A_123 = arith.xori %lt3A_120, %lt3A_122 : i1
          %and3A_124 = arith.andi %ne3A_123, %ne3A_118 : i1
          %add3A_125 = arith.addi %rem3A_116, %select_n3A_115 : i32
          %select_n3A_126 = arith.select %and3A_124, %add3A_125, %rem3A_116 : i32
          %mul3A_127 = arith.constant 16 : i32
          %mul3A_128 = arith.muli %select_n3A_126, %mul3A_127 : i32
          %get3A_129 = arith.index_cast %select_n3A_110 : i32 to index
          %get3A_130 = arith.index_cast %mul3A_128 : i32 to index
          %get3A_131 = tpu.vector_load %arg5[%get3A_129, %get3A_130] {strides = array<i32>} : memref<32x128xi32, #tpu.memory_space<vmem>>, vector<16xi32>,
          %cumsum3A = arith.constant true
          %cumsum3A_132 = vector.broadcast %cumsum3A : i1 to vector<16xi1>
          %cumsum3A_133 = tpu.scan <sum>, %get3A_131 masked %cumsum3A_132 : vector<16xi32>, vector<16xi1> -> vector<16xi32>
          %add3A_134 = vector.broadcast %get3A_81 : i32 to vector<16xi32>
          %add3A_135 = arith.addi %add3A_134, %cumsum3A_133 : vector<16xi32>
          %gt3A = arith.constant 0 : i32
          %gt3A_136 = vector.broadcast %gt3A : i32 to vector<16xi32>
          %gt3A_137 = arith.cmpi sgt, %get3A_131, %gt3A_136 : vector<16xi32>
          %le3A = arith.constant 8 : i32
          %le3A_138 = vector.broadcast %le3A : i32 to vector<16xi32>
          %le3A_139 = arith.cmpi sle, %add3A_135, %le3A_138 : vector<16xi32>
          %and3A_140 = arith.andi %gt3A_137, %le3A_139 : vector<16xi1>
          %mul3A_141 = arith.constant 16 : i32
          %mul3A_142 = arith.muli %add3A_78, %mul3A_141 : i32
          %add3A_143 = vector.broadcast %mul3A_142 : i32 to vector<16xi32>
          %add3A_144 = arith.addi %add3A_143, %iota3A : vector<16xi32>
          %add3A_145 = arith.constant 1 : i32
          %add3A_146 = vector.broadcast %add3A_145 : i32 to vector<16xi32>
          %add3A_147 = arith.addi %add3A_144, %add3A_146 : vector<16xi32>
          %min3A = arith.constant 15 : i32
          %min3A_148 = vector.broadcast %min3A : i32 to vector<16xi32>
          %min3A_149 = arith.minsi %add3A_135, %min3A_148 : vector<16xi32>
          tpu.vector_store_idx %arg8[%min3A_149], %add3A_147 masked %and3A_140 : memref<16xi32, #tpu.memory_space<vmem>>[vector<16xi32>], vector<16xi32>, vector<16xi1>
          %reduce_sum3A_150 = arith.constant true
          %reduce_sum3A_151 = vector.broadcast %reduce_sum3A_150 : i1 to vector<16xi1>
          %reduce_sum3A_152 = tpu.scan <sum>, %get3A_131 masked %reduce_sum3A_151 : vector<16xi32>, vector<16xi1> -> vector<16xi32>
          %reduce_sum3A_153 = vector.extract %reduce_sum3A_152[15] : i32 from vector<16xi32>
          %add3A_154 = arith.addi %get3A_81, %reduce_sum3A_153 : i32
          %swap3A_155 = arith.constant 0 : i32
          %swap3A_156 = arith.index_cast %swap3A_155 : i32 to index
          %swap3A_157 = memref.load %arg9[%swap3A_156] : memref<1xi32, #tpu.memory_space<smem>>
          memref.store %add3A_154, %arg9[%swap3A_156] : memref<1xi32, #tpu.memory_space<smem>>
        } else {
        }
      }
      %scan3A_15 = arith.constant 256 : i32
      %get3A = arith.constant 0 : index
      %get3A_16 = tpu.vector_load %arg8[%get3A] {strides = array<i32>} : memref<16xi32, #tpu.memory_space<vmem>>, vector<16xi32>,
      %eq3A_17 = arith.constant 8 : i32
      %eq3A_18 = vector.broadcast %eq3A_17 : i32 to vector<16xi32>
      %eq3A_19 = arith.cmpi eq, %iota3A, %eq3A_18 : vector<16xi32>
      %jit3A_20 = arith.constant 0 : i32
      %broadcast_in_dim3A_21 = vector.broadcast %jit3A_20 : i32 to vector<16xi32>
      %select_n3A_22 = arith.select %eq3A_19, %get3A_16, %broadcast_in_dim3A_21 : vector<16xi1>, vector<16xi32>
      %reduce_sum3A = arith.constant true
      %reduce_sum3A_23 = vector.broadcast %reduce_sum3A : i1 to vector<16xi1>
      %reduce_sum3A_24 = tpu.scan <sum>, %select_n3A_22 masked %reduce_sum3A_23 : vector<16xi32>, vector<16xi1> -> vector<16xi32>
      %reduce_sum3A_25 = vector.extract %reduce_sum3A_24[15] : i32 from vector<16xi32>
      %scan3A_26 = arith.constant 0 : i32
      %scan3A_27 = arith.constant 8 : i32
      %scan3A_28 = arith.addi %scan3A_26, %scan3A_27 : i32
      %scan3A_29 = arith.constant 1 : i32
      scf.for %scan3A_74 = %scan3A_26 to %scan3A_28 step %scan3A_29  : i32 {
        %mul3A_75 = arith.constant 1 : i32
        %mul3A_76 = arith.muli %scan3A_74, %mul3A_75 : i32
        %add3A_77 = arith.constant 0 : i32
        %add3A_78 = arith.addi %add3A_77, %mul3A_76 : i32
        %broadcast_in_dim3A_79 = arith.constant 0.000000e+00 : f32
        %broadcast_in_dim3A_80 = vector.broadcast %broadcast_in_dim3A_79 : f32 to vector<16xf32>
        %swap3A_81 = arith.index_cast %add3A_78 : i32 to index
        %swap3A_82 = arith.constant 0 : index
        %swap3A_83 = tpu.vector_load %arg7[%swap3A_81, %swap3A_82] {strides = array<i32>} : memref<8x512xf32, #tpu.memory_space<vmem>>, vector<16xf32>,
        tpu.vector_store %arg7[%swap3A_81, %swap3A_82], %broadcast_in_dim3A_80 {strides = array<i32>} : memref<8x512xf32, #tpu.memory_space<vmem>>, vector<16xf32>,
        %broadcast_in_dim3A_84 = arith.constant 0.000000e+00 : f32
        %broadcast_in_dim3A_85 = vector.broadcast %broadcast_in_dim3A_84 : f32 to vector<16xf32>
        %swap3A_86 = arith.index_cast %add3A_78 : i32 to index
        %swap3A_87 = arith.constant 16 : index
        %swap3A_88 = tpu.vector_load %arg7[%swap3A_86, %swap3A_87] {strides = array<i32>} : memref<8x512xf32, #tpu.memory_space<vmem>>, vector<16xf32>,
        tpu.vector_store %arg7[%swap3A_86, %swap3A_87], %broadcast_in_dim3A_85 {strides = array<i32>} : memref<8x512xf32, #tpu.memory_space<vmem>>, vector<16xf32>,
        %broadcast_in_dim3A_89 = arith.constant 0.000000e+00 : f32
        %broadcast_in_dim3A_90 = vector.broadcast %broadcast_in_dim3A_89 : f32 to vector<16xf32>
        %swap3A_91 = arith.index_cast %add3A_78 : i32 to index
        %swap3A_92 = arith.constant 32 : index
        %swap3A_93 = tpu.vector_load %arg7[%swap3A_91, %swap3A_92] {strides = array<i32>} : memref<8x512xf32, #tpu.memory_space<vmem>>, vector<16xf32>,
        tpu.vector_store %arg7[%swap3A_91, %swap3A_92], %broadcast_in_dim3A_90 {strides = array<i32>} : memref<8x512xf32, #tpu.memory_space<vmem>>, vector<16xf32>,
        %broadcast_in_dim3A_94 = arith.constant 0.000000e+00 : f32
        %broadcast_in_dim3A_95 = vector.broadcast %broadcast_in_dim3A_94 : f32 to vector<16xf32>
        %swap3A_96 = arith.index_cast %add3A_78 : i32 to index
        %swap3A_97 = arith.constant 48 : index
        %swap3A_98 = tpu.vector_load %arg7[%swap3A_96, %swap3A_97] {strides = array<i32>} : memref<8x512xf32, #tpu.memory_space<vmem>>, vector<16xf32>,
        tpu.vector_store %arg7[%swap3A_96, %swap3A_97], %broadcast_in_dim3A_95 {strides = array<i32>} : memref<8x512xf32, #tpu.memory_space<vmem>>, vector<16xf32>,
        %broadcast_in_dim3A_99 = arith.constant 0.000000e+00 : f32
        %broadcast_in_dim3A_100 = vector.broadcast %broadcast_in_dim3A_99 : f32 to vector<16xf32>
        %swap3A_101 = arith.index_cast %add3A_78 : i32 to index
        %swap3A_102 = arith.constant 64 : index
        %swap3A_103 = tpu.vector_load %arg7[%swap3A_101, %swap3A_102] {strides = array<i32>} : memref<8x512xf32, #tpu.memory_space<vmem>>, vector<16xf32>,
        tpu.vector_store %arg7[%swap3A_101, %swap3A_102], %broadcast_in_dim3A_100 {strides = array<i32>} : memref<8x512xf32, #tpu.memory_space<vmem>>, vector<16xf32>,
        %broadcast_in_dim3A_104 = arith.constant 0.000000e+00 : f32
        %broadcast_in_dim3A_105 = vector.broadcast %broadcast_in_dim3A_104 : f32 to vector<16xf32>
        %swap3A_106 = arith.index_cast %add3A_78 : i32 to index
        %swap3A_107 = arith.constant 80 : index
        %swap3A_108 = tpu.vector_load %arg7[%swap3A_106, %swap3A_107] {strides = array<i32>} : memref<8x512xf32, #tpu.memory_space<vmem>>, vector<16xf32>,
        tpu.vector_store %arg7[%swap3A_106, %swap3A_107], %broadcast_in_dim3A_105 {strides = array<i32>} : memref<8x512xf32, #tpu.memory_space<vmem>>, vector<16xf32>,
        %broadcast_in_dim3A_109 = arith.constant 0.000000e+00 : f32
        %broadcast_in_dim3A_110 = vector.broadcast %broadcast_in_dim3A_109 : f32 to vector<16xf32>
        %swap3A_111 = arith.index_cast %add3A_78 : i32 to index
        %swap3A_112 = arith.constant 96 : index
        %swap3A_113 = tpu.vector_load %arg7[%swap3A_111, %swap3A_112] {strides = array<i32>} : memref<8x512xf32, #tpu.memory_space<vmem>>, vector<16xf32>,
        tpu.vector_store %arg7[%swap3A_111, %swap3A_112], %broadcast_in_dim3A_110 {strides = array<i32>} : memref<8x512xf32, #tpu.memory_space<vmem>>, vector<16xf32>,
        %broadcast_in_dim3A_114 = arith.constant 0.000000e+00 : f32
        %broadcast_in_dim3A_115 = vector.broadcast %broadcast_in_dim3A_114 : f32 to vector<16xf32>
        %swap3A_116 = arith.index_cast %add3A_78 : i32 to index
        %swap3A_117 = arith.constant 112 : index
        %swap3A_118 = tpu.vector_load %arg7[%swap3A_116, %swap3A_117] {strides = array<i32>} : memref<8x512xf32, #tpu.memory_space<vmem>>, vector<16xf32>,
        tpu.vector_store %arg7[%swap3A_116, %swap3A_117], %broadcast_in_dim3A_115 {strides = array<i32>} : memref<8x512xf32, #tpu.memory_space<vmem>>, vector<16xf32>,
        %broadcast_in_dim3A_119 = arith.constant 0.000000e+00 : f32
        %broadcast_in_dim3A_120 = vector.broadcast %broadcast_in_dim3A_119 : f32 to vector<16xf32>
        %swap3A_121 = arith.index_cast %add3A_78 : i32 to index
        %swap3A_122 = arith.constant 128 : index
        %swap3A_123 = tpu.vector_load %arg7[%swap3A_121, %swap3A_122] {strides = array<i32>} : memref<8x512xf32, #tpu.memory_space<vmem>>, vector<16xf32>,
        tpu.vector_store %arg7[%swap3A_121, %swap3A_122], %broadcast_in_dim3A_120 {strides = array<i32>} : memref<8x512xf32, #tpu.memory_space<vmem>>, vector<16xf32>,
        %broadcast_in_dim3A_124 = arith.constant 0.000000e+00 : f32
        %broadcast_in_dim3A_125 = vector.broadcast %broadcast_in_dim3A_124 : f32 to vector<16xf32>
        %swap3A_126 = arith.index_cast %add3A_78 : i32 to index
        %swap3A_127 = arith.constant 144 : index
        %swap3A_128 = tpu.vector_load %arg7[%swap3A_126, %swap3A_127] {strides = array<i32>} : memref<8x512xf32, #tpu.memory_space<vmem>>, vector<16xf32>,
        tpu.vector_store %arg7[%swap3A_126, %swap3A_127], %broadcast_in_dim3A_125 {strides = array<i32>} : memref<8x512xf32, #tpu.memory_space<vmem>>, vector<16xf32>,
        %broadcast_in_dim3A_129 = arith.constant 0.000000e+00 : f32
        %broadcast_in_dim3A_130 = vector.broadcast %broadcast_in_dim3A_129 : f32 to vector<16xf32>
        %swap3A_131 = arith.index_cast %add3A_78 : i32 to index
        %swap3A_132 = arith.constant 160 : index
        %swap3A_133 = tpu.vector_load %arg7[%swap3A_131, %swap3A_132] {strides = array<i32>} : memref<8x512xf32, #tpu.memory_space<vmem>>, vector<16xf32>,
        tpu.vector_store %arg7[%swap3A_131, %swap3A_132], %broadcast_in_dim3A_130 {strides = array<i32>} : memref<8x512xf32, #tpu.memory_space<vmem>>, vector<16xf32>,
        %broadcast_in_dim3A_134 = arith.constant 0.000000e+00 : f32
        %broadcast_in_dim3A_135 = vector.broadcast %broadcast_in_dim3A_134 : f32 to vector<16xf32>
        %swap3A_136 = arith.index_cast %add3A_78 : i32 to index
        %swap3A_137 = arith.constant 176 : index
        %swap3A_138 = tpu.vector_load %arg7[%swap3A_136, %swap3A_137] {strides = array<i32>} : memref<8x512xf32, #tpu.memory_space<vmem>>, vector<16xf32>,
        tpu.vector_store %arg7[%swap3A_136, %swap3A_137], %broadcast_in_dim3A_135 {strides = array<i32>} : memref<8x512xf32, #tpu.memory_space<vmem>>, vector<16xf32>,
        %broadcast_in_dim3A_139 = arith.constant 0.000000e+00 : f32
        %broadcast_in_dim3A_140 = vector.broadcast %broadcast_in_dim3A_139 : f32 to vector<16xf32>
        %swap3A_141 = arith.index_cast %add3A_78 : i32 to index
        %swap3A_142 = arith.constant 192 : index
        %swap3A_143 = tpu.vector_load %arg7[%swap3A_141, %swap3A_142] {strides = array<i32>} : memref<8x512xf32, #tpu.memory_space<vmem>>, vector<16xf32>,
        tpu.vector_store %arg7[%swap3A_141, %swap3A_142], %broadcast_in_dim3A_140 {strides = array<i32>} : memref<8x512xf32, #tpu.memory_space<vmem>>, vector<16xf32>,
        %broadcast_in_dim3A_144 = arith.constant 0.000000e+00 : f32
        %broadcast_in_dim3A_145 = vector.broadcast %broadcast_in_dim3A_144 : f32 to vector<16xf32>
        %swap3A_146 = arith.index_cast %add3A_78 : i32 to index
        %swap3A_147 = arith.constant 208 : index
        %swap3A_148 = tpu.vector_load %arg7[%swap3A_146, %swap3A_147] {strides = array<i32>} : memref<8x512xf32, #tpu.memory_space<vmem>>, vector<16xf32>,
        tpu.vector_store %arg7[%swap3A_146, %swap3A_147], %broadcast_in_dim3A_145 {strides = array<i32>} : memref<8x512xf32, #tpu.memory_space<vmem>>, vector<16xf32>,
        %broadcast_in_dim3A_149 = arith.constant 0.000000e+00 : f32
        %broadcast_in_dim3A_150 = vector.broadcast %broadcast_in_dim3A_149 : f32 to vector<16xf32>
        %swap3A_151 = arith.index_cast %add3A_78 : i32 to index
        %swap3A_152 = arith.constant 224 : index
        %swap3A_153 = tpu.vector_load %arg7[%swap3A_151, %swap3A_152] {strides = array<i32>} : memref<8x512xf32, #tpu.memory_space<vmem>>, vector<16xf32>,
        tpu.vector_store %arg7[%swap3A_151, %swap3A_152], %broadcast_in_dim3A_150 {strides = array<i32>} : memref<8x512xf32, #tpu.memory_space<vmem>>, vector<16xf32>,
        %broadcast_in_dim3A_154 = arith.constant 0.000000e+00 : f32
        %broadcast_in_dim3A_155 = vector.broadcast %broadcast_in_dim3A_154 : f32 to vector<16xf32>
        %swap3A_156 = arith.index_cast %add3A_78 : i32 to index
        %swap3A_157 = arith.constant 240 : index
        %swap3A_158 = tpu.vector_load %arg7[%swap3A_156, %swap3A_157] {strides = array<i32>} : memref<8x512xf32, #tpu.memory_space<vmem>>, vector<16xf32>,
        tpu.vector_store %arg7[%swap3A_156, %swap3A_157], %broadcast_in_dim3A_155 {strides = array<i32>} : memref<8x512xf32, #tpu.memory_space<vmem>>, vector<16xf32>,
        %broadcast_in_dim3A_159 = arith.constant 0.000000e+00 : f32
        %broadcast_in_dim3A_160 = vector.broadcast %broadcast_in_dim3A_159 : f32 to vector<16xf32>
        %swap3A_161 = arith.index_cast %add3A_78 : i32 to index
        %swap3A_162 = arith.constant 256 : index
        %swap3A_163 = tpu.vector_load %arg7[%swap3A_161, %swap3A_162] {strides = array<i32>} : memref<8x512xf32, #tpu.memory_space<vmem>>, vector<16xf32>,
        tpu.vector_store %arg7[%swap3A_161, %swap3A_162], %broadcast_in_dim3A_160 {strides = array<i32>} : memref<8x512xf32, #tpu.memory_space<vmem>>, vector<16xf32>,
        %broadcast_in_dim3A_164 = arith.constant 0.000000e+00 : f32
        %broadcast_in_dim3A_165 = vector.broadcast %broadcast_in_dim3A_164 : f32 to vector<16xf32>
        %swap3A_166 = arith.index_cast %add3A_78 : i32 to index
        %swap3A_167 = arith.constant 272 : index
        %swap3A_168 = tpu.vector_load %arg7[%swap3A_166, %swap3A_167] {strides = array<i32>} : memref<8x512xf32, #tpu.memory_space<vmem>>, vector<16xf32>,
        tpu.vector_store %arg7[%swap3A_166, %swap3A_167], %broadcast_in_dim3A_165 {strides = array<i32>} : memref<8x512xf32, #tpu.memory_space<vmem>>, vector<16xf32>,
        %broadcast_in_dim3A_169 = arith.constant 0.000000e+00 : f32
        %broadcast_in_dim3A_170 = vector.broadcast %broadcast_in_dim3A_169 : f32 to vector<16xf32>
        %swap3A_171 = arith.index_cast %add3A_78 : i32 to index
        %swap3A_172 = arith.constant 288 : index
        %swap3A_173 = tpu.vector_load %arg7[%swap3A_171, %swap3A_172] {strides = array<i32>} : memref<8x512xf32, #tpu.memory_space<vmem>>, vector<16xf32>,
        tpu.vector_store %arg7[%swap3A_171, %swap3A_172], %broadcast_in_dim3A_170 {strides = array<i32>} : memref<8x512xf32, #tpu.memory_space<vmem>>, vector<16xf32>,
        %broadcast_in_dim3A_174 = arith.constant 0.000000e+00 : f32
        %broadcast_in_dim3A_175 = vector.broadcast %broadcast_in_dim3A_174 : f32 to vector<16xf32>
        %swap3A_176 = arith.index_cast %add3A_78 : i32 to index
        %swap3A_177 = arith.constant 304 : index
        %swap3A_178 = tpu.vector_load %arg7[%swap3A_176, %swap3A_177] {strides = array<i32>} : memref<8x512xf32, #tpu.memory_space<vmem>>, vector<16xf32>,
        tpu.vector_store %arg7[%swap3A_176, %swap3A_177], %broadcast_in_dim3A_175 {strides = array<i32>} : memref<8x512xf32, #tpu.memory_space<vmem>>, vector<16xf32>,
        %broadcast_in_dim3A_179 = arith.constant 0.000000e+00 : f32
        %broadcast_in_dim3A_180 = vector.broadcast %broadcast_in_dim3A_179 : f32 to vector<16xf32>
        %swap3A_181 = arith.index_cast %add3A_78 : i32 to index
        %swap3A_182 = arith.constant 320 : index
        %swap3A_183 = tpu.vector_load %arg7[%swap3A_181, %swap3A_182] {strides = array<i32>} : memref<8x512xf32, #tpu.memory_space<vmem>>, vector<16xf32>,
        tpu.vector_store %arg7[%swap3A_181, %swap3A_182], %broadcast_in_dim3A_180 {strides = array<i32>} : memref<8x512xf32, #tpu.memory_space<vmem>>, vector<16xf32>,
        %broadcast_in_dim3A_184 = arith.constant 0.000000e+00 : f32
        %broadcast_in_dim3A_185 = vector.broadcast %broadcast_in_dim3A_184 : f32 to vector<16xf32>
        %swap3A_186 = arith.index_cast %add3A_78 : i32 to index
        %swap3A_187 = arith.constant 336 : index
        %swap3A_188 = tpu.vector_load %arg7[%swap3A_186, %swap3A_187] {strides = array<i32>} : memref<8x512xf32, #tpu.memory_space<vmem>>, vector<16xf32>,
        tpu.vector_store %arg7[%swap3A_186, %swap3A_187], %broadcast_in_dim3A_185 {strides = array<i32>} : memref<8x512xf32, #tpu.memory_space<vmem>>, vector<16xf32>,
        %broadcast_in_dim3A_189 = arith.constant 0.000000e+00 : f32
        %broadcast_in_dim3A_190 = vector.broadcast %broadcast_in_dim3A_189 : f32 to vector<16xf32>
        %swap3A_191 = arith.index_cast %add3A_78 : i32 to index
        %swap3A_192 = arith.constant 352 : index
        %swap3A_193 = tpu.vector_load %arg7[%swap3A_191, %swap3A_192] {strides = array<i32>} : memref<8x512xf32, #tpu.memory_space<vmem>>, vector<16xf32>,
        tpu.vector_store %arg7[%swap3A_191, %swap3A_192], %broadcast_in_dim3A_190 {strides = array<i32>} : memref<8x512xf32, #tpu.memory_space<vmem>>, vector<16xf32>,
        %broadcast_in_dim3A_194 = arith.constant 0.000000e+00 : f32
        %broadcast_in_dim3A_195 = vector.broadcast %broadcast_in_dim3A_194 : f32 to vector<16xf32>
        %swap3A_196 = arith.index_cast %add3A_78 : i32 to index
        %swap3A_197 = arith.constant 368 : index
        %swap3A_198 = tpu.vector_load %arg7[%swap3A_196, %swap3A_197] {strides = array<i32>} : memref<8x512xf32, #tpu.memory_space<vmem>>, vector<16xf32>,
        tpu.vector_store %arg7[%swap3A_196, %swap3A_197], %broadcast_in_dim3A_195 {strides = array<i32>} : memref<8x512xf32, #tpu.memory_space<vmem>>, vector<16xf32>,
        %broadcast_in_dim3A_199 = arith.constant 0.000000e+00 : f32
        %broadcast_in_dim3A_200 = vector.broadcast %broadcast_in_dim3A_199 : f32 to vector<16xf32>
        %swap3A_201 = arith.index_cast %add3A_78 : i32 to index
        %swap3A_202 = arith.constant 384 : index
        %swap3A_203 = tpu.vector_load %arg7[%swap3A_201, %swap3A_202] {strides = array<i32>} : memref<8x512xf32, #tpu.memory_space<vmem>>, vector<16xf32>,
        tpu.vector_store %arg7[%swap3A_201, %swap3A_202], %broadcast_in_dim3A_200 {strides = array<i32>} : memref<8x512xf32, #tpu.memory_space<vmem>>, vector<16xf32>,
        %broadcast_in_dim3A_204 = arith.constant 0.000000e+00 : f32
        %broadcast_in_dim3A_205 = vector.broadcast %broadcast_in_dim3A_204 : f32 to vector<16xf32>
        %swap3A_206 = arith.index_cast %add3A_78 : i32 to index
        %swap3A_207 = arith.constant 400 : index
        %swap3A_208 = tpu.vector_load %arg7[%swap3A_206, %swap3A_207] {strides = array<i32>} : memref<8x512xf32, #tpu.memory_space<vmem>>, vector<16xf32>,
        tpu.vector_store %arg7[%swap3A_206, %swap3A_207], %broadcast_in_dim3A_205 {strides = array<i32>} : memref<8x512xf32, #tpu.memory_space<vmem>>, vector<16xf32>,
        %broadcast_in_dim3A_209 = arith.constant 0.000000e+00 : f32
        %broadcast_in_dim3A_210 = vector.broadcast %broadcast_in_dim3A_209 : f32 to vector<16xf32>
        %swap3A_211 = arith.index_cast %add3A_78 : i32 to index
        %swap3A_212 = arith.constant 416 : index
        %swap3A_213 = tpu.vector_load %arg7[%swap3A_211, %swap3A_212] {strides = array<i32>} : memref<8x512xf32, #tpu.memory_space<vmem>>, vector<16xf32>,
        tpu.vector_store %arg7[%swap3A_211, %swap3A_212], %broadcast_in_dim3A_210 {strides = array<i32>} : memref<8x512xf32, #tpu.memory_space<vmem>>, vector<16xf32>,
        %broadcast_in_dim3A_214 = arith.constant 0.000000e+00 : f32
        %broadcast_in_dim3A_215 = vector.broadcast %broadcast_in_dim3A_214 : f32 to vector<16xf32>
        %swap3A_216 = arith.index_cast %add3A_78 : i32 to index
        %swap3A_217 = arith.constant 432 : index
        %swap3A_218 = tpu.vector_load %arg7[%swap3A_216, %swap3A_217] {strides = array<i32>} : memref<8x512xf32, #tpu.memory_space<vmem>>, vector<16xf32>,
        tpu.vector_store %arg7[%swap3A_216, %swap3A_217], %broadcast_in_dim3A_215 {strides = array<i32>} : memref<8x512xf32, #tpu.memory_space<vmem>>, vector<16xf32>,
        %broadcast_in_dim3A_219 = arith.constant 0.000000e+00 : f32
        %broadcast_in_dim3A_220 = vector.broadcast %broadcast_in_dim3A_219 : f32 to vector<16xf32>
        %swap3A_221 = arith.index_cast %add3A_78 : i32 to index
        %swap3A_222 = arith.constant 448 : index
        %swap3A_223 = tpu.vector_load %arg7[%swap3A_221, %swap3A_222] {strides = array<i32>} : memref<8x512xf32, #tpu.memory_space<vmem>>, vector<16xf32>,
        tpu.vector_store %arg7[%swap3A_221, %swap3A_222], %broadcast_in_dim3A_220 {strides = array<i32>} : memref<8x512xf32, #tpu.memory_space<vmem>>, vector<16xf32>,
        %broadcast_in_dim3A_224 = arith.constant 0.000000e+00 : f32
        %broadcast_in_dim3A_225 = vector.broadcast %broadcast_in_dim3A_224 : f32 to vector<16xf32>
        %swap3A_226 = arith.index_cast %add3A_78 : i32 to index
        %swap3A_227 = arith.constant 464 : index
        %swap3A_228 = tpu.vector_load %arg7[%swap3A_226, %swap3A_227] {strides = array<i32>} : memref<8x512xf32, #tpu.memory_space<vmem>>, vector<16xf32>,
        tpu.vector_store %arg7[%swap3A_226, %swap3A_227], %broadcast_in_dim3A_225 {strides = array<i32>} : memref<8x512xf32, #tpu.memory_space<vmem>>, vector<16xf32>,
        %broadcast_in_dim3A_229 = arith.constant 0.000000e+00 : f32
        %broadcast_in_dim3A_230 = vector.broadcast %broadcast_in_dim3A_229 : f32 to vector<16xf32>
        %swap3A_231 = arith.index_cast %add3A_78 : i32 to index
        %swap3A_232 = arith.constant 480 : index
        %swap3A_233 = tpu.vector_load %arg7[%swap3A_231, %swap3A_232] {strides = array<i32>} : memref<8x512xf32, #tpu.memory_space<vmem>>, vector<16xf32>,
        tpu.vector_store %arg7[%swap3A_231, %swap3A_232], %broadcast_in_dim3A_230 {strides = array<i32>} : memref<8x512xf32, #tpu.memory_space<vmem>>, vector<16xf32>,
        %broadcast_in_dim3A_234 = arith.constant 0.000000e+00 : f32
        %broadcast_in_dim3A_235 = vector.broadcast %broadcast_in_dim3A_234 : f32 to vector<16xf32>
        %swap3A_236 = arith.index_cast %add3A_78 : i32 to index
        %swap3A_237 = arith.constant 496 : index
        %swap3A_238 = tpu.vector_load %arg7[%swap3A_236, %swap3A_237] {strides = array<i32>} : memref<8x512xf32, #tpu.memory_space<vmem>>, vector<16xf32>,
        tpu.vector_store %arg7[%swap3A_236, %swap3A_237], %broadcast_in_dim3A_235 {strides = array<i32>} : memref<8x512xf32, #tpu.memory_space<vmem>>, vector<16xf32>,
      }
      %scan3A_30 = arith.constant 8 : i32
      %add3A_31 = arith.constant 31 : i32
      %add3A_32 = arith.addi %reduce_sum3A_25, %add3A_31 : i32
      %jit3A_33 = arith.constant 32 : i32
      %div3A = arith.divsi %add3A_32, %jit3A_33 : i32
      %sign3A = arith.constant 0 : i32
      %sign3A_34 = arith.cmpi sgt, %add3A_32, %sign3A : i32
      %sign3A_35 = arith.extui %sign3A_34 : i1 to i32
      %sign3A_36 = arith.constant 0 : i32
      %sign3A_37 = arith.cmpi slt, %add3A_32, %sign3A_36 : i32
      %sign3A_38 = arith.extui %sign3A_37 : i1 to i32
      %sign3A_39 = arith.subi %sign3A_35, %sign3A_38 : i32
      %sign3A_40 = arith.constant 0 : i32
      %sign3A_41 = arith.cmpi sgt, %jit3A_33, %sign3A_40 : i32
      %sign3A_42 = arith.extui %sign3A_41 : i1 to i32
      %sign3A_43 = arith.constant 0 : i32
      %sign3A_44 = arith.cmpi slt, %jit3A_33, %sign3A_43 : i32
      %sign3A_45 = arith.extui %sign3A_44 : i1 to i32
      %sign3A_46 = arith.subi %sign3A_42, %sign3A_45 : i32
      %ne3A = arith.cmpi ne, %sign3A_39, %sign3A_46 : i32
      %rem3A = arith.remsi %add3A_32, %jit3A_33 : i32
      %ne3A_47 = arith.constant 0 : i32
      %ne3A_48 = arith.cmpi ne, %rem3A, %ne3A_47 : i32
      %and3A = arith.andi %ne3A, %ne3A_48 : i1
      %sub3A = arith.constant 1 : i32
      %sub3A_49 = arith.subi %div3A, %sub3A : i32
      %select_n3A_50 = arith.select %and3A, %sub3A_49, %div3A : i32
      %sub3A_51 = arith.constant 0 : i32
      %sub3A_52 = arith.subi %select_n3A_50, %sub3A_51 : i32
      %sub3A_53 = arith.constant 1 : i32
      %sub3A_54 = arith.constant 1 : i32
      %sub3A_55 = arith.subi %sub3A_53, %sub3A_54 : i32
      %add3A_56 = arith.addi %sub3A_52, %sub3A_55 : i32
      %div3A_57 = arith.constant 1 : i32
      %div3A_58 = arith.divsi %add3A_56, %div3A_57 : i32
      %while3A = arith.constant 1 : i32
      %while3A_59 = arith.constant 0 : i32
      %while3A_60 = arith.constant 0 : i32
      %while3A_61 = arith.subi %div3A_58, %while3A_60 : i32
      %while3A_62 = arith.addi %while3A_60, %while3A_61 : i32
      %while3A_63 = arith.constant 1 : i32
      %while3A_64 = arith.divsi %while3A_61, %while3A_63 : i32
      %while3A_65 = arith.muli %while3A_64, %while3A_63 : i32
      %while3A_66 = arith.addi %while3A_60, %while3A_65 : i32
      %while3A_67 = arith.constant 1 : i32
      scf.for %while3A_74 = %while3A_60 to %while3A_66 step %while3A_67  : i32 {
        %mul3A_75 = arith.muli %while3A_74, %while3A : i32
        %add3A_76 = arith.addi %while3A_59, %mul3A_75 : i32
        %mul3A_77 = arith.constant 32 : i32
        %mul3A_78 = arith.muli %add3A_76, %mul3A_77 : i32
        "tpu.region"() ({
          %run_scoped3A = tpu.sem_alloc : memref<!tpu.dma_semaphore, #tpu.memory_space<semaphore_mem>>
          %dma_start3A = arith.constant 0 : i32
          %dma_start3A_84 = tpu.memref_slice %arg2[%add3A, %mul3A_78, %dma_start3A] : memref<16x4096x512xf32, #tpu.memory_space<hbm>> -> memref<1x32x512xf32, #tpu.memory_space<hbm>>
          %dma_start3A_85 = tpu.memref_squeeze %dma_start3A_84 : memref<1x32x512xf32, #tpu.memory_space<hbm>> -> memref<32x512xf32, #tpu.memory_space<hbm>>
          %dma_start3A_86 = arith.constant 0 : i32
          %dma_start3A_87 = tpu.memref_slice %arg2[%add3A, %mul3A_78, %dma_start3A_86] : memref<16x4096x512xf32, #tpu.memory_space<hbm>> -> memref<1x32x512xf32, #tpu.memory_space<hbm>>
          %dma_start3A_88 = tpu.memref_squeeze %dma_start3A_87 : memref<1x32x512xf32, #tpu.memory_space<hbm>> -> memref<32x512xf32, #tpu.memory_space<hbm>>
          tpu.enqueue_dma source(%dma_start3A_88 : memref<32x512xf32, #tpu.memory_space<hbm>>) target(%arg6 : memref<32x512xf32, #tpu.memory_space<vmem>>) target_semaphore(%run_scoped3A : memref<!tpu.dma_semaphore, #tpu.memory_space<semaphore_mem>>)
          %dma_wait3A = arith.constant 0 : i32
          %dma_wait3A_89 = tpu.memref_slice %arg2[%add3A, %mul3A_78, %dma_wait3A] : memref<16x4096x512xf32, #tpu.memory_space<hbm>> -> memref<1x32x512xf32, #tpu.memory_space<hbm>>
          %dma_wait3A_90 = tpu.memref_squeeze %dma_wait3A_89 : memref<1x32x512xf32, #tpu.memory_space<hbm>> -> memref<32x512xf32, #tpu.memory_space<hbm>>
          %dma_wait3A_91 = arith.constant 0 : i32
          %dma_wait3A_92 = tpu.memref_slice %arg2[%add3A, %mul3A_78, %dma_wait3A_91] : memref<16x4096x512xf32, #tpu.memory_space<hbm>> -> memref<1x32x512xf32, #tpu.memory_space<hbm>>
          %dma_wait3A_93 = tpu.memref_squeeze %dma_wait3A_92 : memref<1x32x512xf32, #tpu.memory_space<hbm>> -> memref<32x512xf32, #tpu.memory_space<hbm>>
          tpu.wait_dma2 semaphore(%run_scoped3A : memref<!tpu.dma_semaphore, #tpu.memory_space<semaphore_mem>>) src(%dma_wait3A_93 : memref<32x512xf32, #tpu.memory_space<hbm>>) dst(%arg6 : memref<32x512xf32, #tpu.memory_space<vmem>>)
          tpu.yield
        }) : () -> ()
        %scan3A_79 = arith.constant 0 : i32
        %scan3A_80 = arith.constant 8 : i32
        %scan3A_81 = arith.addi %scan3A_79, %scan3A_80 : i32
        %scan3A_82 = arith.constant 1 : i32
        scf.for %scan3A_84 = %scan3A_79 to %scan3A_81 step %scan3A_82  : i32 {
          %mul3A_85 = arith.constant 1 : i32
          %mul3A_86 = arith.muli %scan3A_84, %mul3A_85 : i32
          %add3A_87 = arith.constant 0 : i32
          %add3A_88 = arith.addi %add3A_87, %mul3A_86 : i32
          %eq3A_89 = vector.broadcast %add3A_88 : i32 to vector<16xi32>
          %eq3A_90 = arith.cmpi eq, %iota3A, %eq3A_89 : vector<16xi32>
          %jit3A_91 = arith.constant 0 : i32
          %broadcast_in_dim3A_92 = vector.broadcast %jit3A_91 : i32 to vector<16xi32>
          %select_n3A_93 = arith.select %eq3A_90, %get3A_16, %broadcast_in_dim3A_92 : vector<16xi1>, vector<16xi32>
          %reduce_sum3A_94 = arith.constant true
          %reduce_sum3A_95 = vector.broadcast %reduce_sum3A_94 : i1 to vector<16xi1>
          %reduce_sum3A_96 = tpu.scan <sum>, %select_n3A_93 masked %reduce_sum3A_95 : vector<16xi32>, vector<16xi1> -> vector<16xi32>
          %reduce_sum3A_97 = vector.extract %reduce_sum3A_96[15] : i32 from vector<16xi32>
          %max3A = arith.maxsi %reduce_sum3A_97, %mul3A_78 : i32
          %add3A_98 = arith.constant 1 : i32
          %add3A_99 = arith.addi %add3A_88, %add3A_98 : i32
          %eq3A_100 = vector.broadcast %add3A_99 : i32 to vector<16xi32>
          %eq3A_101 = arith.cmpi eq, %iota3A, %eq3A_100 : vector<16xi32>
          %jit3A_102 = arith.constant 0 : i32
          %broadcast_in_dim3A_103 = vector.broadcast %jit3A_102 : i32 to vector<16xi32>
          %select_n3A_104 = arith.select %eq3A_101, %get3A_16, %broadcast_in_dim3A_103 : vector<16xi1>, vector<16xi32>
          %reduce_sum3A_105 = arith.constant true
          %reduce_sum3A_106 = vector.broadcast %reduce_sum3A_105 : i1 to vector<16xi1>
          %reduce_sum3A_107 = tpu.scan <sum>, %select_n3A_104 masked %reduce_sum3A_106 : vector<16xi32>, vector<16xi1> -> vector<16xi32>
          %reduce_sum3A_108 = vector.extract %reduce_sum3A_107[15] : i32 from vector<16xi32>
          %add3A_109 = arith.constant 32 : i32
          %add3A_110 = arith.addi %mul3A_78, %add3A_109 : i32
          %min3A = arith.minsi %reduce_sum3A_108, %add3A_110 : i32
          %sub3A_111 = arith.subi %min3A, %max3A : i32
          %sub3A_112 = arith.constant 1 : i32
          %sub3A_113 = arith.constant 1 : i32
          %sub3A_114 = arith.subi %sub3A_112, %sub3A_113 : i32
          %add3A_115 = arith.addi %sub3A_111, %sub3A_114 : i32
          %div3A_116 = arith.constant 1 : i32
          %div3A_117 = arith.divsi %add3A_115, %div3A_116 : i32
          %while3A_118 = arith.constant 1 : i32
          %while3A_119 = arith.constant 0 : i32
          %while3A_120 = arith.subi %div3A_117, %while3A_119 : i32
          %while3A_121 = arith.addi %while3A_119, %while3A_120 : i32
          %while3A_122 = arith.constant 1 : i32
          %while3A_123 = arith.divsi %while3A_120, %while3A_122 : i32
          %while3A_124 = arith.muli %while3A_123, %while3A_122 : i32
          %while3A_125 = arith.addi %while3A_119, %while3A_124 : i32
          %while3A_126 = arith.constant 1 : i32
          scf.for %while3A_128 = %while3A_119 to %while3A_125 step %while3A_126  : i32 {
            %mul3A_129 = arith.muli %while3A_128, %while3A_118 : i32
            %add3A_130 = arith.addi %max3A, %mul3A_129 : i32
            %get3A_131 = arith.index_cast %add3A_88 : i32 to index
            %get3A_132 = arith.constant 0 : index
            %get3A_133 = tpu.vector_load %arg7[%get3A_131, %get3A_132] {strides = array<i32>} : memref<8x512xf32, #tpu.memory_space<vmem>>, vector<16xf32>,
            %sub3A_134 = arith.subi %add3A_130, %mul3A_78 : i32
            %get3A_135 = arith.index_cast %sub3A_134 : i32 to index
            %get3A_136 = arith.constant 0 : index
            %get3A_137 = tpu.vector_load %arg6[%get3A_135, %get3A_136] {strides = array<i32>} : memref<32x512xf32, #tpu.memory_space<vmem>>, vector<16xf32>,
            %add3A_138 = arith.addf %get3A_133, %get3A_137 : vector<16xf32>
            %swap3A_139 = arith.index_cast %add3A_88 : i32 to index
            %swap3A_140 = arith.constant 0 : index
            %swap3A_141 = tpu.vector_load %arg7[%swap3A_139, %swap3A_140] {strides = array<i32>} : memref<8x512xf32, #tpu.memory_space<vmem>>, vector<16xf32>,
            tpu.vector_store %arg7[%swap3A_139, %swap3A_140], %add3A_138 {strides = array<i32>} : memref<8x512xf32, #tpu.memory_space<vmem>>, vector<16xf32>,
            %get3A_142 = arith.index_cast %add3A_88 : i32 to index
            %get3A_143 = arith.constant 16 : index
            %get3A_144 = tpu.vector_load %arg7[%get3A_142, %get3A_143] {strides = array<i32>} : memref<8x512xf32, #tpu.memory_space<vmem>>, vector<16xf32>,
            %sub3A_145 = arith.subi %add3A_130, %mul3A_78 : i32
            %get3A_146 = arith.index_cast %sub3A_145 : i32 to index
            %get3A_147 = arith.constant 16 : index
            %get3A_148 = tpu.vector_load %arg6[%get3A_146, %get3A_147] {strides = array<i32>} : memref<32x512xf32, #tpu.memory_space<vmem>>, vector<16xf32>,
            %add3A_149 = arith.addf %get3A_144, %get3A_148 : vector<16xf32>
            %swap3A_150 = arith.index_cast %add3A_88 : i32 to index
            %swap3A_151 = arith.constant 16 : index
            %swap3A_152 = tpu.vector_load %arg7[%swap3A_150, %swap3A_151] {strides = array<i32>} : memref<8x512xf32, #tpu.memory_space<vmem>>, vector<16xf32>,
            tpu.vector_store %arg7[%swap3A_150, %swap3A_151], %add3A_149 {strides = array<i32>} : memref<8x512xf32, #tpu.memory_space<vmem>>, vector<16xf32>,
            %get3A_153 = arith.index_cast %add3A_88 : i32 to index
            %get3A_154 = arith.constant 32 : index
            %get3A_155 = tpu.vector_load %arg7[%get3A_153, %get3A_154] {strides = array<i32>} : memref<8x512xf32, #tpu.memory_space<vmem>>, vector<16xf32>,
            %sub3A_156 = arith.subi %add3A_130, %mul3A_78 : i32
            %get3A_157 = arith.index_cast %sub3A_156 : i32 to index
            %get3A_158 = arith.constant 32 : index
            %get3A_159 = tpu.vector_load %arg6[%get3A_157, %get3A_158] {strides = array<i32>} : memref<32x512xf32, #tpu.memory_space<vmem>>, vector<16xf32>,
            %add3A_160 = arith.addf %get3A_155, %get3A_159 : vector<16xf32>
            %swap3A_161 = arith.index_cast %add3A_88 : i32 to index
            %swap3A_162 = arith.constant 32 : index
            %swap3A_163 = tpu.vector_load %arg7[%swap3A_161, %swap3A_162] {strides = array<i32>} : memref<8x512xf32, #tpu.memory_space<vmem>>, vector<16xf32>,
            tpu.vector_store %arg7[%swap3A_161, %swap3A_162], %add3A_160 {strides = array<i32>} : memref<8x512xf32, #tpu.memory_space<vmem>>, vector<16xf32>,
            %get3A_164 = arith.index_cast %add3A_88 : i32 to index
            %get3A_165 = arith.constant 48 : index
            %get3A_166 = tpu.vector_load %arg7[%get3A_164, %get3A_165] {strides = array<i32>} : memref<8x512xf32, #tpu.memory_space<vmem>>, vector<16xf32>,
            %sub3A_167 = arith.subi %add3A_130, %mul3A_78 : i32
            %get3A_168 = arith.index_cast %sub3A_167 : i32 to index
            %get3A_169 = arith.constant 48 : index
            %get3A_170 = tpu.vector_load %arg6[%get3A_168, %get3A_169] {strides = array<i32>} : memref<32x512xf32, #tpu.memory_space<vmem>>, vector<16xf32>,
            %add3A_171 = arith.addf %get3A_166, %get3A_170 : vector<16xf32>
            %swap3A_172 = arith.index_cast %add3A_88 : i32 to index
            %swap3A_173 = arith.constant 48 : index
            %swap3A_174 = tpu.vector_load %arg7[%swap3A_172, %swap3A_173] {strides = array<i32>} : memref<8x512xf32, #tpu.memory_space<vmem>>, vector<16xf32>,
            tpu.vector_store %arg7[%swap3A_172, %swap3A_173], %add3A_171 {strides = array<i32>} : memref<8x512xf32, #tpu.memory_space<vmem>>, vector<16xf32>,
            %get3A_175 = arith.index_cast %add3A_88 : i32 to index
            %get3A_176 = arith.constant 64 : index
            %get3A_177 = tpu.vector_load %arg7[%get3A_175, %get3A_176] {strides = array<i32>} : memref<8x512xf32, #tpu.memory_space<vmem>>, vector<16xf32>,
            %sub3A_178 = arith.subi %add3A_130, %mul3A_78 : i32
            %get3A_179 = arith.index_cast %sub3A_178 : i32 to index
            %get3A_180 = arith.constant 64 : index
            %get3A_181 = tpu.vector_load %arg6[%get3A_179, %get3A_180] {strides = array<i32>} : memref<32x512xf32, #tpu.memory_space<vmem>>, vector<16xf32>,
            %add3A_182 = arith.addf %get3A_177, %get3A_181 : vector<16xf32>
            %swap3A_183 = arith.index_cast %add3A_88 : i32 to index
            %swap3A_184 = arith.constant 64 : index
            %swap3A_185 = tpu.vector_load %arg7[%swap3A_183, %swap3A_184] {strides = array<i32>} : memref<8x512xf32, #tpu.memory_space<vmem>>, vector<16xf32>,
            tpu.vector_store %arg7[%swap3A_183, %swap3A_184], %add3A_182 {strides = array<i32>} : memref<8x512xf32, #tpu.memory_space<vmem>>, vector<16xf32>,
            %get3A_186 = arith.index_cast %add3A_88 : i32 to index
            %get3A_187 = arith.constant 80 : index
            %get3A_188 = tpu.vector_load %arg7[%get3A_186, %get3A_187] {strides = array<i32>} : memref<8x512xf32, #tpu.memory_space<vmem>>, vector<16xf32>,
            %sub3A_189 = arith.subi %add3A_130, %mul3A_78 : i32
            %get3A_190 = arith.index_cast %sub3A_189 : i32 to index
            %get3A_191 = arith.constant 80 : index
            %get3A_192 = tpu.vector_load %arg6[%get3A_190, %get3A_191] {strides = array<i32>} : memref<32x512xf32, #tpu.memory_space<vmem>>, vector<16xf32>,
            %add3A_193 = arith.addf %get3A_188, %get3A_192 : vector<16xf32>
            %swap3A_194 = arith.index_cast %add3A_88 : i32 to index
            %swap3A_195 = arith.constant 80 : index
            %swap3A_196 = tpu.vector_load %arg7[%swap3A_194, %swap3A_195] {strides = array<i32>} : memref<8x512xf32, #tpu.memory_space<vmem>>, vector<16xf32>,
            tpu.vector_store %arg7[%swap3A_194, %swap3A_195], %add3A_193 {strides = array<i32>} : memref<8x512xf32, #tpu.memory_space<vmem>>, vector<16xf32>,
            %get3A_197 = arith.index_cast %add3A_88 : i32 to index
            %get3A_198 = arith.constant 96 : index
            %get3A_199 = tpu.vector_load %arg7[%get3A_197, %get3A_198] {strides = array<i32>} : memref<8x512xf32, #tpu.memory_space<vmem>>, vector<16xf32>,
            %sub3A_200 = arith.subi %add3A_130, %mul3A_78 : i32
            %get3A_201 = arith.index_cast %sub3A_200 : i32 to index
            %get3A_202 = arith.constant 96 : index
            %get3A_203 = tpu.vector_load %arg6[%get3A_201, %get3A_202] {strides = array<i32>} : memref<32x512xf32, #tpu.memory_space<vmem>>, vector<16xf32>,
            %add3A_204 = arith.addf %get3A_199, %get3A_203 : vector<16xf32>
            %swap3A_205 = arith.index_cast %add3A_88 : i32 to index
            %swap3A_206 = arith.constant 96 : index
            %swap3A_207 = tpu.vector_load %arg7[%swap3A_205, %swap3A_206] {strides = array<i32>} : memref<8x512xf32, #tpu.memory_space<vmem>>, vector<16xf32>,
            tpu.vector_store %arg7[%swap3A_205, %swap3A_206], %add3A_204 {strides = array<i32>} : memref<8x512xf32, #tpu.memory_space<vmem>>, vector<16xf32>,
            %get3A_208 = arith.index_cast %add3A_88 : i32 to index
            %get3A_209 = arith.constant 112 : index
            %get3A_210 = tpu.vector_load %arg7[%get3A_208, %get3A_209] {strides = array<i32>} : memref<8x512xf32, #tpu.memory_space<vmem>>, vector<16xf32>,
            %sub3A_211 = arith.subi %add3A_130, %mul3A_78 : i32
            %get3A_212 = arith.index_cast %sub3A_211 : i32 to index
            %get3A_213 = arith.constant 112 : index
            %get3A_214 = tpu.vector_load %arg6[%get3A_212, %get3A_213] {strides = array<i32>} : memref<32x512xf32, #tpu.memory_space<vmem>>, vector<16xf32>,
            %add3A_215 = arith.addf %get3A_210, %get3A_214 : vector<16xf32>
            %swap3A_216 = arith.index_cast %add3A_88 : i32 to index
            %swap3A_217 = arith.constant 112 : index
            %swap3A_218 = tpu.vector_load %arg7[%swap3A_216, %swap3A_217] {strides = array<i32>} : memref<8x512xf32, #tpu.memory_space<vmem>>, vector<16xf32>,
            tpu.vector_store %arg7[%swap3A_216, %swap3A_217], %add3A_215 {strides = array<i32>} : memref<8x512xf32, #tpu.memory_space<vmem>>, vector<16xf32>,
            %get3A_219 = arith.index_cast %add3A_88 : i32 to index
            %get3A_220 = arith.constant 128 : index
            %get3A_221 = tpu.vector_load %arg7[%get3A_219, %get3A_220] {strides = array<i32>} : memref<8x512xf32, #tpu.memory_space<vmem>>, vector<16xf32>,
            %sub3A_222 = arith.subi %add3A_130, %mul3A_78 : i32
            %get3A_223 = arith.index_cast %sub3A_222 : i32 to index
            %get3A_224 = arith.constant 128 : index
            %get3A_225 = tpu.vector_load %arg6[%get3A_223, %get3A_224] {strides = array<i32>} : memref<32x512xf32, #tpu.memory_space<vmem>>, vector<16xf32>,
            %add3A_226 = arith.addf %get3A_221, %get3A_225 : vector<16xf32>
            %swap3A_227 = arith.index_cast %add3A_88 : i32 to index
            %swap3A_228 = arith.constant 128 : index
            %swap3A_229 = tpu.vector_load %arg7[%swap3A_227, %swap3A_228] {strides = array<i32>} : memref<8x512xf32, #tpu.memory_space<vmem>>, vector<16xf32>,
            tpu.vector_store %arg7[%swap3A_227, %swap3A_228], %add3A_226 {strides = array<i32>} : memref<8x512xf32, #tpu.memory_space<vmem>>, vector<16xf32>,
            %get3A_230 = arith.index_cast %add3A_88 : i32 to index
            %get3A_231 = arith.constant 144 : index
            %get3A_232 = tpu.vector_load %arg7[%get3A_230, %get3A_231] {strides = array<i32>} : memref<8x512xf32, #tpu.memory_space<vmem>>, vector<16xf32>,
            %sub3A_233 = arith.subi %add3A_130, %mul3A_78 : i32
            %get3A_234 = arith.index_cast %sub3A_233 : i32 to index
            %get3A_235 = arith.constant 144 : index
            %get3A_236 = tpu.vector_load %arg6[%get3A_234, %get3A_235] {strides = array<i32>} : memref<32x512xf32, #tpu.memory_space<vmem>>, vector<16xf32>,
            %add3A_237 = arith.addf %get3A_232, %get3A_236 : vector<16xf32>
            %swap3A_238 = arith.index_cast %add3A_88 : i32 to index
            %swap3A_239 = arith.constant 144 : index
            %swap3A_240 = tpu.vector_load %arg7[%swap3A_238, %swap3A_239] {strides = array<i32>} : memref<8x512xf32, #tpu.memory_space<vmem>>, vector<16xf32>,
            tpu.vector_store %arg7[%swap3A_238, %swap3A_239], %add3A_237 {strides = array<i32>} : memref<8x512xf32, #tpu.memory_space<vmem>>, vector<16xf32>,
            %get3A_241 = arith.index_cast %add3A_88 : i32 to index
            %get3A_242 = arith.constant 160 : index
            %get3A_243 = tpu.vector_load %arg7[%get3A_241, %get3A_242] {strides = array<i32>} : memref<8x512xf32, #tpu.memory_space<vmem>>, vector<16xf32>,
            %sub3A_244 = arith.subi %add3A_130, %mul3A_78 : i32
            %get3A_245 = arith.index_cast %sub3A_244 : i32 to index
            %get3A_246 = arith.constant 160 : index
            %get3A_247 = tpu.vector_load %arg6[%get3A_245, %get3A_246] {strides = array<i32>} : memref<32x512xf32, #tpu.memory_space<vmem>>, vector<16xf32>,
            %add3A_248 = arith.addf %get3A_243, %get3A_247 : vector<16xf32>
            %swap3A_249 = arith.index_cast %add3A_88 : i32 to index
            %swap3A_250 = arith.constant 160 : index
            %swap3A_251 = tpu.vector_load %arg7[%swap3A_249, %swap3A_250] {strides = array<i32>} : memref<8x512xf32, #tpu.memory_space<vmem>>, vector<16xf32>,
            tpu.vector_store %arg7[%swap3A_249, %swap3A_250], %add3A_248 {strides = array<i32>} : memref<8x512xf32, #tpu.memory_space<vmem>>, vector<16xf32>,
            %get3A_252 = arith.index_cast %add3A_88 : i32 to index
            %get3A_253 = arith.constant 176 : index
            %get3A_254 = tpu.vector_load %arg7[%get3A_252, %get3A_253] {strides = array<i32>} : memref<8x512xf32, #tpu.memory_space<vmem>>, vector<16xf32>,
            %sub3A_255 = arith.subi %add3A_130, %mul3A_78 : i32
            %get3A_256 = arith.index_cast %sub3A_255 : i32 to index
            %get3A_257 = arith.constant 176 : index
            %get3A_258 = tpu.vector_load %arg6[%get3A_256, %get3A_257] {strides = array<i32>} : memref<32x512xf32, #tpu.memory_space<vmem>>, vector<16xf32>,
            %add3A_259 = arith.addf %get3A_254, %get3A_258 : vector<16xf32>
            %swap3A_260 = arith.index_cast %add3A_88 : i32 to index
            %swap3A_261 = arith.constant 176 : index
            %swap3A_262 = tpu.vector_load %arg7[%swap3A_260, %swap3A_261] {strides = array<i32>} : memref<8x512xf32, #tpu.memory_space<vmem>>, vector<16xf32>,
            tpu.vector_store %arg7[%swap3A_260, %swap3A_261], %add3A_259 {strides = array<i32>} : memref<8x512xf32, #tpu.memory_space<vmem>>, vector<16xf32>,
            %get3A_263 = arith.index_cast %add3A_88 : i32 to index
            %get3A_264 = arith.constant 192 : index
            %get3A_265 = tpu.vector_load %arg7[%get3A_263, %get3A_264] {strides = array<i32>} : memref<8x512xf32, #tpu.memory_space<vmem>>, vector<16xf32>,
            %sub3A_266 = arith.subi %add3A_130, %mul3A_78 : i32
            %get3A_267 = arith.index_cast %sub3A_266 : i32 to index
            %get3A_268 = arith.constant 192 : index
            %get3A_269 = tpu.vector_load %arg6[%get3A_267, %get3A_268] {strides = array<i32>} : memref<32x512xf32, #tpu.memory_space<vmem>>, vector<16xf32>,
            %add3A_270 = arith.addf %get3A_265, %get3A_269 : vector<16xf32>
            %swap3A_271 = arith.index_cast %add3A_88 : i32 to index
            %swap3A_272 = arith.constant 192 : index
            %swap3A_273 = tpu.vector_load %arg7[%swap3A_271, %swap3A_272] {strides = array<i32>} : memref<8x512xf32, #tpu.memory_space<vmem>>, vector<16xf32>,
            tpu.vector_store %arg7[%swap3A_271, %swap3A_272], %add3A_270 {strides = array<i32>} : memref<8x512xf32, #tpu.memory_space<vmem>>, vector<16xf32>,
            %get3A_274 = arith.index_cast %add3A_88 : i32 to index
            %get3A_275 = arith.constant 208 : index
            %get3A_276 = tpu.vector_load %arg7[%get3A_274, %get3A_275] {strides = array<i32>} : memref<8x512xf32, #tpu.memory_space<vmem>>, vector<16xf32>,
            %sub3A_277 = arith.subi %add3A_130, %mul3A_78 : i32
            %get3A_278 = arith.index_cast %sub3A_277 : i32 to index
            %get3A_279 = arith.constant 208 : index
            %get3A_280 = tpu.vector_load %arg6[%get3A_278, %get3A_279] {strides = array<i32>} : memref<32x512xf32, #tpu.memory_space<vmem>>, vector<16xf32>,
            %add3A_281 = arith.addf %get3A_276, %get3A_280 : vector<16xf32>
            %swap3A_282 = arith.index_cast %add3A_88 : i32 to index
            %swap3A_283 = arith.constant 208 : index
            %swap3A_284 = tpu.vector_load %arg7[%swap3A_282, %swap3A_283] {strides = array<i32>} : memref<8x512xf32, #tpu.memory_space<vmem>>, vector<16xf32>,
            tpu.vector_store %arg7[%swap3A_282, %swap3A_283], %add3A_281 {strides = array<i32>} : memref<8x512xf32, #tpu.memory_space<vmem>>, vector<16xf32>,
            %get3A_285 = arith.index_cast %add3A_88 : i32 to index
            %get3A_286 = arith.constant 224 : index
            %get3A_287 = tpu.vector_load %arg7[%get3A_285, %get3A_286] {strides = array<i32>} : memref<8x512xf32, #tpu.memory_space<vmem>>, vector<16xf32>,
            %sub3A_288 = arith.subi %add3A_130, %mul3A_78 : i32
            %get3A_289 = arith.index_cast %sub3A_288 : i32 to index
            %get3A_290 = arith.constant 224 : index
            %get3A_291 = tpu.vector_load %arg6[%get3A_289, %get3A_290] {strides = array<i32>} : memref<32x512xf32, #tpu.memory_space<vmem>>, vector<16xf32>,
            %add3A_292 = arith.addf %get3A_287, %get3A_291 : vector<16xf32>
            %swap3A_293 = arith.index_cast %add3A_88 : i32 to index
            %swap3A_294 = arith.constant 224 : index
            %swap3A_295 = tpu.vector_load %arg7[%swap3A_293, %swap3A_294] {strides = array<i32>} : memref<8x512xf32, #tpu.memory_space<vmem>>, vector<16xf32>,
            tpu.vector_store %arg7[%swap3A_293, %swap3A_294], %add3A_292 {strides = array<i32>} : memref<8x512xf32, #tpu.memory_space<vmem>>, vector<16xf32>,
            %get3A_296 = arith.index_cast %add3A_88 : i32 to index
            %get3A_297 = arith.constant 240 : index
            %get3A_298 = tpu.vector_load %arg7[%get3A_296, %get3A_297] {strides = array<i32>} : memref<8x512xf32, #tpu.memory_space<vmem>>, vector<16xf32>,
            %sub3A_299 = arith.subi %add3A_130, %mul3A_78 : i32
            %get3A_300 = arith.index_cast %sub3A_299 : i32 to index
            %get3A_301 = arith.constant 240 : index
            %get3A_302 = tpu.vector_load %arg6[%get3A_300, %get3A_301] {strides = array<i32>} : memref<32x512xf32, #tpu.memory_space<vmem>>, vector<16xf32>,
            %add3A_303 = arith.addf %get3A_298, %get3A_302 : vector<16xf32>
            %swap3A_304 = arith.index_cast %add3A_88 : i32 to index
            %swap3A_305 = arith.constant 240 : index
            %swap3A_306 = tpu.vector_load %arg7[%swap3A_304, %swap3A_305] {strides = array<i32>} : memref<8x512xf32, #tpu.memory_space<vmem>>, vector<16xf32>,
            tpu.vector_store %arg7[%swap3A_304, %swap3A_305], %add3A_303 {strides = array<i32>} : memref<8x512xf32, #tpu.memory_space<vmem>>, vector<16xf32>,
            %get3A_307 = arith.index_cast %add3A_88 : i32 to index
            %get3A_308 = arith.constant 256 : index
            %get3A_309 = tpu.vector_load %arg7[%get3A_307, %get3A_308] {strides = array<i32>} : memref<8x512xf32, #tpu.memory_space<vmem>>, vector<16xf32>,
            %sub3A_310 = arith.subi %add3A_130, %mul3A_78 : i32
            %get3A_311 = arith.index_cast %sub3A_310 : i32 to index
            %get3A_312 = arith.constant 256 : index
            %get3A_313 = tpu.vector_load %arg6[%get3A_311, %get3A_312] {strides = array<i32>} : memref<32x512xf32, #tpu.memory_space<vmem>>, vector<16xf32>,
            %add3A_314 = arith.addf %get3A_309, %get3A_313 : vector<16xf32>
            %swap3A_315 = arith.index_cast %add3A_88 : i32 to index
            %swap3A_316 = arith.constant 256 : index
            %swap3A_317 = tpu.vector_load %arg7[%swap3A_315, %swap3A_316] {strides = array<i32>} : memref<8x512xf32, #tpu.memory_space<vmem>>, vector<16xf32>,
            tpu.vector_store %arg7[%swap3A_315, %swap3A_316], %add3A_314 {strides = array<i32>} : memref<8x512xf32, #tpu.memory_space<vmem>>, vector<16xf32>,
            %get3A_318 = arith.index_cast %add3A_88 : i32 to index
            %get3A_319 = arith.constant 272 : index
            %get3A_320 = tpu.vector_load %arg7[%get3A_318, %get3A_319] {strides = array<i32>} : memref<8x512xf32, #tpu.memory_space<vmem>>, vector<16xf32>,
            %sub3A_321 = arith.subi %add3A_130, %mul3A_78 : i32
            %get3A_322 = arith.index_cast %sub3A_321 : i32 to index
            %get3A_323 = arith.constant 272 : index
            %get3A_324 = tpu.vector_load %arg6[%get3A_322, %get3A_323] {strides = array<i32>} : memref<32x512xf32, #tpu.memory_space<vmem>>, vector<16xf32>,
            %add3A_325 = arith.addf %get3A_320, %get3A_324 : vector<16xf32>
            %swap3A_326 = arith.index_cast %add3A_88 : i32 to index
            %swap3A_327 = arith.constant 272 : index
            %swap3A_328 = tpu.vector_load %arg7[%swap3A_326, %swap3A_327] {strides = array<i32>} : memref<8x512xf32, #tpu.memory_space<vmem>>, vector<16xf32>,
            tpu.vector_store %arg7[%swap3A_326, %swap3A_327], %add3A_325 {strides = array<i32>} : memref<8x512xf32, #tpu.memory_space<vmem>>, vector<16xf32>,
            %get3A_329 = arith.index_cast %add3A_88 : i32 to index
            %get3A_330 = arith.constant 288 : index
            %get3A_331 = tpu.vector_load %arg7[%get3A_329, %get3A_330] {strides = array<i32>} : memref<8x512xf32, #tpu.memory_space<vmem>>, vector<16xf32>,
            %sub3A_332 = arith.subi %add3A_130, %mul3A_78 : i32
            %get3A_333 = arith.index_cast %sub3A_332 : i32 to index
            %get3A_334 = arith.constant 288 : index
            %get3A_335 = tpu.vector_load %arg6[%get3A_333, %get3A_334] {strides = array<i32>} : memref<32x512xf32, #tpu.memory_space<vmem>>, vector<16xf32>,
            %add3A_336 = arith.addf %get3A_331, %get3A_335 : vector<16xf32>
            %swap3A_337 = arith.index_cast %add3A_88 : i32 to index
            %swap3A_338 = arith.constant 288 : index
            %swap3A_339 = tpu.vector_load %arg7[%swap3A_337, %swap3A_338] {strides = array<i32>} : memref<8x512xf32, #tpu.memory_space<vmem>>, vector<16xf32>,
            tpu.vector_store %arg7[%swap3A_337, %swap3A_338], %add3A_336 {strides = array<i32>} : memref<8x512xf32, #tpu.memory_space<vmem>>, vector<16xf32>,
            %get3A_340 = arith.index_cast %add3A_88 : i32 to index
            %get3A_341 = arith.constant 304 : index
            %get3A_342 = tpu.vector_load %arg7[%get3A_340, %get3A_341] {strides = array<i32>} : memref<8x512xf32, #tpu.memory_space<vmem>>, vector<16xf32>,
            %sub3A_343 = arith.subi %add3A_130, %mul3A_78 : i32
            %get3A_344 = arith.index_cast %sub3A_343 : i32 to index
            %get3A_345 = arith.constant 304 : index
            %get3A_346 = tpu.vector_load %arg6[%get3A_344, %get3A_345] {strides = array<i32>} : memref<32x512xf32, #tpu.memory_space<vmem>>, vector<16xf32>,
            %add3A_347 = arith.addf %get3A_342, %get3A_346 : vector<16xf32>
            %swap3A_348 = arith.index_cast %add3A_88 : i32 to index
            %swap3A_349 = arith.constant 304 : index
            %swap3A_350 = tpu.vector_load %arg7[%swap3A_348, %swap3A_349] {strides = array<i32>} : memref<8x512xf32, #tpu.memory_space<vmem>>, vector<16xf32>,
            tpu.vector_store %arg7[%swap3A_348, %swap3A_349], %add3A_347 {strides = array<i32>} : memref<8x512xf32, #tpu.memory_space<vmem>>, vector<16xf32>,
            %get3A_351 = arith.index_cast %add3A_88 : i32 to index
            %get3A_352 = arith.constant 320 : index
            %get3A_353 = tpu.vector_load %arg7[%get3A_351, %get3A_352] {strides = array<i32>} : memref<8x512xf32, #tpu.memory_space<vmem>>, vector<16xf32>,
            %sub3A_354 = arith.subi %add3A_130, %mul3A_78 : i32
            %get3A_355 = arith.index_cast %sub3A_354 : i32 to index
            %get3A_356 = arith.constant 320 : index
            %get3A_357 = tpu.vector_load %arg6[%get3A_355, %get3A_356] {strides = array<i32>} : memref<32x512xf32, #tpu.memory_space<vmem>>, vector<16xf32>,
            %add3A_358 = arith.addf %get3A_353, %get3A_357 : vector<16xf32>
            %swap3A_359 = arith.index_cast %add3A_88 : i32 to index
            %swap3A_360 = arith.constant 320 : index
            %swap3A_361 = tpu.vector_load %arg7[%swap3A_359, %swap3A_360] {strides = array<i32>} : memref<8x512xf32, #tpu.memory_space<vmem>>, vector<16xf32>,
            tpu.vector_store %arg7[%swap3A_359, %swap3A_360], %add3A_358 {strides = array<i32>} : memref<8x512xf32, #tpu.memory_space<vmem>>, vector<16xf32>,
            %get3A_362 = arith.index_cast %add3A_88 : i32 to index
            %get3A_363 = arith.constant 336 : index
            %get3A_364 = tpu.vector_load %arg7[%get3A_362, %get3A_363] {strides = array<i32>} : memref<8x512xf32, #tpu.memory_space<vmem>>, vector<16xf32>,
            %sub3A_365 = arith.subi %add3A_130, %mul3A_78 : i32
            %get3A_366 = arith.index_cast %sub3A_365 : i32 to index
            %get3A_367 = arith.constant 336 : index
            %get3A_368 = tpu.vector_load %arg6[%get3A_366, %get3A_367] {strides = array<i32>} : memref<32x512xf32, #tpu.memory_space<vmem>>, vector<16xf32>,
            %add3A_369 = arith.addf %get3A_364, %get3A_368 : vector<16xf32>
            %swap3A_370 = arith.index_cast %add3A_88 : i32 to index
            %swap3A_371 = arith.constant 336 : index
            %swap3A_372 = tpu.vector_load %arg7[%swap3A_370, %swap3A_371] {strides = array<i32>} : memref<8x512xf32, #tpu.memory_space<vmem>>, vector<16xf32>,
            tpu.vector_store %arg7[%swap3A_370, %swap3A_371], %add3A_369 {strides = array<i32>} : memref<8x512xf32, #tpu.memory_space<vmem>>, vector<16xf32>,
            %get3A_373 = arith.index_cast %add3A_88 : i32 to index
            %get3A_374 = arith.constant 352 : index
            %get3A_375 = tpu.vector_load %arg7[%get3A_373, %get3A_374] {strides = array<i32>} : memref<8x512xf32, #tpu.memory_space<vmem>>, vector<16xf32>,
            %sub3A_376 = arith.subi %add3A_130, %mul3A_78 : i32
            %get3A_377 = arith.index_cast %sub3A_376 : i32 to index
            %get3A_378 = arith.constant 352 : index
            %get3A_379 = tpu.vector_load %arg6[%get3A_377, %get3A_378] {strides = array<i32>} : memref<32x512xf32, #tpu.memory_space<vmem>>, vector<16xf32>,
            %add3A_380 = arith.addf %get3A_375, %get3A_379 : vector<16xf32>
            %swap3A_381 = arith.index_cast %add3A_88 : i32 to index
            %swap3A_382 = arith.constant 352 : index
            %swap3A_383 = tpu.vector_load %arg7[%swap3A_381, %swap3A_382] {strides = array<i32>} : memref<8x512xf32, #tpu.memory_space<vmem>>, vector<16xf32>,
            tpu.vector_store %arg7[%swap3A_381, %swap3A_382], %add3A_380 {strides = array<i32>} : memref<8x512xf32, #tpu.memory_space<vmem>>, vector<16xf32>,
            %get3A_384 = arith.index_cast %add3A_88 : i32 to index
            %get3A_385 = arith.constant 368 : index
            %get3A_386 = tpu.vector_load %arg7[%get3A_384, %get3A_385] {strides = array<i32>} : memref<8x512xf32, #tpu.memory_space<vmem>>, vector<16xf32>,
            %sub3A_387 = arith.subi %add3A_130, %mul3A_78 : i32
            %get3A_388 = arith.index_cast %sub3A_387 : i32 to index
            %get3A_389 = arith.constant 368 : index
            %get3A_390 = tpu.vector_load %arg6[%get3A_388, %get3A_389] {strides = array<i32>} : memref<32x512xf32, #tpu.memory_space<vmem>>, vector<16xf32>,
            %add3A_391 = arith.addf %get3A_386, %get3A_390 : vector<16xf32>
            %swap3A_392 = arith.index_cast %add3A_88 : i32 to index
            %swap3A_393 = arith.constant 368 : index
            %swap3A_394 = tpu.vector_load %arg7[%swap3A_392, %swap3A_393] {strides = array<i32>} : memref<8x512xf32, #tpu.memory_space<vmem>>, vector<16xf32>,
            tpu.vector_store %arg7[%swap3A_392, %swap3A_393], %add3A_391 {strides = array<i32>} : memref<8x512xf32, #tpu.memory_space<vmem>>, vector<16xf32>,
            %get3A_395 = arith.index_cast %add3A_88 : i32 to index
            %get3A_396 = arith.constant 384 : index
            %get3A_397 = tpu.vector_load %arg7[%get3A_395, %get3A_396] {strides = array<i32>} : memref<8x512xf32, #tpu.memory_space<vmem>>, vector<16xf32>,
            %sub3A_398 = arith.subi %add3A_130, %mul3A_78 : i32
            %get3A_399 = arith.index_cast %sub3A_398 : i32 to index
            %get3A_400 = arith.constant 384 : index
            %get3A_401 = tpu.vector_load %arg6[%get3A_399, %get3A_400] {strides = array<i32>} : memref<32x512xf32, #tpu.memory_space<vmem>>, vector<16xf32>,
            %add3A_402 = arith.addf %get3A_397, %get3A_401 : vector<16xf32>
            %swap3A_403 = arith.index_cast %add3A_88 : i32 to index
            %swap3A_404 = arith.constant 384 : index
            %swap3A_405 = tpu.vector_load %arg7[%swap3A_403, %swap3A_404] {strides = array<i32>} : memref<8x512xf32, #tpu.memory_space<vmem>>, vector<16xf32>,
            tpu.vector_store %arg7[%swap3A_403, %swap3A_404], %add3A_402 {strides = array<i32>} : memref<8x512xf32, #tpu.memory_space<vmem>>, vector<16xf32>,
            %get3A_406 = arith.index_cast %add3A_88 : i32 to index
            %get3A_407 = arith.constant 400 : index
            %get3A_408 = tpu.vector_load %arg7[%get3A_406, %get3A_407] {strides = array<i32>} : memref<8x512xf32, #tpu.memory_space<vmem>>, vector<16xf32>,
            %sub3A_409 = arith.subi %add3A_130, %mul3A_78 : i32
            %get3A_410 = arith.index_cast %sub3A_409 : i32 to index
            %get3A_411 = arith.constant 400 : index
            %get3A_412 = tpu.vector_load %arg6[%get3A_410, %get3A_411] {strides = array<i32>} : memref<32x512xf32, #tpu.memory_space<vmem>>, vector<16xf32>,
            %add3A_413 = arith.addf %get3A_408, %get3A_412 : vector<16xf32>
            %swap3A_414 = arith.index_cast %add3A_88 : i32 to index
            %swap3A_415 = arith.constant 400 : index
            %swap3A_416 = tpu.vector_load %arg7[%swap3A_414, %swap3A_415] {strides = array<i32>} : memref<8x512xf32, #tpu.memory_space<vmem>>, vector<16xf32>,
            tpu.vector_store %arg7[%swap3A_414, %swap3A_415], %add3A_413 {strides = array<i32>} : memref<8x512xf32, #tpu.memory_space<vmem>>, vector<16xf32>,
            %get3A_417 = arith.index_cast %add3A_88 : i32 to index
            %get3A_418 = arith.constant 416 : index
            %get3A_419 = tpu.vector_load %arg7[%get3A_417, %get3A_418] {strides = array<i32>} : memref<8x512xf32, #tpu.memory_space<vmem>>, vector<16xf32>,
            %sub3A_420 = arith.subi %add3A_130, %mul3A_78 : i32
            %get3A_421 = arith.index_cast %sub3A_420 : i32 to index
            %get3A_422 = arith.constant 416 : index
            %get3A_423 = tpu.vector_load %arg6[%get3A_421, %get3A_422] {strides = array<i32>} : memref<32x512xf32, #tpu.memory_space<vmem>>, vector<16xf32>,
            %add3A_424 = arith.addf %get3A_419, %get3A_423 : vector<16xf32>
            %swap3A_425 = arith.index_cast %add3A_88 : i32 to index
            %swap3A_426 = arith.constant 416 : index
            %swap3A_427 = tpu.vector_load %arg7[%swap3A_425, %swap3A_426] {strides = array<i32>} : memref<8x512xf32, #tpu.memory_space<vmem>>, vector<16xf32>,
            tpu.vector_store %arg7[%swap3A_425, %swap3A_426], %add3A_424 {strides = array<i32>} : memref<8x512xf32, #tpu.memory_space<vmem>>, vector<16xf32>,
            %get3A_428 = arith.index_cast %add3A_88 : i32 to index
            %get3A_429 = arith.constant 432 : index
            %get3A_430 = tpu.vector_load %arg7[%get3A_428, %get3A_429] {strides = array<i32>} : memref<8x512xf32, #tpu.memory_space<vmem>>, vector<16xf32>,
            %sub3A_431 = arith.subi %add3A_130, %mul3A_78 : i32
            %get3A_432 = arith.index_cast %sub3A_431 : i32 to index
            %get3A_433 = arith.constant 432 : index
            %get3A_434 = tpu.vector_load %arg6[%get3A_432, %get3A_433] {strides = array<i32>} : memref<32x512xf32, #tpu.memory_space<vmem>>, vector<16xf32>,
            %add3A_435 = arith.addf %get3A_430, %get3A_434 : vector<16xf32>
            %swap3A_436 = arith.index_cast %add3A_88 : i32 to index
            %swap3A_437 = arith.constant 432 : index
            %swap3A_438 = tpu.vector_load %arg7[%swap3A_436, %swap3A_437] {strides = array<i32>} : memref<8x512xf32, #tpu.memory_space<vmem>>, vector<16xf32>,
            tpu.vector_store %arg7[%swap3A_436, %swap3A_437], %add3A_435 {strides = array<i32>} : memref<8x512xf32, #tpu.memory_space<vmem>>, vector<16xf32>,
            %get3A_439 = arith.index_cast %add3A_88 : i32 to index
            %get3A_440 = arith.constant 448 : index
            %get3A_441 = tpu.vector_load %arg7[%get3A_439, %get3A_440] {strides = array<i32>} : memref<8x512xf32, #tpu.memory_space<vmem>>, vector<16xf32>,
            %sub3A_442 = arith.subi %add3A_130, %mul3A_78 : i32
            %get3A_443 = arith.index_cast %sub3A_442 : i32 to index
            %get3A_444 = arith.constant 448 : index
            %get3A_445 = tpu.vector_load %arg6[%get3A_443, %get3A_444] {strides = array<i32>} : memref<32x512xf32, #tpu.memory_space<vmem>>, vector<16xf32>,
            %add3A_446 = arith.addf %get3A_441, %get3A_445 : vector<16xf32>
            %swap3A_447 = arith.index_cast %add3A_88 : i32 to index
            %swap3A_448 = arith.constant 448 : index
            %swap3A_449 = tpu.vector_load %arg7[%swap3A_447, %swap3A_448] {strides = array<i32>} : memref<8x512xf32, #tpu.memory_space<vmem>>, vector<16xf32>,
            tpu.vector_store %arg7[%swap3A_447, %swap3A_448], %add3A_446 {strides = array<i32>} : memref<8x512xf32, #tpu.memory_space<vmem>>, vector<16xf32>,
            %get3A_450 = arith.index_cast %add3A_88 : i32 to index
            %get3A_451 = arith.constant 464 : index
            %get3A_452 = tpu.vector_load %arg7[%get3A_450, %get3A_451] {strides = array<i32>} : memref<8x512xf32, #tpu.memory_space<vmem>>, vector<16xf32>,
            %sub3A_453 = arith.subi %add3A_130, %mul3A_78 : i32
            %get3A_454 = arith.index_cast %sub3A_453 : i32 to index
            %get3A_455 = arith.constant 464 : index
            %get3A_456 = tpu.vector_load %arg6[%get3A_454, %get3A_455] {strides = array<i32>} : memref<32x512xf32, #tpu.memory_space<vmem>>, vector<16xf32>,
            %add3A_457 = arith.addf %get3A_452, %get3A_456 : vector<16xf32>
            %swap3A_458 = arith.index_cast %add3A_88 : i32 to index
            %swap3A_459 = arith.constant 464 : index
            %swap3A_460 = tpu.vector_load %arg7[%swap3A_458, %swap3A_459] {strides = array<i32>} : memref<8x512xf32, #tpu.memory_space<vmem>>, vector<16xf32>,
            tpu.vector_store %arg7[%swap3A_458, %swap3A_459], %add3A_457 {strides = array<i32>} : memref<8x512xf32, #tpu.memory_space<vmem>>, vector<16xf32>,
            %get3A_461 = arith.index_cast %add3A_88 : i32 to index
            %get3A_462 = arith.constant 480 : index
            %get3A_463 = tpu.vector_load %arg7[%get3A_461, %get3A_462] {strides = array<i32>} : memref<8x512xf32, #tpu.memory_space<vmem>>, vector<16xf32>,
            %sub3A_464 = arith.subi %add3A_130, %mul3A_78 : i32
            %get3A_465 = arith.index_cast %sub3A_464 : i32 to index
            %get3A_466 = arith.constant 480 : index
            %get3A_467 = tpu.vector_load %arg6[%get3A_465, %get3A_466] {strides = array<i32>} : memref<32x512xf32, #tpu.memory_space<vmem>>, vector<16xf32>,
            %add3A_468 = arith.addf %get3A_463, %get3A_467 : vector<16xf32>
            %swap3A_469 = arith.index_cast %add3A_88 : i32 to index
            %swap3A_470 = arith.constant 480 : index
            %swap3A_471 = tpu.vector_load %arg7[%swap3A_469, %swap3A_470] {strides = array<i32>} : memref<8x512xf32, #tpu.memory_space<vmem>>, vector<16xf32>,
            tpu.vector_store %arg7[%swap3A_469, %swap3A_470], %add3A_468 {strides = array<i32>} : memref<8x512xf32, #tpu.memory_space<vmem>>, vector<16xf32>,
            %get3A_472 = arith.index_cast %add3A_88 : i32 to index
            %get3A_473 = arith.constant 496 : index
            %get3A_474 = tpu.vector_load %arg7[%get3A_472, %get3A_473] {strides = array<i32>} : memref<8x512xf32, #tpu.memory_space<vmem>>, vector<16xf32>,
            %sub3A_475 = arith.subi %add3A_130, %mul3A_78 : i32
            %get3A_476 = arith.index_cast %sub3A_475 : i32 to index
            %get3A_477 = arith.constant 496 : index
            %get3A_478 = tpu.vector_load %arg6[%get3A_476, %get3A_477] {strides = array<i32>} : memref<32x512xf32, #tpu.memory_space<vmem>>, vector<16xf32>,
            %add3A_479 = arith.addf %get3A_474, %get3A_478 : vector<16xf32>
            %swap3A_480 = arith.index_cast %add3A_88 : i32 to index
            %swap3A_481 = arith.constant 496 : index
            %swap3A_482 = tpu.vector_load %arg7[%swap3A_480, %swap3A_481] {strides = array<i32>} : memref<8x512xf32, #tpu.memory_space<vmem>>, vector<16xf32>,
            tpu.vector_store %arg7[%swap3A_480, %swap3A_481], %add3A_479 {strides = array<i32>} : memref<8x512xf32, #tpu.memory_space<vmem>>, vector<16xf32>,
          }
          %while3A_127 = arith.constant 1 : i32
          scf.for %while3A_128 = %while3A_125 to %while3A_121 step %while3A_127  : i32 {
            %mul3A_129 = arith.muli %while3A_128, %while3A_118 : i32
            %add3A_130 = arith.addi %max3A, %mul3A_129 : i32
            %get3A_131 = arith.index_cast %add3A_88 : i32 to index
            %get3A_132 = arith.constant 0 : index
            %get3A_133 = tpu.vector_load %arg7[%get3A_131, %get3A_132] {strides = array<i32>} : memref<8x512xf32, #tpu.memory_space<vmem>>, vector<16xf32>,
            %sub3A_134 = arith.subi %add3A_130, %mul3A_78 : i32
            %get3A_135 = arith.index_cast %sub3A_134 : i32 to index
            %get3A_136 = arith.constant 0 : index
            %get3A_137 = tpu.vector_load %arg6[%get3A_135, %get3A_136] {strides = array<i32>} : memref<32x512xf32, #tpu.memory_space<vmem>>, vector<16xf32>,
            %add3A_138 = arith.addf %get3A_133, %get3A_137 : vector<16xf32>
            %swap3A_139 = arith.index_cast %add3A_88 : i32 to index
            %swap3A_140 = arith.constant 0 : index
            %swap3A_141 = tpu.vector_load %arg7[%swap3A_139, %swap3A_140] {strides = array<i32>} : memref<8x512xf32, #tpu.memory_space<vmem>>, vector<16xf32>,
            tpu.vector_store %arg7[%swap3A_139, %swap3A_140], %add3A_138 {strides = array<i32>} : memref<8x512xf32, #tpu.memory_space<vmem>>, vector<16xf32>,
            %get3A_142 = arith.index_cast %add3A_88 : i32 to index
            %get3A_143 = arith.constant 16 : index
            %get3A_144 = tpu.vector_load %arg7[%get3A_142, %get3A_143] {strides = array<i32>} : memref<8x512xf32, #tpu.memory_space<vmem>>, vector<16xf32>,
            %sub3A_145 = arith.subi %add3A_130, %mul3A_78 : i32
            %get3A_146 = arith.index_cast %sub3A_145 : i32 to index
            %get3A_147 = arith.constant 16 : index
            %get3A_148 = tpu.vector_load %arg6[%get3A_146, %get3A_147] {strides = array<i32>} : memref<32x512xf32, #tpu.memory_space<vmem>>, vector<16xf32>,
            %add3A_149 = arith.addf %get3A_144, %get3A_148 : vector<16xf32>
            %swap3A_150 = arith.index_cast %add3A_88 : i32 to index
            %swap3A_151 = arith.constant 16 : index
            %swap3A_152 = tpu.vector_load %arg7[%swap3A_150, %swap3A_151] {strides = array<i32>} : memref<8x512xf32, #tpu.memory_space<vmem>>, vector<16xf32>,
            tpu.vector_store %arg7[%swap3A_150, %swap3A_151], %add3A_149 {strides = array<i32>} : memref<8x512xf32, #tpu.memory_space<vmem>>, vector<16xf32>,
            %get3A_153 = arith.index_cast %add3A_88 : i32 to index
            %get3A_154 = arith.constant 32 : index
            %get3A_155 = tpu.vector_load %arg7[%get3A_153, %get3A_154] {strides = array<i32>} : memref<8x512xf32, #tpu.memory_space<vmem>>, vector<16xf32>,
            %sub3A_156 = arith.subi %add3A_130, %mul3A_78 : i32
            %get3A_157 = arith.index_cast %sub3A_156 : i32 to index
            %get3A_158 = arith.constant 32 : index
            %get3A_159 = tpu.vector_load %arg6[%get3A_157, %get3A_158] {strides = array<i32>} : memref<32x512xf32, #tpu.memory_space<vmem>>, vector<16xf32>,
            %add3A_160 = arith.addf %get3A_155, %get3A_159 : vector<16xf32>
            %swap3A_161 = arith.index_cast %add3A_88 : i32 to index
            %swap3A_162 = arith.constant 32 : index
            %swap3A_163 = tpu.vector_load %arg7[%swap3A_161, %swap3A_162] {strides = array<i32>} : memref<8x512xf32, #tpu.memory_space<vmem>>, vector<16xf32>,
            tpu.vector_store %arg7[%swap3A_161, %swap3A_162], %add3A_160 {strides = array<i32>} : memref<8x512xf32, #tpu.memory_space<vmem>>, vector<16xf32>,
            %get3A_164 = arith.index_cast %add3A_88 : i32 to index
            %get3A_165 = arith.constant 48 : index
            %get3A_166 = tpu.vector_load %arg7[%get3A_164, %get3A_165] {strides = array<i32>} : memref<8x512xf32, #tpu.memory_space<vmem>>, vector<16xf32>,
            %sub3A_167 = arith.subi %add3A_130, %mul3A_78 : i32
            %get3A_168 = arith.index_cast %sub3A_167 : i32 to index
            %get3A_169 = arith.constant 48 : index
            %get3A_170 = tpu.vector_load %arg6[%get3A_168, %get3A_169] {strides = array<i32>} : memref<32x512xf32, #tpu.memory_space<vmem>>, vector<16xf32>,
            %add3A_171 = arith.addf %get3A_166, %get3A_170 : vector<16xf32>
            %swap3A_172 = arith.index_cast %add3A_88 : i32 to index
            %swap3A_173 = arith.constant 48 : index
            %swap3A_174 = tpu.vector_load %arg7[%swap3A_172, %swap3A_173] {strides = array<i32>} : memref<8x512xf32, #tpu.memory_space<vmem>>, vector<16xf32>,
            tpu.vector_store %arg7[%swap3A_172, %swap3A_173], %add3A_171 {strides = array<i32>} : memref<8x512xf32, #tpu.memory_space<vmem>>, vector<16xf32>,
            %get3A_175 = arith.index_cast %add3A_88 : i32 to index
            %get3A_176 = arith.constant 64 : index
            %get3A_177 = tpu.vector_load %arg7[%get3A_175, %get3A_176] {strides = array<i32>} : memref<8x512xf32, #tpu.memory_space<vmem>>, vector<16xf32>,
            %sub3A_178 = arith.subi %add3A_130, %mul3A_78 : i32
            %get3A_179 = arith.index_cast %sub3A_178 : i32 to index
            %get3A_180 = arith.constant 64 : index
            %get3A_181 = tpu.vector_load %arg6[%get3A_179, %get3A_180] {strides = array<i32>} : memref<32x512xf32, #tpu.memory_space<vmem>>, vector<16xf32>,
            %add3A_182 = arith.addf %get3A_177, %get3A_181 : vector<16xf32>
            %swap3A_183 = arith.index_cast %add3A_88 : i32 to index
            %swap3A_184 = arith.constant 64 : index
            %swap3A_185 = tpu.vector_load %arg7[%swap3A_183, %swap3A_184] {strides = array<i32>} : memref<8x512xf32, #tpu.memory_space<vmem>>, vector<16xf32>,
            tpu.vector_store %arg7[%swap3A_183, %swap3A_184], %add3A_182 {strides = array<i32>} : memref<8x512xf32, #tpu.memory_space<vmem>>, vector<16xf32>,
            %get3A_186 = arith.index_cast %add3A_88 : i32 to index
            %get3A_187 = arith.constant 80 : index
            %get3A_188 = tpu.vector_load %arg7[%get3A_186, %get3A_187] {strides = array<i32>} : memref<8x512xf32, #tpu.memory_space<vmem>>, vector<16xf32>,
            %sub3A_189 = arith.subi %add3A_130, %mul3A_78 : i32
            %get3A_190 = arith.index_cast %sub3A_189 : i32 to index
            %get3A_191 = arith.constant 80 : index
            %get3A_192 = tpu.vector_load %arg6[%get3A_190, %get3A_191] {strides = array<i32>} : memref<32x512xf32, #tpu.memory_space<vmem>>, vector<16xf32>,
            %add3A_193 = arith.addf %get3A_188, %get3A_192 : vector<16xf32>
            %swap3A_194 = arith.index_cast %add3A_88 : i32 to index
            %swap3A_195 = arith.constant 80 : index
            %swap3A_196 = tpu.vector_load %arg7[%swap3A_194, %swap3A_195] {strides = array<i32>} : memref<8x512xf32, #tpu.memory_space<vmem>>, vector<16xf32>,
            tpu.vector_store %arg7[%swap3A_194, %swap3A_195], %add3A_193 {strides = array<i32>} : memref<8x512xf32, #tpu.memory_space<vmem>>, vector<16xf32>,
            %get3A_197 = arith.index_cast %add3A_88 : i32 to index
            %get3A_198 = arith.constant 96 : index
            %get3A_199 = tpu.vector_load %arg7[%get3A_197, %get3A_198] {strides = array<i32>} : memref<8x512xf32, #tpu.memory_space<vmem>>, vector<16xf32>,
            %sub3A_200 = arith.subi %add3A_130, %mul3A_78 : i32
            %get3A_201 = arith.index_cast %sub3A_200 : i32 to index
            %get3A_202 = arith.constant 96 : index
            %get3A_203 = tpu.vector_load %arg6[%get3A_201, %get3A_202] {strides = array<i32>} : memref<32x512xf32, #tpu.memory_space<vmem>>, vector<16xf32>,
            %add3A_204 = arith.addf %get3A_199, %get3A_203 : vector<16xf32>
            %swap3A_205 = arith.index_cast %add3A_88 : i32 to index
            %swap3A_206 = arith.constant 96 : index
            %swap3A_207 = tpu.vector_load %arg7[%swap3A_205, %swap3A_206] {strides = array<i32>} : memref<8x512xf32, #tpu.memory_space<vmem>>, vector<16xf32>,
            tpu.vector_store %arg7[%swap3A_205, %swap3A_206], %add3A_204 {strides = array<i32>} : memref<8x512xf32, #tpu.memory_space<vmem>>, vector<16xf32>,
            %get3A_208 = arith.index_cast %add3A_88 : i32 to index
            %get3A_209 = arith.constant 112 : index
            %get3A_210 = tpu.vector_load %arg7[%get3A_208, %get3A_209] {strides = array<i32>} : memref<8x512xf32, #tpu.memory_space<vmem>>, vector<16xf32>,
            %sub3A_211 = arith.subi %add3A_130, %mul3A_78 : i32
            %get3A_212 = arith.index_cast %sub3A_211 : i32 to index
            %get3A_213 = arith.constant 112 : index
            %get3A_214 = tpu.vector_load %arg6[%get3A_212, %get3A_213] {strides = array<i32>} : memref<32x512xf32, #tpu.memory_space<vmem>>, vector<16xf32>,
            %add3A_215 = arith.addf %get3A_210, %get3A_214 : vector<16xf32>
            %swap3A_216 = arith.index_cast %add3A_88 : i32 to index
            %swap3A_217 = arith.constant 112 : index
            %swap3A_218 = tpu.vector_load %arg7[%swap3A_216, %swap3A_217] {strides = array<i32>} : memref<8x512xf32, #tpu.memory_space<vmem>>, vector<16xf32>,
            tpu.vector_store %arg7[%swap3A_216, %swap3A_217], %add3A_215 {strides = array<i32>} : memref<8x512xf32, #tpu.memory_space<vmem>>, vector<16xf32>,
            %get3A_219 = arith.index_cast %add3A_88 : i32 to index
            %get3A_220 = arith.constant 128 : index
            %get3A_221 = tpu.vector_load %arg7[%get3A_219, %get3A_220] {strides = array<i32>} : memref<8x512xf32, #tpu.memory_space<vmem>>, vector<16xf32>,
            %sub3A_222 = arith.subi %add3A_130, %mul3A_78 : i32
            %get3A_223 = arith.index_cast %sub3A_222 : i32 to index
            %get3A_224 = arith.constant 128 : index
            %get3A_225 = tpu.vector_load %arg6[%get3A_223, %get3A_224] {strides = array<i32>} : memref<32x512xf32, #tpu.memory_space<vmem>>, vector<16xf32>,
            %add3A_226 = arith.addf %get3A_221, %get3A_225 : vector<16xf32>
            %swap3A_227 = arith.index_cast %add3A_88 : i32 to index
            %swap3A_228 = arith.constant 128 : index
            %swap3A_229 = tpu.vector_load %arg7[%swap3A_227, %swap3A_228] {strides = array<i32>} : memref<8x512xf32, #tpu.memory_space<vmem>>, vector<16xf32>,
            tpu.vector_store %arg7[%swap3A_227, %swap3A_228], %add3A_226 {strides = array<i32>} : memref<8x512xf32, #tpu.memory_space<vmem>>, vector<16xf32>,
            %get3A_230 = arith.index_cast %add3A_88 : i32 to index
            %get3A_231 = arith.constant 144 : index
            %get3A_232 = tpu.vector_load %arg7[%get3A_230, %get3A_231] {strides = array<i32>} : memref<8x512xf32, #tpu.memory_space<vmem>>, vector<16xf32>,
            %sub3A_233 = arith.subi %add3A_130, %mul3A_78 : i32
            %get3A_234 = arith.index_cast %sub3A_233 : i32 to index
            %get3A_235 = arith.constant 144 : index
            %get3A_236 = tpu.vector_load %arg6[%get3A_234, %get3A_235] {strides = array<i32>} : memref<32x512xf32, #tpu.memory_space<vmem>>, vector<16xf32>,
            %add3A_237 = arith.addf %get3A_232, %get3A_236 : vector<16xf32>
            %swap3A_238 = arith.index_cast %add3A_88 : i32 to index
            %swap3A_239 = arith.constant 144 : index
            %swap3A_240 = tpu.vector_load %arg7[%swap3A_238, %swap3A_239] {strides = array<i32>} : memref<8x512xf32, #tpu.memory_space<vmem>>, vector<16xf32>,
            tpu.vector_store %arg7[%swap3A_238, %swap3A_239], %add3A_237 {strides = array<i32>} : memref<8x512xf32, #tpu.memory_space<vmem>>, vector<16xf32>,
            %get3A_241 = arith.index_cast %add3A_88 : i32 to index
            %get3A_242 = arith.constant 160 : index
            %get3A_243 = tpu.vector_load %arg7[%get3A_241, %get3A_242] {strides = array<i32>} : memref<8x512xf32, #tpu.memory_space<vmem>>, vector<16xf32>,
            %sub3A_244 = arith.subi %add3A_130, %mul3A_78 : i32
            %get3A_245 = arith.index_cast %sub3A_244 : i32 to index
            %get3A_246 = arith.constant 160 : index
            %get3A_247 = tpu.vector_load %arg6[%get3A_245, %get3A_246] {strides = array<i32>} : memref<32x512xf32, #tpu.memory_space<vmem>>, vector<16xf32>,
            %add3A_248 = arith.addf %get3A_243, %get3A_247 : vector<16xf32>
            %swap3A_249 = arith.index_cast %add3A_88 : i32 to index
            %swap3A_250 = arith.constant 160 : index
            %swap3A_251 = tpu.vector_load %arg7[%swap3A_249, %swap3A_250] {strides = array<i32>} : memref<8x512xf32, #tpu.memory_space<vmem>>, vector<16xf32>,
            tpu.vector_store %arg7[%swap3A_249, %swap3A_250], %add3A_248 {strides = array<i32>} : memref<8x512xf32, #tpu.memory_space<vmem>>, vector<16xf32>,
            %get3A_252 = arith.index_cast %add3A_88 : i32 to index
            %get3A_253 = arith.constant 176 : index
            %get3A_254 = tpu.vector_load %arg7[%get3A_252, %get3A_253] {strides = array<i32>} : memref<8x512xf32, #tpu.memory_space<vmem>>, vector<16xf32>,
            %sub3A_255 = arith.subi %add3A_130, %mul3A_78 : i32
            %get3A_256 = arith.index_cast %sub3A_255 : i32 to index
            %get3A_257 = arith.constant 176 : index
            %get3A_258 = tpu.vector_load %arg6[%get3A_256, %get3A_257] {strides = array<i32>} : memref<32x512xf32, #tpu.memory_space<vmem>>, vector<16xf32>,
            %add3A_259 = arith.addf %get3A_254, %get3A_258 : vector<16xf32>
            %swap3A_260 = arith.index_cast %add3A_88 : i32 to index
            %swap3A_261 = arith.constant 176 : index
            %swap3A_262 = tpu.vector_load %arg7[%swap3A_260, %swap3A_261] {strides = array<i32>} : memref<8x512xf32, #tpu.memory_space<vmem>>, vector<16xf32>,
            tpu.vector_store %arg7[%swap3A_260, %swap3A_261], %add3A_259 {strides = array<i32>} : memref<8x512xf32, #tpu.memory_space<vmem>>, vector<16xf32>,
            %get3A_263 = arith.index_cast %add3A_88 : i32 to index
            %get3A_264 = arith.constant 192 : index
            %get3A_265 = tpu.vector_load %arg7[%get3A_263, %get3A_264] {strides = array<i32>} : memref<8x512xf32, #tpu.memory_space<vmem>>, vector<16xf32>,
            %sub3A_266 = arith.subi %add3A_130, %mul3A_78 : i32
            %get3A_267 = arith.index_cast %sub3A_266 : i32 to index
            %get3A_268 = arith.constant 192 : index
            %get3A_269 = tpu.vector_load %arg6[%get3A_267, %get3A_268] {strides = array<i32>} : memref<32x512xf32, #tpu.memory_space<vmem>>, vector<16xf32>,
            %add3A_270 = arith.addf %get3A_265, %get3A_269 : vector<16xf32>
            %swap3A_271 = arith.index_cast %add3A_88 : i32 to index
            %swap3A_272 = arith.constant 192 : index
            %swap3A_273 = tpu.vector_load %arg7[%swap3A_271, %swap3A_272] {strides = array<i32>} : memref<8x512xf32, #tpu.memory_space<vmem>>, vector<16xf32>,
            tpu.vector_store %arg7[%swap3A_271, %swap3A_272], %add3A_270 {strides = array<i32>} : memref<8x512xf32, #tpu.memory_space<vmem>>, vector<16xf32>,
            %get3A_274 = arith.index_cast %add3A_88 : i32 to index
            %get3A_275 = arith.constant 208 : index
            %get3A_276 = tpu.vector_load %arg7[%get3A_274, %get3A_275] {strides = array<i32>} : memref<8x512xf32, #tpu.memory_space<vmem>>, vector<16xf32>,
            %sub3A_277 = arith.subi %add3A_130, %mul3A_78 : i32
            %get3A_278 = arith.index_cast %sub3A_277 : i32 to index
            %get3A_279 = arith.constant 208 : index
            %get3A_280 = tpu.vector_load %arg6[%get3A_278, %get3A_279] {strides = array<i32>} : memref<32x512xf32, #tpu.memory_space<vmem>>, vector<16xf32>,
            %add3A_281 = arith.addf %get3A_276, %get3A_280 : vector<16xf32>
            %swap3A_282 = arith.index_cast %add3A_88 : i32 to index
            %swap3A_283 = arith.constant 208 : index
            %swap3A_284 = tpu.vector_load %arg7[%swap3A_282, %swap3A_283] {strides = array<i32>} : memref<8x512xf32, #tpu.memory_space<vmem>>, vector<16xf32>,
            tpu.vector_store %arg7[%swap3A_282, %swap3A_283], %add3A_281 {strides = array<i32>} : memref<8x512xf32, #tpu.memory_space<vmem>>, vector<16xf32>,
            %get3A_285 = arith.index_cast %add3A_88 : i32 to index
            %get3A_286 = arith.constant 224 : index
            %get3A_287 = tpu.vector_load %arg7[%get3A_285, %get3A_286] {strides = array<i32>} : memref<8x512xf32, #tpu.memory_space<vmem>>, vector<16xf32>,
            %sub3A_288 = arith.subi %add3A_130, %mul3A_78 : i32
            %get3A_289 = arith.index_cast %sub3A_288 : i32 to index
            %get3A_290 = arith.constant 224 : index
            %get3A_291 = tpu.vector_load %arg6[%get3A_289, %get3A_290] {strides = array<i32>} : memref<32x512xf32, #tpu.memory_space<vmem>>, vector<16xf32>,
            %add3A_292 = arith.addf %get3A_287, %get3A_291 : vector<16xf32>
            %swap3A_293 = arith.index_cast %add3A_88 : i32 to index
            %swap3A_294 = arith.constant 224 : index
            %swap3A_295 = tpu.vector_load %arg7[%swap3A_293, %swap3A_294] {strides = array<i32>} : memref<8x512xf32, #tpu.memory_space<vmem>>, vector<16xf32>,
            tpu.vector_store %arg7[%swap3A_293, %swap3A_294], %add3A_292 {strides = array<i32>} : memref<8x512xf32, #tpu.memory_space<vmem>>, vector<16xf32>,
            %get3A_296 = arith.index_cast %add3A_88 : i32 to index
            %get3A_297 = arith.constant 240 : index
            %get3A_298 = tpu.vector_load %arg7[%get3A_296, %get3A_297] {strides = array<i32>} : memref<8x512xf32, #tpu.memory_space<vmem>>, vector<16xf32>,
            %sub3A_299 = arith.subi %add3A_130, %mul3A_78 : i32
            %get3A_300 = arith.index_cast %sub3A_299 : i32 to index
            %get3A_301 = arith.constant 240 : index
            %get3A_302 = tpu.vector_load %arg6[%get3A_300, %get3A_301] {strides = array<i32>} : memref<32x512xf32, #tpu.memory_space<vmem>>, vector<16xf32>,
            %add3A_303 = arith.addf %get3A_298, %get3A_302 : vector<16xf32>
            %swap3A_304 = arith.index_cast %add3A_88 : i32 to index
            %swap3A_305 = arith.constant 240 : index
            %swap3A_306 = tpu.vector_load %arg7[%swap3A_304, %swap3A_305] {strides = array<i32>} : memref<8x512xf32, #tpu.memory_space<vmem>>, vector<16xf32>,
            tpu.vector_store %arg7[%swap3A_304, %swap3A_305], %add3A_303 {strides = array<i32>} : memref<8x512xf32, #tpu.memory_space<vmem>>, vector<16xf32>,
            %get3A_307 = arith.index_cast %add3A_88 : i32 to index
            %get3A_308 = arith.constant 256 : index
            %get3A_309 = tpu.vector_load %arg7[%get3A_307, %get3A_308] {strides = array<i32>} : memref<8x512xf32, #tpu.memory_space<vmem>>, vector<16xf32>,
            %sub3A_310 = arith.subi %add3A_130, %mul3A_78 : i32
            %get3A_311 = arith.index_cast %sub3A_310 : i32 to index
            %get3A_312 = arith.constant 256 : index
            %get3A_313 = tpu.vector_load %arg6[%get3A_311, %get3A_312] {strides = array<i32>} : memref<32x512xf32, #tpu.memory_space<vmem>>, vector<16xf32>,
            %add3A_314 = arith.addf %get3A_309, %get3A_313 : vector<16xf32>
            %swap3A_315 = arith.index_cast %add3A_88 : i32 to index
            %swap3A_316 = arith.constant 256 : index
            %swap3A_317 = tpu.vector_load %arg7[%swap3A_315, %swap3A_316] {strides = array<i32>} : memref<8x512xf32, #tpu.memory_space<vmem>>, vector<16xf32>,
            tpu.vector_store %arg7[%swap3A_315, %swap3A_316], %add3A_314 {strides = array<i32>} : memref<8x512xf32, #tpu.memory_space<vmem>>, vector<16xf32>,
            %get3A_318 = arith.index_cast %add3A_88 : i32 to index
            %get3A_319 = arith.constant 272 : index
            %get3A_320 = tpu.vector_load %arg7[%get3A_318, %get3A_319] {strides = array<i32>} : memref<8x512xf32, #tpu.memory_space<vmem>>, vector<16xf32>,
            %sub3A_321 = arith.subi %add3A_130, %mul3A_78 : i32
            %get3A_322 = arith.index_cast %sub3A_321 : i32 to index
            %get3A_323 = arith.constant 272 : index
            %get3A_324 = tpu.vector_load %arg6[%get3A_322, %get3A_323] {strides = array<i32>} : memref<32x512xf32, #tpu.memory_space<vmem>>, vector<16xf32>,
            %add3A_325 = arith.addf %get3A_320, %get3A_324 : vector<16xf32>
            %swap3A_326 = arith.index_cast %add3A_88 : i32 to index
            %swap3A_327 = arith.constant 272 : index
            %swap3A_328 = tpu.vector_load %arg7[%swap3A_326, %swap3A_327] {strides = array<i32>} : memref<8x512xf32, #tpu.memory_space<vmem>>, vector<16xf32>,
            tpu.vector_store %arg7[%swap3A_326, %swap3A_327], %add3A_325 {strides = array<i32>} : memref<8x512xf32, #tpu.memory_space<vmem>>, vector<16xf32>,
            %get3A_329 = arith.index_cast %add3A_88 : i32 to index
            %get3A_330 = arith.constant 288 : index
            %get3A_331 = tpu.vector_load %arg7[%get3A_329, %get3A_330] {strides = array<i32>} : memref<8x512xf32, #tpu.memory_space<vmem>>, vector<16xf32>,
            %sub3A_332 = arith.subi %add3A_130, %mul3A_78 : i32
            %get3A_333 = arith.index_cast %sub3A_332 : i32 to index
            %get3A_334 = arith.constant 288 : index
            %get3A_335 = tpu.vector_load %arg6[%get3A_333, %get3A_334] {strides = array<i32>} : memref<32x512xf32, #tpu.memory_space<vmem>>, vector<16xf32>,
            %add3A_336 = arith.addf %get3A_331, %get3A_335 : vector<16xf32>
            %swap3A_337 = arith.index_cast %add3A_88 : i32 to index
            %swap3A_338 = arith.constant 288 : index
            %swap3A_339 = tpu.vector_load %arg7[%swap3A_337, %swap3A_338] {strides = array<i32>} : memref<8x512xf32, #tpu.memory_space<vmem>>, vector<16xf32>,
            tpu.vector_store %arg7[%swap3A_337, %swap3A_338], %add3A_336 {strides = array<i32>} : memref<8x512xf32, #tpu.memory_space<vmem>>, vector<16xf32>,
            %get3A_340 = arith.index_cast %add3A_88 : i32 to index
            %get3A_341 = arith.constant 304 : index
            %get3A_342 = tpu.vector_load %arg7[%get3A_340, %get3A_341] {strides = array<i32>} : memref<8x512xf32, #tpu.memory_space<vmem>>, vector<16xf32>,
            %sub3A_343 = arith.subi %add3A_130, %mul3A_78 : i32
            %get3A_344 = arith.index_cast %sub3A_343 : i32 to index
            %get3A_345 = arith.constant 304 : index
            %get3A_346 = tpu.vector_load %arg6[%get3A_344, %get3A_345] {strides = array<i32>} : memref<32x512xf32, #tpu.memory_space<vmem>>, vector<16xf32>,
            %add3A_347 = arith.addf %get3A_342, %get3A_346 : vector<16xf32>
            %swap3A_348 = arith.index_cast %add3A_88 : i32 to index
            %swap3A_349 = arith.constant 304 : index
            %swap3A_350 = tpu.vector_load %arg7[%swap3A_348, %swap3A_349] {strides = array<i32>} : memref<8x512xf32, #tpu.memory_space<vmem>>, vector<16xf32>,
            tpu.vector_store %arg7[%swap3A_348, %swap3A_349], %add3A_347 {strides = array<i32>} : memref<8x512xf32, #tpu.memory_space<vmem>>, vector<16xf32>,
            %get3A_351 = arith.index_cast %add3A_88 : i32 to index
            %get3A_352 = arith.constant 320 : index
            %get3A_353 = tpu.vector_load %arg7[%get3A_351, %get3A_352] {strides = array<i32>} : memref<8x512xf32, #tpu.memory_space<vmem>>, vector<16xf32>,
            %sub3A_354 = arith.subi %add3A_130, %mul3A_78 : i32
            %get3A_355 = arith.index_cast %sub3A_354 : i32 to index
            %get3A_356 = arith.constant 320 : index
            %get3A_357 = tpu.vector_load %arg6[%get3A_355, %get3A_356] {strides = array<i32>} : memref<32x512xf32, #tpu.memory_space<vmem>>, vector<16xf32>,
            %add3A_358 = arith.addf %get3A_353, %get3A_357 : vector<16xf32>
            %swap3A_359 = arith.index_cast %add3A_88 : i32 to index
            %swap3A_360 = arith.constant 320 : index
            %swap3A_361 = tpu.vector_load %arg7[%swap3A_359, %swap3A_360] {strides = array<i32>} : memref<8x512xf32, #tpu.memory_space<vmem>>, vector<16xf32>,
            tpu.vector_store %arg7[%swap3A_359, %swap3A_360], %add3A_358 {strides = array<i32>} : memref<8x512xf32, #tpu.memory_space<vmem>>, vector<16xf32>,
            %get3A_362 = arith.index_cast %add3A_88 : i32 to index
            %get3A_363 = arith.constant 336 : index
            %get3A_364 = tpu.vector_load %arg7[%get3A_362, %get3A_363] {strides = array<i32>} : memref<8x512xf32, #tpu.memory_space<vmem>>, vector<16xf32>,
            %sub3A_365 = arith.subi %add3A_130, %mul3A_78 : i32
            %get3A_366 = arith.index_cast %sub3A_365 : i32 to index
            %get3A_367 = arith.constant 336 : index
            %get3A_368 = tpu.vector_load %arg6[%get3A_366, %get3A_367] {strides = array<i32>} : memref<32x512xf32, #tpu.memory_space<vmem>>, vector<16xf32>,
            %add3A_369 = arith.addf %get3A_364, %get3A_368 : vector<16xf32>
            %swap3A_370 = arith.index_cast %add3A_88 : i32 to index
            %swap3A_371 = arith.constant 336 : index
            %swap3A_372 = tpu.vector_load %arg7[%swap3A_370, %swap3A_371] {strides = array<i32>} : memref<8x512xf32, #tpu.memory_space<vmem>>, vector<16xf32>,
            tpu.vector_store %arg7[%swap3A_370, %swap3A_371], %add3A_369 {strides = array<i32>} : memref<8x512xf32, #tpu.memory_space<vmem>>, vector<16xf32>,
            %get3A_373 = arith.index_cast %add3A_88 : i32 to index
            %get3A_374 = arith.constant 352 : index
            %get3A_375 = tpu.vector_load %arg7[%get3A_373, %get3A_374] {strides = array<i32>} : memref<8x512xf32, #tpu.memory_space<vmem>>, vector<16xf32>,
            %sub3A_376 = arith.subi %add3A_130, %mul3A_78 : i32
            %get3A_377 = arith.index_cast %sub3A_376 : i32 to index
            %get3A_378 = arith.constant 352 : index
            %get3A_379 = tpu.vector_load %arg6[%get3A_377, %get3A_378] {strides = array<i32>} : memref<32x512xf32, #tpu.memory_space<vmem>>, vector<16xf32>,
            %add3A_380 = arith.addf %get3A_375, %get3A_379 : vector<16xf32>
            %swap3A_381 = arith.index_cast %add3A_88 : i32 to index
            %swap3A_382 = arith.constant 352 : index
            %swap3A_383 = tpu.vector_load %arg7[%swap3A_381, %swap3A_382] {strides = array<i32>} : memref<8x512xf32, #tpu.memory_space<vmem>>, vector<16xf32>,
            tpu.vector_store %arg7[%swap3A_381, %swap3A_382], %add3A_380 {strides = array<i32>} : memref<8x512xf32, #tpu.memory_space<vmem>>, vector<16xf32>,
            %get3A_384 = arith.index_cast %add3A_88 : i32 to index
            %get3A_385 = arith.constant 368 : index
            %get3A_386 = tpu.vector_load %arg7[%get3A_384, %get3A_385] {strides = array<i32>} : memref<8x512xf32, #tpu.memory_space<vmem>>, vector<16xf32>,
            %sub3A_387 = arith.subi %add3A_130, %mul3A_78 : i32
            %get3A_388 = arith.index_cast %sub3A_387 : i32 to index
            %get3A_389 = arith.constant 368 : index
            %get3A_390 = tpu.vector_load %arg6[%get3A_388, %get3A_389] {strides = array<i32>} : memref<32x512xf32, #tpu.memory_space<vmem>>, vector<16xf32>,
            %add3A_391 = arith.addf %get3A_386, %get3A_390 : vector<16xf32>
            %swap3A_392 = arith.index_cast %add3A_88 : i32 to index
            %swap3A_393 = arith.constant 368 : index
            %swap3A_394 = tpu.vector_load %arg7[%swap3A_392, %swap3A_393] {strides = array<i32>} : memref<8x512xf32, #tpu.memory_space<vmem>>, vector<16xf32>,
            tpu.vector_store %arg7[%swap3A_392, %swap3A_393], %add3A_391 {strides = array<i32>} : memref<8x512xf32, #tpu.memory_space<vmem>>, vector<16xf32>,
            %get3A_395 = arith.index_cast %add3A_88 : i32 to index
            %get3A_396 = arith.constant 384 : index
            %get3A_397 = tpu.vector_load %arg7[%get3A_395, %get3A_396] {strides = array<i32>} : memref<8x512xf32, #tpu.memory_space<vmem>>, vector<16xf32>,
            %sub3A_398 = arith.subi %add3A_130, %mul3A_78 : i32
            %get3A_399 = arith.index_cast %sub3A_398 : i32 to index
            %get3A_400 = arith.constant 384 : index
            %get3A_401 = tpu.vector_load %arg6[%get3A_399, %get3A_400] {strides = array<i32>} : memref<32x512xf32, #tpu.memory_space<vmem>>, vector<16xf32>,
            %add3A_402 = arith.addf %get3A_397, %get3A_401 : vector<16xf32>
            %swap3A_403 = arith.index_cast %add3A_88 : i32 to index
            %swap3A_404 = arith.constant 384 : index
            %swap3A_405 = tpu.vector_load %arg7[%swap3A_403, %swap3A_404] {strides = array<i32>} : memref<8x512xf32, #tpu.memory_space<vmem>>, vector<16xf32>,
            tpu.vector_store %arg7[%swap3A_403, %swap3A_404], %add3A_402 {strides = array<i32>} : memref<8x512xf32, #tpu.memory_space<vmem>>, vector<16xf32>,
            %get3A_406 = arith.index_cast %add3A_88 : i32 to index
            %get3A_407 = arith.constant 400 : index
            %get3A_408 = tpu.vector_load %arg7[%get3A_406, %get3A_407] {strides = array<i32>} : memref<8x512xf32, #tpu.memory_space<vmem>>, vector<16xf32>,
            %sub3A_409 = arith.subi %add3A_130, %mul3A_78 : i32
            %get3A_410 = arith.index_cast %sub3A_409 : i32 to index
            %get3A_411 = arith.constant 400 : index
            %get3A_412 = tpu.vector_load %arg6[%get3A_410, %get3A_411] {strides = array<i32>} : memref<32x512xf32, #tpu.memory_space<vmem>>, vector<16xf32>,
            %add3A_413 = arith.addf %get3A_408, %get3A_412 : vector<16xf32>
            %swap3A_414 = arith.index_cast %add3A_88 : i32 to index
            %swap3A_415 = arith.constant 400 : index
            %swap3A_416 = tpu.vector_load %arg7[%swap3A_414, %swap3A_415] {strides = array<i32>} : memref<8x512xf32, #tpu.memory_space<vmem>>, vector<16xf32>,
            tpu.vector_store %arg7[%swap3A_414, %swap3A_415], %add3A_413 {strides = array<i32>} : memref<8x512xf32, #tpu.memory_space<vmem>>, vector<16xf32>,
            %get3A_417 = arith.index_cast %add3A_88 : i32 to index
            %get3A_418 = arith.constant 416 : index
            %get3A_419 = tpu.vector_load %arg7[%get3A_417, %get3A_418] {strides = array<i32>} : memref<8x512xf32, #tpu.memory_space<vmem>>, vector<16xf32>,
            %sub3A_420 = arith.subi %add3A_130, %mul3A_78 : i32
            %get3A_421 = arith.index_cast %sub3A_420 : i32 to index
            %get3A_422 = arith.constant 416 : index
            %get3A_423 = tpu.vector_load %arg6[%get3A_421, %get3A_422] {strides = array<i32>} : memref<32x512xf32, #tpu.memory_space<vmem>>, vector<16xf32>,
            %add3A_424 = arith.addf %get3A_419, %get3A_423 : vector<16xf32>
            %swap3A_425 = arith.index_cast %add3A_88 : i32 to index
            %swap3A_426 = arith.constant 416 : index
            %swap3A_427 = tpu.vector_load %arg7[%swap3A_425, %swap3A_426] {strides = array<i32>} : memref<8x512xf32, #tpu.memory_space<vmem>>, vector<16xf32>,
            tpu.vector_store %arg7[%swap3A_425, %swap3A_426], %add3A_424 {strides = array<i32>} : memref<8x512xf32, #tpu.memory_space<vmem>>, vector<16xf32>,
            %get3A_428 = arith.index_cast %add3A_88 : i32 to index
            %get3A_429 = arith.constant 432 : index
            %get3A_430 = tpu.vector_load %arg7[%get3A_428, %get3A_429] {strides = array<i32>} : memref<8x512xf32, #tpu.memory_space<vmem>>, vector<16xf32>,
            %sub3A_431 = arith.subi %add3A_130, %mul3A_78 : i32
            %get3A_432 = arith.index_cast %sub3A_431 : i32 to index
            %get3A_433 = arith.constant 432 : index
            %get3A_434 = tpu.vector_load %arg6[%get3A_432, %get3A_433] {strides = array<i32>} : memref<32x512xf32, #tpu.memory_space<vmem>>, vector<16xf32>,
            %add3A_435 = arith.addf %get3A_430, %get3A_434 : vector<16xf32>
            %swap3A_436 = arith.index_cast %add3A_88 : i32 to index
            %swap3A_437 = arith.constant 432 : index
            %swap3A_438 = tpu.vector_load %arg7[%swap3A_436, %swap3A_437] {strides = array<i32>} : memref<8x512xf32, #tpu.memory_space<vmem>>, vector<16xf32>,
            tpu.vector_store %arg7[%swap3A_436, %swap3A_437], %add3A_435 {strides = array<i32>} : memref<8x512xf32, #tpu.memory_space<vmem>>, vector<16xf32>,
            %get3A_439 = arith.index_cast %add3A_88 : i32 to index
            %get3A_440 = arith.constant 448 : index
            %get3A_441 = tpu.vector_load %arg7[%get3A_439, %get3A_440] {strides = array<i32>} : memref<8x512xf32, #tpu.memory_space<vmem>>, vector<16xf32>,
            %sub3A_442 = arith.subi %add3A_130, %mul3A_78 : i32
            %get3A_443 = arith.index_cast %sub3A_442 : i32 to index
            %get3A_444 = arith.constant 448 : index
            %get3A_445 = tpu.vector_load %arg6[%get3A_443, %get3A_444] {strides = array<i32>} : memref<32x512xf32, #tpu.memory_space<vmem>>, vector<16xf32>,
            %add3A_446 = arith.addf %get3A_441, %get3A_445 : vector<16xf32>
            %swap3A_447 = arith.index_cast %add3A_88 : i32 to index
            %swap3A_448 = arith.constant 448 : index
            %swap3A_449 = tpu.vector_load %arg7[%swap3A_447, %swap3A_448] {strides = array<i32>} : memref<8x512xf32, #tpu.memory_space<vmem>>, vector<16xf32>,
            tpu.vector_store %arg7[%swap3A_447, %swap3A_448], %add3A_446 {strides = array<i32>} : memref<8x512xf32, #tpu.memory_space<vmem>>, vector<16xf32>,
            %get3A_450 = arith.index_cast %add3A_88 : i32 to index
            %get3A_451 = arith.constant 464 : index
            %get3A_452 = tpu.vector_load %arg7[%get3A_450, %get3A_451] {strides = array<i32>} : memref<8x512xf32, #tpu.memory_space<vmem>>, vector<16xf32>,
            %sub3A_453 = arith.subi %add3A_130, %mul3A_78 : i32
            %get3A_454 = arith.index_cast %sub3A_453 : i32 to index
            %get3A_455 = arith.constant 464 : index
            %get3A_456 = tpu.vector_load %arg6[%get3A_454, %get3A_455] {strides = array<i32>} : memref<32x512xf32, #tpu.memory_space<vmem>>, vector<16xf32>,
            %add3A_457 = arith.addf %get3A_452, %get3A_456 : vector<16xf32>
            %swap3A_458 = arith.index_cast %add3A_88 : i32 to index
            %swap3A_459 = arith.constant 464 : index
            %swap3A_460 = tpu.vector_load %arg7[%swap3A_458, %swap3A_459] {strides = array<i32>} : memref<8x512xf32, #tpu.memory_space<vmem>>, vector<16xf32>,
            tpu.vector_store %arg7[%swap3A_458, %swap3A_459], %add3A_457 {strides = array<i32>} : memref<8x512xf32, #tpu.memory_space<vmem>>, vector<16xf32>,
            %get3A_461 = arith.index_cast %add3A_88 : i32 to index
            %get3A_462 = arith.constant 480 : index
            %get3A_463 = tpu.vector_load %arg7[%get3A_461, %get3A_462] {strides = array<i32>} : memref<8x512xf32, #tpu.memory_space<vmem>>, vector<16xf32>,
            %sub3A_464 = arith.subi %add3A_130, %mul3A_78 : i32
            %get3A_465 = arith.index_cast %sub3A_464 : i32 to index
            %get3A_466 = arith.constant 480 : index
            %get3A_467 = tpu.vector_load %arg6[%get3A_465, %get3A_466] {strides = array<i32>} : memref<32x512xf32, #tpu.memory_space<vmem>>, vector<16xf32>,
            %add3A_468 = arith.addf %get3A_463, %get3A_467 : vector<16xf32>
            %swap3A_469 = arith.index_cast %add3A_88 : i32 to index
            %swap3A_470 = arith.constant 480 : index
            %swap3A_471 = tpu.vector_load %arg7[%swap3A_469, %swap3A_470] {strides = array<i32>} : memref<8x512xf32, #tpu.memory_space<vmem>>, vector<16xf32>,
            tpu.vector_store %arg7[%swap3A_469, %swap3A_470], %add3A_468 {strides = array<i32>} : memref<8x512xf32, #tpu.memory_space<vmem>>, vector<16xf32>,
            %get3A_472 = arith.index_cast %add3A_88 : i32 to index
            %get3A_473 = arith.constant 496 : index
            %get3A_474 = tpu.vector_load %arg7[%get3A_472, %get3A_473] {strides = array<i32>} : memref<8x512xf32, #tpu.memory_space<vmem>>, vector<16xf32>,
            %sub3A_475 = arith.subi %add3A_130, %mul3A_78 : i32
            %get3A_476 = arith.index_cast %sub3A_475 : i32 to index
            %get3A_477 = arith.constant 496 : index
            %get3A_478 = tpu.vector_load %arg6[%get3A_476, %get3A_477] {strides = array<i32>} : memref<32x512xf32, #tpu.memory_space<vmem>>, vector<16xf32>,
            %add3A_479 = arith.addf %get3A_474, %get3A_478 : vector<16xf32>
            %swap3A_480 = arith.index_cast %add3A_88 : i32 to index
            %swap3A_481 = arith.constant 496 : index
            %swap3A_482 = tpu.vector_load %arg7[%swap3A_480, %swap3A_481] {strides = array<i32>} : memref<8x512xf32, #tpu.memory_space<vmem>>, vector<16xf32>,
            tpu.vector_store %arg7[%swap3A_480, %swap3A_481], %add3A_479 {strides = array<i32>} : memref<8x512xf32, #tpu.memory_space<vmem>>, vector<16xf32>,
          }
        }
        %scan3A_83 = arith.constant 8 : i32
      }
      %while3A_68 = arith.constant 1 : i32
      scf.for %while3A_74 = %while3A_66 to %while3A_62 step %while3A_68  : i32 {
        %mul3A_75 = arith.muli %while3A_74, %while3A : i32
        %add3A_76 = arith.addi %while3A_59, %mul3A_75 : i32
        %mul3A_77 = arith.constant 32 : i32
        %mul3A_78 = arith.muli %add3A_76, %mul3A_77 : i32
        "tpu.region"() ({
          %run_scoped3A = tpu.sem_alloc : memref<!tpu.dma_semaphore, #tpu.memory_space<semaphore_mem>>
          %dma_start3A = arith.constant 0 : i32
          %dma_start3A_84 = tpu.memref_slice %arg2[%add3A, %mul3A_78, %dma_start3A] : memref<16x4096x512xf32, #tpu.memory_space<hbm>> -> memref<1x32x512xf32, #tpu.memory_space<hbm>>
          %dma_start3A_85 = tpu.memref_squeeze %dma_start3A_84 : memref<1x32x512xf32, #tpu.memory_space<hbm>> -> memref<32x512xf32, #tpu.memory_space<hbm>>
          %dma_start3A_86 = arith.constant 0 : i32
          %dma_start3A_87 = tpu.memref_slice %arg2[%add3A, %mul3A_78, %dma_start3A_86] : memref<16x4096x512xf32, #tpu.memory_space<hbm>> -> memref<1x32x512xf32, #tpu.memory_space<hbm>>
          %dma_start3A_88 = tpu.memref_squeeze %dma_start3A_87 : memref<1x32x512xf32, #tpu.memory_space<hbm>> -> memref<32x512xf32, #tpu.memory_space<hbm>>
          tpu.enqueue_dma source(%dma_start3A_88 : memref<32x512xf32, #tpu.memory_space<hbm>>) target(%arg6 : memref<32x512xf32, #tpu.memory_space<vmem>>) target_semaphore(%run_scoped3A : memref<!tpu.dma_semaphore, #tpu.memory_space<semaphore_mem>>)
          %dma_wait3A = arith.constant 0 : i32
          %dma_wait3A_89 = tpu.memref_slice %arg2[%add3A, %mul3A_78, %dma_wait3A] : memref<16x4096x512xf32, #tpu.memory_space<hbm>> -> memref<1x32x512xf32, #tpu.memory_space<hbm>>
          %dma_wait3A_90 = tpu.memref_squeeze %dma_wait3A_89 : memref<1x32x512xf32, #tpu.memory_space<hbm>> -> memref<32x512xf32, #tpu.memory_space<hbm>>
          %dma_wait3A_91 = arith.constant 0 : i32
          %dma_wait3A_92 = tpu.memref_slice %arg2[%add3A, %mul3A_78, %dma_wait3A_91] : memref<16x4096x512xf32, #tpu.memory_space<hbm>> -> memref<1x32x512xf32, #tpu.memory_space<hbm>>
          %dma_wait3A_93 = tpu.memref_squeeze %dma_wait3A_92 : memref<1x32x512xf32, #tpu.memory_space<hbm>> -> memref<32x512xf32, #tpu.memory_space<hbm>>
          tpu.wait_dma2 semaphore(%run_scoped3A : memref<!tpu.dma_semaphore, #tpu.memory_space<semaphore_mem>>) src(%dma_wait3A_93 : memref<32x512xf32, #tpu.memory_space<hbm>>) dst(%arg6 : memref<32x512xf32, #tpu.memory_space<vmem>>)
          tpu.yield
        }) : () -> ()
        %scan3A_79 = arith.constant 0 : i32
        %scan3A_80 = arith.constant 8 : i32
        %scan3A_81 = arith.addi %scan3A_79, %scan3A_80 : i32
        %scan3A_82 = arith.constant 1 : i32
        scf.for %scan3A_84 = %scan3A_79 to %scan3A_81 step %scan3A_82  : i32 {
          %mul3A_85 = arith.constant 1 : i32
          %mul3A_86 = arith.muli %scan3A_84, %mul3A_85 : i32
          %add3A_87 = arith.constant 0 : i32
          %add3A_88 = arith.addi %add3A_87, %mul3A_86 : i32
          %eq3A_89 = vector.broadcast %add3A_88 : i32 to vector<16xi32>
          %eq3A_90 = arith.cmpi eq, %iota3A, %eq3A_89 : vector<16xi32>
          %jit3A_91 = arith.constant 0 : i32
          %broadcast_in_dim3A_92 = vector.broadcast %jit3A_91 : i32 to vector<16xi32>
          %select_n3A_93 = arith.select %eq3A_90, %get3A_16, %broadcast_in_dim3A_92 : vector<16xi1>, vector<16xi32>
          %reduce_sum3A_94 = arith.constant true
          %reduce_sum3A_95 = vector.broadcast %reduce_sum3A_94 : i1 to vector<16xi1>
          %reduce_sum3A_96 = tpu.scan <sum>, %select_n3A_93 masked %reduce_sum3A_95 : vector<16xi32>, vector<16xi1> -> vector<16xi32>
          %reduce_sum3A_97 = vector.extract %reduce_sum3A_96[15] : i32 from vector<16xi32>
          %max3A = arith.maxsi %reduce_sum3A_97, %mul3A_78 : i32
          %add3A_98 = arith.constant 1 : i32
          %add3A_99 = arith.addi %add3A_88, %add3A_98 : i32
          %eq3A_100 = vector.broadcast %add3A_99 : i32 to vector<16xi32>
          %eq3A_101 = arith.cmpi eq, %iota3A, %eq3A_100 : vector<16xi32>
          %jit3A_102 = arith.constant 0 : i32
          %broadcast_in_dim3A_103 = vector.broadcast %jit3A_102 : i32 to vector<16xi32>
          %select_n3A_104 = arith.select %eq3A_101, %get3A_16, %broadcast_in_dim3A_103 : vector<16xi1>, vector<16xi32>
          %reduce_sum3A_105 = arith.constant true
          %reduce_sum3A_106 = vector.broadcast %reduce_sum3A_105 : i1 to vector<16xi1>
          %reduce_sum3A_107 = tpu.scan <sum>, %select_n3A_104 masked %reduce_sum3A_106 : vector<16xi32>, vector<16xi1> -> vector<16xi32>
          %reduce_sum3A_108 = vector.extract %reduce_sum3A_107[15] : i32 from vector<16xi32>
          %add3A_109 = arith.constant 32 : i32
          %add3A_110 = arith.addi %mul3A_78, %add3A_109 : i32
          %min3A = arith.minsi %reduce_sum3A_108, %add3A_110 : i32
          %sub3A_111 = arith.subi %min3A, %max3A : i32
          %sub3A_112 = arith.constant 1 : i32
          %sub3A_113 = arith.constant 1 : i32
          %sub3A_114 = arith.subi %sub3A_112, %sub3A_113 : i32
          %add3A_115 = arith.addi %sub3A_111, %sub3A_114 : i32
          %div3A_116 = arith.constant 1 : i32
          %div3A_117 = arith.divsi %add3A_115, %div3A_116 : i32
          %while3A_118 = arith.constant 1 : i32
          %while3A_119 = arith.constant 0 : i32
          %while3A_120 = arith.subi %div3A_117, %while3A_119 : i32
          %while3A_121 = arith.addi %while3A_119, %while3A_120 : i32
          %while3A_122 = arith.constant 1 : i32
          %while3A_123 = arith.divsi %while3A_120, %while3A_122 : i32
          %while3A_124 = arith.muli %while3A_123, %while3A_122 : i32
          %while3A_125 = arith.addi %while3A_119, %while3A_124 : i32
          %while3A_126 = arith.constant 1 : i32
          scf.for %while3A_128 = %while3A_119 to %while3A_125 step %while3A_126  : i32 {
            %mul3A_129 = arith.muli %while3A_128, %while3A_118 : i32
            %add3A_130 = arith.addi %max3A, %mul3A_129 : i32
            %get3A_131 = arith.index_cast %add3A_88 : i32 to index
            %get3A_132 = arith.constant 0 : index
            %get3A_133 = tpu.vector_load %arg7[%get3A_131, %get3A_132] {strides = array<i32>} : memref<8x512xf32, #tpu.memory_space<vmem>>, vector<16xf32>,
            %sub3A_134 = arith.subi %add3A_130, %mul3A_78 : i32
            %get3A_135 = arith.index_cast %sub3A_134 : i32 to index
            %get3A_136 = arith.constant 0 : index
            %get3A_137 = tpu.vector_load %arg6[%get3A_135, %get3A_136] {strides = array<i32>} : memref<32x512xf32, #tpu.memory_space<vmem>>, vector<16xf32>,
            %add3A_138 = arith.addf %get3A_133, %get3A_137 : vector<16xf32>
            %swap3A_139 = arith.index_cast %add3A_88 : i32 to index
            %swap3A_140 = arith.constant 0 : index
            %swap3A_141 = tpu.vector_load %arg7[%swap3A_139, %swap3A_140] {strides = array<i32>} : memref<8x512xf32, #tpu.memory_space<vmem>>, vector<16xf32>,
            tpu.vector_store %arg7[%swap3A_139, %swap3A_140], %add3A_138 {strides = array<i32>} : memref<8x512xf32, #tpu.memory_space<vmem>>, vector<16xf32>,
            %get3A_142 = arith.index_cast %add3A_88 : i32 to index
            %get3A_143 = arith.constant 16 : index
            %get3A_144 = tpu.vector_load %arg7[%get3A_142, %get3A_143] {strides = array<i32>} : memref<8x512xf32, #tpu.memory_space<vmem>>, vector<16xf32>,
            %sub3A_145 = arith.subi %add3A_130, %mul3A_78 : i32
            %get3A_146 = arith.index_cast %sub3A_145 : i32 to index
            %get3A_147 = arith.constant 16 : index
            %get3A_148 = tpu.vector_load %arg6[%get3A_146, %get3A_147] {strides = array<i32>} : memref<32x512xf32, #tpu.memory_space<vmem>>, vector<16xf32>,
            %add3A_149 = arith.addf %get3A_144, %get3A_148 : vector<16xf32>
            %swap3A_150 = arith.index_cast %add3A_88 : i32 to index
            %swap3A_151 = arith.constant 16 : index
            %swap3A_152 = tpu.vector_load %arg7[%swap3A_150, %swap3A_151] {strides = array<i32>} : memref<8x512xf32, #tpu.memory_space<vmem>>, vector<16xf32>,
            tpu.vector_store %arg7[%swap3A_150, %swap3A_151], %add3A_149 {strides = array<i32>} : memref<8x512xf32, #tpu.memory_space<vmem>>, vector<16xf32>,
            %get3A_153 = arith.index_cast %add3A_88 : i32 to index
            %get3A_154 = arith.constant 32 : index
            %get3A_155 = tpu.vector_load %arg7[%get3A_153, %get3A_154] {strides = array<i32>} : memref<8x512xf32, #tpu.memory_space<vmem>>, vector<16xf32>,
            %sub3A_156 = arith.subi %add3A_130, %mul3A_78 : i32
            %get3A_157 = arith.index_cast %sub3A_156 : i32 to index
            %get3A_158 = arith.constant 32 : index
            %get3A_159 = tpu.vector_load %arg6[%get3A_157, %get3A_158] {strides = array<i32>} : memref<32x512xf32, #tpu.memory_space<vmem>>, vector<16xf32>,
            %add3A_160 = arith.addf %get3A_155, %get3A_159 : vector<16xf32>
            %swap3A_161 = arith.index_cast %add3A_88 : i32 to index
            %swap3A_162 = arith.constant 32 : index
            %swap3A_163 = tpu.vector_load %arg7[%swap3A_161, %swap3A_162] {strides = array<i32>} : memref<8x512xf32, #tpu.memory_space<vmem>>, vector<16xf32>,
            tpu.vector_store %arg7[%swap3A_161, %swap3A_162], %add3A_160 {strides = array<i32>} : memref<8x512xf32, #tpu.memory_space<vmem>>, vector<16xf32>,
            %get3A_164 = arith.index_cast %add3A_88 : i32 to index
            %get3A_165 = arith.constant 48 : index
            %get3A_166 = tpu.vector_load %arg7[%get3A_164, %get3A_165] {strides = array<i32>} : memref<8x512xf32, #tpu.memory_space<vmem>>, vector<16xf32>,
            %sub3A_167 = arith.subi %add3A_130, %mul3A_78 : i32
            %get3A_168 = arith.index_cast %sub3A_167 : i32 to index
            %get3A_169 = arith.constant 48 : index
            %get3A_170 = tpu.vector_load %arg6[%get3A_168, %get3A_169] {strides = array<i32>} : memref<32x512xf32, #tpu.memory_space<vmem>>, vector<16xf32>,
            %add3A_171 = arith.addf %get3A_166, %get3A_170 : vector<16xf32>
            %swap3A_172 = arith.index_cast %add3A_88 : i32 to index
            %swap3A_173 = arith.constant 48 : index
            %swap3A_174 = tpu.vector_load %arg7[%swap3A_172, %swap3A_173] {strides = array<i32>} : memref<8x512xf32, #tpu.memory_space<vmem>>, vector<16xf32>,
            tpu.vector_store %arg7[%swap3A_172, %swap3A_173], %add3A_171 {strides = array<i32>} : memref<8x512xf32, #tpu.memory_space<vmem>>, vector<16xf32>,
            %get3A_175 = arith.index_cast %add3A_88 : i32 to index
            %get3A_176 = arith.constant 64 : index
            %get3A_177 = tpu.vector_load %arg7[%get3A_175, %get3A_176] {strides = array<i32>} : memref<8x512xf32, #tpu.memory_space<vmem>>, vector<16xf32>,
            %sub3A_178 = arith.subi %add3A_130, %mul3A_78 : i32
            %get3A_179 = arith.index_cast %sub3A_178 : i32 to index
            %get3A_180 = arith.constant 64 : index
            %get3A_181 = tpu.vector_load %arg6[%get3A_179, %get3A_180] {strides = array<i32>} : memref<32x512xf32, #tpu.memory_space<vmem>>, vector<16xf32>,
            %add3A_182 = arith.addf %get3A_177, %get3A_181 : vector<16xf32>
            %swap3A_183 = arith.index_cast %add3A_88 : i32 to index
            %swap3A_184 = arith.constant 64 : index
            %swap3A_185 = tpu.vector_load %arg7[%swap3A_183, %swap3A_184] {strides = array<i32>} : memref<8x512xf32, #tpu.memory_space<vmem>>, vector<16xf32>,
            tpu.vector_store %arg7[%swap3A_183, %swap3A_184], %add3A_182 {strides = array<i32>} : memref<8x512xf32, #tpu.memory_space<vmem>>, vector<16xf32>,
            %get3A_186 = arith.index_cast %add3A_88 : i32 to index
            %get3A_187 = arith.constant 80 : index
            %get3A_188 = tpu.vector_load %arg7[%get3A_186, %get3A_187] {strides = array<i32>} : memref<8x512xf32, #tpu.memory_space<vmem>>, vector<16xf32>,
            %sub3A_189 = arith.subi %add3A_130, %mul3A_78 : i32
            %get3A_190 = arith.index_cast %sub3A_189 : i32 to index
            %get3A_191 = arith.constant 80 : index
            %get3A_192 = tpu.vector_load %arg6[%get3A_190, %get3A_191] {strides = array<i32>} : memref<32x512xf32, #tpu.memory_space<vmem>>, vector<16xf32>,
            %add3A_193 = arith.addf %get3A_188, %get3A_192 : vector<16xf32>
            %swap3A_194 = arith.index_cast %add3A_88 : i32 to index
            %swap3A_195 = arith.constant 80 : index
            %swap3A_196 = tpu.vector_load %arg7[%swap3A_194, %swap3A_195] {strides = array<i32>} : memref<8x512xf32, #tpu.memory_space<vmem>>, vector<16xf32>,
            tpu.vector_store %arg7[%swap3A_194, %swap3A_195], %add3A_193 {strides = array<i32>} : memref<8x512xf32, #tpu.memory_space<vmem>>, vector<16xf32>,
            %get3A_197 = arith.index_cast %add3A_88 : i32 to index
            %get3A_198 = arith.constant 96 : index
            %get3A_199 = tpu.vector_load %arg7[%get3A_197, %get3A_198] {strides = array<i32>} : memref<8x512xf32, #tpu.memory_space<vmem>>, vector<16xf32>,
            %sub3A_200 = arith.subi %add3A_130, %mul3A_78 : i32
            %get3A_201 = arith.index_cast %sub3A_200 : i32 to index
            %get3A_202 = arith.constant 96 : index
            %get3A_203 = tpu.vector_load %arg6[%get3A_201, %get3A_202] {strides = array<i32>} : memref<32x512xf32, #tpu.memory_space<vmem>>, vector<16xf32>,
            %add3A_204 = arith.addf %get3A_199, %get3A_203 : vector<16xf32>
            %swap3A_205 = arith.index_cast %add3A_88 : i32 to index
            %swap3A_206 = arith.constant 96 : index
            %swap3A_207 = tpu.vector_load %arg7[%swap3A_205, %swap3A_206] {strides = array<i32>} : memref<8x512xf32, #tpu.memory_space<vmem>>, vector<16xf32>,
            tpu.vector_store %arg7[%swap3A_205, %swap3A_206], %add3A_204 {strides = array<i32>} : memref<8x512xf32, #tpu.memory_space<vmem>>, vector<16xf32>,
            %get3A_208 = arith.index_cast %add3A_88 : i32 to index
            %get3A_209 = arith.constant 112 : index
            %get3A_210 = tpu.vector_load %arg7[%get3A_208, %get3A_209] {strides = array<i32>} : memref<8x512xf32, #tpu.memory_space<vmem>>, vector<16xf32>,
            %sub3A_211 = arith.subi %add3A_130, %mul3A_78 : i32
            %get3A_212 = arith.index_cast %sub3A_211 : i32 to index
            %get3A_213 = arith.constant 112 : index
            %get3A_214 = tpu.vector_load %arg6[%get3A_212, %get3A_213] {strides = array<i32>} : memref<32x512xf32, #tpu.memory_space<vmem>>, vector<16xf32>,
            %add3A_215 = arith.addf %get3A_210, %get3A_214 : vector<16xf32>
            %swap3A_216 = arith.index_cast %add3A_88 : i32 to index
            %swap3A_217 = arith.constant 112 : index
            %swap3A_218 = tpu.vector_load %arg7[%swap3A_216, %swap3A_217] {strides = array<i32>} : memref<8x512xf32, #tpu.memory_space<vmem>>, vector<16xf32>,
            tpu.vector_store %arg7[%swap3A_216, %swap3A_217], %add3A_215 {strides = array<i32>} : memref<8x512xf32, #tpu.memory_space<vmem>>, vector<16xf32>,
            %get3A_219 = arith.index_cast %add3A_88 : i32 to index
            %get3A_220 = arith.constant 128 : index
            %get3A_221 = tpu.vector_load %arg7[%get3A_219, %get3A_220] {strides = array<i32>} : memref<8x512xf32, #tpu.memory_space<vmem>>, vector<16xf32>,
            %sub3A_222 = arith.subi %add3A_130, %mul3A_78 : i32
            %get3A_223 = arith.index_cast %sub3A_222 : i32 to index
            %get3A_224 = arith.constant 128 : index
            %get3A_225 = tpu.vector_load %arg6[%get3A_223, %get3A_224] {strides = array<i32>} : memref<32x512xf32, #tpu.memory_space<vmem>>, vector<16xf32>,
            %add3A_226 = arith.addf %get3A_221, %get3A_225 : vector<16xf32>
            %swap3A_227 = arith.index_cast %add3A_88 : i32 to index
            %swap3A_228 = arith.constant 128 : index
            %swap3A_229 = tpu.vector_load %arg7[%swap3A_227, %swap3A_228] {strides = array<i32>} : memref<8x512xf32, #tpu.memory_space<vmem>>, vector<16xf32>,
            tpu.vector_store %arg7[%swap3A_227, %swap3A_228], %add3A_226 {strides = array<i32>} : memref<8x512xf32, #tpu.memory_space<vmem>>, vector<16xf32>,
            %get3A_230 = arith.index_cast %add3A_88 : i32 to index
            %get3A_231 = arith.constant 144 : index
            %get3A_232 = tpu.vector_load %arg7[%get3A_230, %get3A_231] {strides = array<i32>} : memref<8x512xf32, #tpu.memory_space<vmem>>, vector<16xf32>,
            %sub3A_233 = arith.subi %add3A_130, %mul3A_78 : i32
            %get3A_234 = arith.index_cast %sub3A_233 : i32 to index
            %get3A_235 = arith.constant 144 : index
            %get3A_236 = tpu.vector_load %arg6[%get3A_234, %get3A_235] {strides = array<i32>} : memref<32x512xf32, #tpu.memory_space<vmem>>, vector<16xf32>,
            %add3A_237 = arith.addf %get3A_232, %get3A_236 : vector<16xf32>
            %swap3A_238 = arith.index_cast %add3A_88 : i32 to index
            %swap3A_239 = arith.constant 144 : index
            %swap3A_240 = tpu.vector_load %arg7[%swap3A_238, %swap3A_239] {strides = array<i32>} : memref<8x512xf32, #tpu.memory_space<vmem>>, vector<16xf32>,
            tpu.vector_store %arg7[%swap3A_238, %swap3A_239], %add3A_237 {strides = array<i32>} : memref<8x512xf32, #tpu.memory_space<vmem>>, vector<16xf32>,
            %get3A_241 = arith.index_cast %add3A_88 : i32 to index
            %get3A_242 = arith.constant 160 : index
            %get3A_243 = tpu.vector_load %arg7[%get3A_241, %get3A_242] {strides = array<i32>} : memref<8x512xf32, #tpu.memory_space<vmem>>, vector<16xf32>,
            %sub3A_244 = arith.subi %add3A_130, %mul3A_78 : i32
            %get3A_245 = arith.index_cast %sub3A_244 : i32 to index
            %get3A_246 = arith.constant 160 : index
            %get3A_247 = tpu.vector_load %arg6[%get3A_245, %get3A_246] {strides = array<i32>} : memref<32x512xf32, #tpu.memory_space<vmem>>, vector<16xf32>,
            %add3A_248 = arith.addf %get3A_243, %get3A_247 : vector<16xf32>
            %swap3A_249 = arith.index_cast %add3A_88 : i32 to index
            %swap3A_250 = arith.constant 160 : index
            %swap3A_251 = tpu.vector_load %arg7[%swap3A_249, %swap3A_250] {strides = array<i32>} : memref<8x512xf32, #tpu.memory_space<vmem>>, vector<16xf32>,
            tpu.vector_store %arg7[%swap3A_249, %swap3A_250], %add3A_248 {strides = array<i32>} : memref<8x512xf32, #tpu.memory_space<vmem>>, vector<16xf32>,
            %get3A_252 = arith.index_cast %add3A_88 : i32 to index
            %get3A_253 = arith.constant 176 : index
            %get3A_254 = tpu.vector_load %arg7[%get3A_252, %get3A_253] {strides = array<i32>} : memref<8x512xf32, #tpu.memory_space<vmem>>, vector<16xf32>,
            %sub3A_255 = arith.subi %add3A_130, %mul3A_78 : i32
            %get3A_256 = arith.index_cast %sub3A_255 : i32 to index
            %get3A_257 = arith.constant 176 : index
            %get3A_258 = tpu.vector_load %arg6[%get3A_256, %get3A_257] {strides = array<i32>} : memref<32x512xf32, #tpu.memory_space<vmem>>, vector<16xf32>,
            %add3A_259 = arith.addf %get3A_254, %get3A_258 : vector<16xf32>
            %swap3A_260 = arith.index_cast %add3A_88 : i32 to index
            %swap3A_261 = arith.constant 176 : index
            %swap3A_262 = tpu.vector_load %arg7[%swap3A_260, %swap3A_261] {strides = array<i32>} : memref<8x512xf32, #tpu.memory_space<vmem>>, vector<16xf32>,
            tpu.vector_store %arg7[%swap3A_260, %swap3A_261], %add3A_259 {strides = array<i32>} : memref<8x512xf32, #tpu.memory_space<vmem>>, vector<16xf32>,
            %get3A_263 = arith.index_cast %add3A_88 : i32 to index
            %get3A_264 = arith.constant 192 : index
            %get3A_265 = tpu.vector_load %arg7[%get3A_263, %get3A_264] {strides = array<i32>} : memref<8x512xf32, #tpu.memory_space<vmem>>, vector<16xf32>,
            %sub3A_266 = arith.subi %add3A_130, %mul3A_78 : i32
            %get3A_267 = arith.index_cast %sub3A_266 : i32 to index
            %get3A_268 = arith.constant 192 : index
            %get3A_269 = tpu.vector_load %arg6[%get3A_267, %get3A_268] {strides = array<i32>} : memref<32x512xf32, #tpu.memory_space<vmem>>, vector<16xf32>,
            %add3A_270 = arith.addf %get3A_265, %get3A_269 : vector<16xf32>
            %swap3A_271 = arith.index_cast %add3A_88 : i32 to index
            %swap3A_272 = arith.constant 192 : index
            %swap3A_273 = tpu.vector_load %arg7[%swap3A_271, %swap3A_272] {strides = array<i32>} : memref<8x512xf32, #tpu.memory_space<vmem>>, vector<16xf32>,
            tpu.vector_store %arg7[%swap3A_271, %swap3A_272], %add3A_270 {strides = array<i32>} : memref<8x512xf32, #tpu.memory_space<vmem>>, vector<16xf32>,
            %get3A_274 = arith.index_cast %add3A_88 : i32 to index
            %get3A_275 = arith.constant 208 : index
            %get3A_276 = tpu.vector_load %arg7[%get3A_274, %get3A_275] {strides = array<i32>} : memref<8x512xf32, #tpu.memory_space<vmem>>, vector<16xf32>,
            %sub3A_277 = arith.subi %add3A_130, %mul3A_78 : i32
            %get3A_278 = arith.index_cast %sub3A_277 : i32 to index
            %get3A_279 = arith.constant 208 : index
            %get3A_280 = tpu.vector_load %arg6[%get3A_278, %get3A_279] {strides = array<i32>} : memref<32x512xf32, #tpu.memory_space<vmem>>, vector<16xf32>,
            %add3A_281 = arith.addf %get3A_276, %get3A_280 : vector<16xf32>
            %swap3A_282 = arith.index_cast %add3A_88 : i32 to index
            %swap3A_283 = arith.constant 208 : index
            %swap3A_284 = tpu.vector_load %arg7[%swap3A_282, %swap3A_283] {strides = array<i32>} : memref<8x512xf32, #tpu.memory_space<vmem>>, vector<16xf32>,
            tpu.vector_store %arg7[%swap3A_282, %swap3A_283], %add3A_281 {strides = array<i32>} : memref<8x512xf32, #tpu.memory_space<vmem>>, vector<16xf32>,
            %get3A_285 = arith.index_cast %add3A_88 : i32 to index
            %get3A_286 = arith.constant 224 : index
            %get3A_287 = tpu.vector_load %arg7[%get3A_285, %get3A_286] {strides = array<i32>} : memref<8x512xf32, #tpu.memory_space<vmem>>, vector<16xf32>,
            %sub3A_288 = arith.subi %add3A_130, %mul3A_78 : i32
            %get3A_289 = arith.index_cast %sub3A_288 : i32 to index
            %get3A_290 = arith.constant 224 : index
            %get3A_291 = tpu.vector_load %arg6[%get3A_289, %get3A_290] {strides = array<i32>} : memref<32x512xf32, #tpu.memory_space<vmem>>, vector<16xf32>,
            %add3A_292 = arith.addf %get3A_287, %get3A_291 : vector<16xf32>
            %swap3A_293 = arith.index_cast %add3A_88 : i32 to index
            %swap3A_294 = arith.constant 224 : index
            %swap3A_295 = tpu.vector_load %arg7[%swap3A_293, %swap3A_294] {strides = array<i32>} : memref<8x512xf32, #tpu.memory_space<vmem>>, vector<16xf32>,
            tpu.vector_store %arg7[%swap3A_293, %swap3A_294], %add3A_292 {strides = array<i32>} : memref<8x512xf32, #tpu.memory_space<vmem>>, vector<16xf32>,
            %get3A_296 = arith.index_cast %add3A_88 : i32 to index
            %get3A_297 = arith.constant 240 : index
            %get3A_298 = tpu.vector_load %arg7[%get3A_296, %get3A_297] {strides = array<i32>} : memref<8x512xf32, #tpu.memory_space<vmem>>, vector<16xf32>,
            %sub3A_299 = arith.subi %add3A_130, %mul3A_78 : i32
            %get3A_300 = arith.index_cast %sub3A_299 : i32 to index
            %get3A_301 = arith.constant 240 : index
            %get3A_302 = tpu.vector_load %arg6[%get3A_300, %get3A_301] {strides = array<i32>} : memref<32x512xf32, #tpu.memory_space<vmem>>, vector<16xf32>,
            %add3A_303 = arith.addf %get3A_298, %get3A_302 : vector<16xf32>
            %swap3A_304 = arith.index_cast %add3A_88 : i32 to index
            %swap3A_305 = arith.constant 240 : index
            %swap3A_306 = tpu.vector_load %arg7[%swap3A_304, %swap3A_305] {strides = array<i32>} : memref<8x512xf32, #tpu.memory_space<vmem>>, vector<16xf32>,
            tpu.vector_store %arg7[%swap3A_304, %swap3A_305], %add3A_303 {strides = array<i32>} : memref<8x512xf32, #tpu.memory_space<vmem>>, vector<16xf32>,
            %get3A_307 = arith.index_cast %add3A_88 : i32 to index
            %get3A_308 = arith.constant 256 : index
            %get3A_309 = tpu.vector_load %arg7[%get3A_307, %get3A_308] {strides = array<i32>} : memref<8x512xf32, #tpu.memory_space<vmem>>, vector<16xf32>,
            %sub3A_310 = arith.subi %add3A_130, %mul3A_78 : i32
            %get3A_311 = arith.index_cast %sub3A_310 : i32 to index
            %get3A_312 = arith.constant 256 : index
            %get3A_313 = tpu.vector_load %arg6[%get3A_311, %get3A_312] {strides = array<i32>} : memref<32x512xf32, #tpu.memory_space<vmem>>, vector<16xf32>,
            %add3A_314 = arith.addf %get3A_309, %get3A_313 : vector<16xf32>
            %swap3A_315 = arith.index_cast %add3A_88 : i32 to index
            %swap3A_316 = arith.constant 256 : index
            %swap3A_317 = tpu.vector_load %arg7[%swap3A_315, %swap3A_316] {strides = array<i32>} : memref<8x512xf32, #tpu.memory_space<vmem>>, vector<16xf32>,
            tpu.vector_store %arg7[%swap3A_315, %swap3A_316], %add3A_314 {strides = array<i32>} : memref<8x512xf32, #tpu.memory_space<vmem>>, vector<16xf32>,
            %get3A_318 = arith.index_cast %add3A_88 : i32 to index
            %get3A_319 = arith.constant 272 : index
            %get3A_320 = tpu.vector_load %arg7[%get3A_318, %get3A_319] {strides = array<i32>} : memref<8x512xf32, #tpu.memory_space<vmem>>, vector<16xf32>,
            %sub3A_321 = arith.subi %add3A_130, %mul3A_78 : i32
            %get3A_322 = arith.index_cast %sub3A_321 : i32 to index
            %get3A_323 = arith.constant 272 : index
            %get3A_324 = tpu.vector_load %arg6[%get3A_322, %get3A_323] {strides = array<i32>} : memref<32x512xf32, #tpu.memory_space<vmem>>, vector<16xf32>,
            %add3A_325 = arith.addf %get3A_320, %get3A_324 : vector<16xf32>
            %swap3A_326 = arith.index_cast %add3A_88 : i32 to index
            %swap3A_327 = arith.constant 272 : index
            %swap3A_328 = tpu.vector_load %arg7[%swap3A_326, %swap3A_327] {strides = array<i32>} : memref<8x512xf32, #tpu.memory_space<vmem>>, vector<16xf32>,
            tpu.vector_store %arg7[%swap3A_326, %swap3A_327], %add3A_325 {strides = array<i32>} : memref<8x512xf32, #tpu.memory_space<vmem>>, vector<16xf32>,
            %get3A_329 = arith.index_cast %add3A_88 : i32 to index
            %get3A_330 = arith.constant 288 : index
            %get3A_331 = tpu.vector_load %arg7[%get3A_329, %get3A_330] {strides = array<i32>} : memref<8x512xf32, #tpu.memory_space<vmem>>, vector<16xf32>,
            %sub3A_332 = arith.subi %add3A_130, %mul3A_78 : i32
            %get3A_333 = arith.index_cast %sub3A_332 : i32 to index
            %get3A_334 = arith.constant 288 : index
            %get3A_335 = tpu.vector_load %arg6[%get3A_333, %get3A_334] {strides = array<i32>} : memref<32x512xf32, #tpu.memory_space<vmem>>, vector<16xf32>,
            %add3A_336 = arith.addf %get3A_331, %get3A_335 : vector<16xf32>
            %swap3A_337 = arith.index_cast %add3A_88 : i32 to index
            %swap3A_338 = arith.constant 288 : index
            %swap3A_339 = tpu.vector_load %arg7[%swap3A_337, %swap3A_338] {strides = array<i32>} : memref<8x512xf32, #tpu.memory_space<vmem>>, vector<16xf32>,
            tpu.vector_store %arg7[%swap3A_337, %swap3A_338], %add3A_336 {strides = array<i32>} : memref<8x512xf32, #tpu.memory_space<vmem>>, vector<16xf32>,
            %get3A_340 = arith.index_cast %add3A_88 : i32 to index
            %get3A_341 = arith.constant 304 : index
            %get3A_342 = tpu.vector_load %arg7[%get3A_340, %get3A_341] {strides = array<i32>} : memref<8x512xf32, #tpu.memory_space<vmem>>, vector<16xf32>,
            %sub3A_343 = arith.subi %add3A_130, %mul3A_78 : i32
            %get3A_344 = arith.index_cast %sub3A_343 : i32 to index
            %get3A_345 = arith.constant 304 : index
            %get3A_346 = tpu.vector_load %arg6[%get3A_344, %get3A_345] {strides = array<i32>} : memref<32x512xf32, #tpu.memory_space<vmem>>, vector<16xf32>,
            %add3A_347 = arith.addf %get3A_342, %get3A_346 : vector<16xf32>
            %swap3A_348 = arith.index_cast %add3A_88 : i32 to index
            %swap3A_349 = arith.constant 304 : index
            %swap3A_350 = tpu.vector_load %arg7[%swap3A_348, %swap3A_349] {strides = array<i32>} : memref<8x512xf32, #tpu.memory_space<vmem>>, vector<16xf32>,
            tpu.vector_store %arg7[%swap3A_348, %swap3A_349], %add3A_347 {strides = array<i32>} : memref<8x512xf32, #tpu.memory_space<vmem>>, vector<16xf32>,
            %get3A_351 = arith.index_cast %add3A_88 : i32 to index
            %get3A_352 = arith.constant 320 : index
            %get3A_353 = tpu.vector_load %arg7[%get3A_351, %get3A_352] {strides = array<i32>} : memref<8x512xf32, #tpu.memory_space<vmem>>, vector<16xf32>,
            %sub3A_354 = arith.subi %add3A_130, %mul3A_78 : i32
            %get3A_355 = arith.index_cast %sub3A_354 : i32 to index
            %get3A_356 = arith.constant 320 : index
            %get3A_357 = tpu.vector_load %arg6[%get3A_355, %get3A_356] {strides = array<i32>} : memref<32x512xf32, #tpu.memory_space<vmem>>, vector<16xf32>,
            %add3A_358 = arith.addf %get3A_353, %get3A_357 : vector<16xf32>
            %swap3A_359 = arith.index_cast %add3A_88 : i32 to index
            %swap3A_360 = arith.constant 320 : index
            %swap3A_361 = tpu.vector_load %arg7[%swap3A_359, %swap3A_360] {strides = array<i32>} : memref<8x512xf32, #tpu.memory_space<vmem>>, vector<16xf32>,
            tpu.vector_store %arg7[%swap3A_359, %swap3A_360], %add3A_358 {strides = array<i32>} : memref<8x512xf32, #tpu.memory_space<vmem>>, vector<16xf32>,
            %get3A_362 = arith.index_cast %add3A_88 : i32 to index
            %get3A_363 = arith.constant 336 : index
            %get3A_364 = tpu.vector_load %arg7[%get3A_362, %get3A_363] {strides = array<i32>} : memref<8x512xf32, #tpu.memory_space<vmem>>, vector<16xf32>,
            %sub3A_365 = arith.subi %add3A_130, %mul3A_78 : i32
            %get3A_366 = arith.index_cast %sub3A_365 : i32 to index
            %get3A_367 = arith.constant 336 : index
            %get3A_368 = tpu.vector_load %arg6[%get3A_366, %get3A_367] {strides = array<i32>} : memref<32x512xf32, #tpu.memory_space<vmem>>, vector<16xf32>,
            %add3A_369 = arith.addf %get3A_364, %get3A_368 : vector<16xf32>
            %swap3A_370 = arith.index_cast %add3A_88 : i32 to index
            %swap3A_371 = arith.constant 336 : index
            %swap3A_372 = tpu.vector_load %arg7[%swap3A_370, %swap3A_371] {strides = array<i32>} : memref<8x512xf32, #tpu.memory_space<vmem>>, vector<16xf32>,
            tpu.vector_store %arg7[%swap3A_370, %swap3A_371], %add3A_369 {strides = array<i32>} : memref<8x512xf32, #tpu.memory_space<vmem>>, vector<16xf32>,
            %get3A_373 = arith.index_cast %add3A_88 : i32 to index
            %get3A_374 = arith.constant 352 : index
            %get3A_375 = tpu.vector_load %arg7[%get3A_373, %get3A_374] {strides = array<i32>} : memref<8x512xf32, #tpu.memory_space<vmem>>, vector<16xf32>,
            %sub3A_376 = arith.subi %add3A_130, %mul3A_78 : i32
            %get3A_377 = arith.index_cast %sub3A_376 : i32 to index
            %get3A_378 = arith.constant 352 : index
            %get3A_379 = tpu.vector_load %arg6[%get3A_377, %get3A_378] {strides = array<i32>} : memref<32x512xf32, #tpu.memory_space<vmem>>, vector<16xf32>,
            %add3A_380 = arith.addf %get3A_375, %get3A_379 : vector<16xf32>
            %swap3A_381 = arith.index_cast %add3A_88 : i32 to index
            %swap3A_382 = arith.constant 352 : index
            %swap3A_383 = tpu.vector_load %arg7[%swap3A_381, %swap3A_382] {strides = array<i32>} : memref<8x512xf32, #tpu.memory_space<vmem>>, vector<16xf32>,
            tpu.vector_store %arg7[%swap3A_381, %swap3A_382], %add3A_380 {strides = array<i32>} : memref<8x512xf32, #tpu.memory_space<vmem>>, vector<16xf32>,
            %get3A_384 = arith.index_cast %add3A_88 : i32 to index
            %get3A_385 = arith.constant 368 : index
            %get3A_386 = tpu.vector_load %arg7[%get3A_384, %get3A_385] {strides = array<i32>} : memref<8x512xf32, #tpu.memory_space<vmem>>, vector<16xf32>,
            %sub3A_387 = arith.subi %add3A_130, %mul3A_78 : i32
            %get3A_388 = arith.index_cast %sub3A_387 : i32 to index
            %get3A_389 = arith.constant 368 : index
            %get3A_390 = tpu.vector_load %arg6[%get3A_388, %get3A_389] {strides = array<i32>} : memref<32x512xf32, #tpu.memory_space<vmem>>, vector<16xf32>,
            %add3A_391 = arith.addf %get3A_386, %get3A_390 : vector<16xf32>
            %swap3A_392 = arith.index_cast %add3A_88 : i32 to index
            %swap3A_393 = arith.constant 368 : index
            %swap3A_394 = tpu.vector_load %arg7[%swap3A_392, %swap3A_393] {strides = array<i32>} : memref<8x512xf32, #tpu.memory_space<vmem>>, vector<16xf32>,
            tpu.vector_store %arg7[%swap3A_392, %swap3A_393], %add3A_391 {strides = array<i32>} : memref<8x512xf32, #tpu.memory_space<vmem>>, vector<16xf32>,
            %get3A_395 = arith.index_cast %add3A_88 : i32 to index
            %get3A_396 = arith.constant 384 : index
            %get3A_397 = tpu.vector_load %arg7[%get3A_395, %get3A_396] {strides = array<i32>} : memref<8x512xf32, #tpu.memory_space<vmem>>, vector<16xf32>,
            %sub3A_398 = arith.subi %add3A_130, %mul3A_78 : i32
            %get3A_399 = arith.index_cast %sub3A_398 : i32 to index
            %get3A_400 = arith.constant 384 : index
            %get3A_401 = tpu.vector_load %arg6[%get3A_399, %get3A_400] {strides = array<i32>} : memref<32x512xf32, #tpu.memory_space<vmem>>, vector<16xf32>,
            %add3A_402 = arith.addf %get3A_397, %get3A_401 : vector<16xf32>
            %swap3A_403 = arith.index_cast %add3A_88 : i32 to index
            %swap3A_404 = arith.constant 384 : index
            %swap3A_405 = tpu.vector_load %arg7[%swap3A_403, %swap3A_404] {strides = array<i32>} : memref<8x512xf32, #tpu.memory_space<vmem>>, vector<16xf32>,
            tpu.vector_store %arg7[%swap3A_403, %swap3A_404], %add3A_402 {strides = array<i32>} : memref<8x512xf32, #tpu.memory_space<vmem>>, vector<16xf32>,
            %get3A_406 = arith.index_cast %add3A_88 : i32 to index
            %get3A_407 = arith.constant 400 : index
            %get3A_408 = tpu.vector_load %arg7[%get3A_406, %get3A_407] {strides = array<i32>} : memref<8x512xf32, #tpu.memory_space<vmem>>, vector<16xf32>,
            %sub3A_409 = arith.subi %add3A_130, %mul3A_78 : i32
            %get3A_410 = arith.index_cast %sub3A_409 : i32 to index
            %get3A_411 = arith.constant 400 : index
            %get3A_412 = tpu.vector_load %arg6[%get3A_410, %get3A_411] {strides = array<i32>} : memref<32x512xf32, #tpu.memory_space<vmem>>, vector<16xf32>,
            %add3A_413 = arith.addf %get3A_408, %get3A_412 : vector<16xf32>
            %swap3A_414 = arith.index_cast %add3A_88 : i32 to index
            %swap3A_415 = arith.constant 400 : index
            %swap3A_416 = tpu.vector_load %arg7[%swap3A_414, %swap3A_415] {strides = array<i32>} : memref<8x512xf32, #tpu.memory_space<vmem>>, vector<16xf32>,
            tpu.vector_store %arg7[%swap3A_414, %swap3A_415], %add3A_413 {strides = array<i32>} : memref<8x512xf32, #tpu.memory_space<vmem>>, vector<16xf32>,
            %get3A_417 = arith.index_cast %add3A_88 : i32 to index
            %get3A_418 = arith.constant 416 : index
            %get3A_419 = tpu.vector_load %arg7[%get3A_417, %get3A_418] {strides = array<i32>} : memref<8x512xf32, #tpu.memory_space<vmem>>, vector<16xf32>,
            %sub3A_420 = arith.subi %add3A_130, %mul3A_78 : i32
            %get3A_421 = arith.index_cast %sub3A_420 : i32 to index
            %get3A_422 = arith.constant 416 : index
            %get3A_423 = tpu.vector_load %arg6[%get3A_421, %get3A_422] {strides = array<i32>} : memref<32x512xf32, #tpu.memory_space<vmem>>, vector<16xf32>,
            %add3A_424 = arith.addf %get3A_419, %get3A_423 : vector<16xf32>
            %swap3A_425 = arith.index_cast %add3A_88 : i32 to index
            %swap3A_426 = arith.constant 416 : index
            %swap3A_427 = tpu.vector_load %arg7[%swap3A_425, %swap3A_426] {strides = array<i32>} : memref<8x512xf32, #tpu.memory_space<vmem>>, vector<16xf32>,
            tpu.vector_store %arg7[%swap3A_425, %swap3A_426], %add3A_424 {strides = array<i32>} : memref<8x512xf32, #tpu.memory_space<vmem>>, vector<16xf32>,
            %get3A_428 = arith.index_cast %add3A_88 : i32 to index
            %get3A_429 = arith.constant 432 : index
            %get3A_430 = tpu.vector_load %arg7[%get3A_428, %get3A_429] {strides = array<i32>} : memref<8x512xf32, #tpu.memory_space<vmem>>, vector<16xf32>,
            %sub3A_431 = arith.subi %add3A_130, %mul3A_78 : i32
            %get3A_432 = arith.index_cast %sub3A_431 : i32 to index
            %get3A_433 = arith.constant 432 : index
            %get3A_434 = tpu.vector_load %arg6[%get3A_432, %get3A_433] {strides = array<i32>} : memref<32x512xf32, #tpu.memory_space<vmem>>, vector<16xf32>,
            %add3A_435 = arith.addf %get3A_430, %get3A_434 : vector<16xf32>
            %swap3A_436 = arith.index_cast %add3A_88 : i32 to index
            %swap3A_437 = arith.constant 432 : index
            %swap3A_438 = tpu.vector_load %arg7[%swap3A_436, %swap3A_437] {strides = array<i32>} : memref<8x512xf32, #tpu.memory_space<vmem>>, vector<16xf32>,
            tpu.vector_store %arg7[%swap3A_436, %swap3A_437], %add3A_435 {strides = array<i32>} : memref<8x512xf32, #tpu.memory_space<vmem>>, vector<16xf32>,
            %get3A_439 = arith.index_cast %add3A_88 : i32 to index
            %get3A_440 = arith.constant 448 : index
            %get3A_441 = tpu.vector_load %arg7[%get3A_439, %get3A_440] {strides = array<i32>} : memref<8x512xf32, #tpu.memory_space<vmem>>, vector<16xf32>,
            %sub3A_442 = arith.subi %add3A_130, %mul3A_78 : i32
            %get3A_443 = arith.index_cast %sub3A_442 : i32 to index
            %get3A_444 = arith.constant 448 : index
            %get3A_445 = tpu.vector_load %arg6[%get3A_443, %get3A_444] {strides = array<i32>} : memref<32x512xf32, #tpu.memory_space<vmem>>, vector<16xf32>,
            %add3A_446 = arith.addf %get3A_441, %get3A_445 : vector<16xf32>
            %swap3A_447 = arith.index_cast %add3A_88 : i32 to index
            %swap3A_448 = arith.constant 448 : index
            %swap3A_449 = tpu.vector_load %arg7[%swap3A_447, %swap3A_448] {strides = array<i32>} : memref<8x512xf32, #tpu.memory_space<vmem>>, vector<16xf32>,
            tpu.vector_store %arg7[%swap3A_447, %swap3A_448], %add3A_446 {strides = array<i32>} : memref<8x512xf32, #tpu.memory_space<vmem>>, vector<16xf32>,
            %get3A_450 = arith.index_cast %add3A_88 : i32 to index
            %get3A_451 = arith.constant 464 : index
            %get3A_452 = tpu.vector_load %arg7[%get3A_450, %get3A_451] {strides = array<i32>} : memref<8x512xf32, #tpu.memory_space<vmem>>, vector<16xf32>,
            %sub3A_453 = arith.subi %add3A_130, %mul3A_78 : i32
            %get3A_454 = arith.index_cast %sub3A_453 : i32 to index
            %get3A_455 = arith.constant 464 : index
            %get3A_456 = tpu.vector_load %arg6[%get3A_454, %get3A_455] {strides = array<i32>} : memref<32x512xf32, #tpu.memory_space<vmem>>, vector<16xf32>,
            %add3A_457 = arith.addf %get3A_452, %get3A_456 : vector<16xf32>
            %swap3A_458 = arith.index_cast %add3A_88 : i32 to index
            %swap3A_459 = arith.constant 464 : index
            %swap3A_460 = tpu.vector_load %arg7[%swap3A_458, %swap3A_459] {strides = array<i32>} : memref<8x512xf32, #tpu.memory_space<vmem>>, vector<16xf32>,
            tpu.vector_store %arg7[%swap3A_458, %swap3A_459], %add3A_457 {strides = array<i32>} : memref<8x512xf32, #tpu.memory_space<vmem>>, vector<16xf32>,
            %get3A_461 = arith.index_cast %add3A_88 : i32 to index
            %get3A_462 = arith.constant 480 : index
            %get3A_463 = tpu.vector_load %arg7[%get3A_461, %get3A_462] {strides = array<i32>} : memref<8x512xf32, #tpu.memory_space<vmem>>, vector<16xf32>,
            %sub3A_464 = arith.subi %add3A_130, %mul3A_78 : i32
            %get3A_465 = arith.index_cast %sub3A_464 : i32 to index
            %get3A_466 = arith.constant 480 : index
            %get3A_467 = tpu.vector_load %arg6[%get3A_465, %get3A_466] {strides = array<i32>} : memref<32x512xf32, #tpu.memory_space<vmem>>, vector<16xf32>,
            %add3A_468 = arith.addf %get3A_463, %get3A_467 : vector<16xf32>
            %swap3A_469 = arith.index_cast %add3A_88 : i32 to index
            %swap3A_470 = arith.constant 480 : index
            %swap3A_471 = tpu.vector_load %arg7[%swap3A_469, %swap3A_470] {strides = array<i32>} : memref<8x512xf32, #tpu.memory_space<vmem>>, vector<16xf32>,
            tpu.vector_store %arg7[%swap3A_469, %swap3A_470], %add3A_468 {strides = array<i32>} : memref<8x512xf32, #tpu.memory_space<vmem>>, vector<16xf32>,
            %get3A_472 = arith.index_cast %add3A_88 : i32 to index
            %get3A_473 = arith.constant 496 : index
            %get3A_474 = tpu.vector_load %arg7[%get3A_472, %get3A_473] {strides = array<i32>} : memref<8x512xf32, #tpu.memory_space<vmem>>, vector<16xf32>,
            %sub3A_475 = arith.subi %add3A_130, %mul3A_78 : i32
            %get3A_476 = arith.index_cast %sub3A_475 : i32 to index
            %get3A_477 = arith.constant 496 : index
            %get3A_478 = tpu.vector_load %arg6[%get3A_476, %get3A_477] {strides = array<i32>} : memref<32x512xf32, #tpu.memory_space<vmem>>, vector<16xf32>,
            %add3A_479 = arith.addf %get3A_474, %get3A_478 : vector<16xf32>
            %swap3A_480 = arith.index_cast %add3A_88 : i32 to index
            %swap3A_481 = arith.constant 496 : index
            %swap3A_482 = tpu.vector_load %arg7[%swap3A_480, %swap3A_481] {strides = array<i32>} : memref<8x512xf32, #tpu.memory_space<vmem>>, vector<16xf32>,
            tpu.vector_store %arg7[%swap3A_480, %swap3A_481], %add3A_479 {strides = array<i32>} : memref<8x512xf32, #tpu.memory_space<vmem>>, vector<16xf32>,
          }
          %while3A_127 = arith.constant 1 : i32
          scf.for %while3A_128 = %while3A_125 to %while3A_121 step %while3A_127  : i32 {
            %mul3A_129 = arith.muli %while3A_128, %while3A_118 : i32
            %add3A_130 = arith.addi %max3A, %mul3A_129 : i32
            %get3A_131 = arith.index_cast %add3A_88 : i32 to index
            %get3A_132 = arith.constant 0 : index
            %get3A_133 = tpu.vector_load %arg7[%get3A_131, %get3A_132] {strides = array<i32>} : memref<8x512xf32, #tpu.memory_space<vmem>>, vector<16xf32>,
            %sub3A_134 = arith.subi %add3A_130, %mul3A_78 : i32
            %get3A_135 = arith.index_cast %sub3A_134 : i32 to index
            %get3A_136 = arith.constant 0 : index
            %get3A_137 = tpu.vector_load %arg6[%get3A_135, %get3A_136] {strides = array<i32>} : memref<32x512xf32, #tpu.memory_space<vmem>>, vector<16xf32>,
            %add3A_138 = arith.addf %get3A_133, %get3A_137 : vector<16xf32>
            %swap3A_139 = arith.index_cast %add3A_88 : i32 to index
            %swap3A_140 = arith.constant 0 : index
            %swap3A_141 = tpu.vector_load %arg7[%swap3A_139, %swap3A_140] {strides = array<i32>} : memref<8x512xf32, #tpu.memory_space<vmem>>, vector<16xf32>,
            tpu.vector_store %arg7[%swap3A_139, %swap3A_140], %add3A_138 {strides = array<i32>} : memref<8x512xf32, #tpu.memory_space<vmem>>, vector<16xf32>,
            %get3A_142 = arith.index_cast %add3A_88 : i32 to index
            %get3A_143 = arith.constant 16 : index
            %get3A_144 = tpu.vector_load %arg7[%get3A_142, %get3A_143] {strides = array<i32>} : memref<8x512xf32, #tpu.memory_space<vmem>>, vector<16xf32>,
            %sub3A_145 = arith.subi %add3A_130, %mul3A_78 : i32
            %get3A_146 = arith.index_cast %sub3A_145 : i32 to index
            %get3A_147 = arith.constant 16 : index
            %get3A_148 = tpu.vector_load %arg6[%get3A_146, %get3A_147] {strides = array<i32>} : memref<32x512xf32, #tpu.memory_space<vmem>>, vector<16xf32>,
            %add3A_149 = arith.addf %get3A_144, %get3A_148 : vector<16xf32>
            %swap3A_150 = arith.index_cast %add3A_88 : i32 to index
            %swap3A_151 = arith.constant 16 : index
            %swap3A_152 = tpu.vector_load %arg7[%swap3A_150, %swap3A_151] {strides = array<i32>} : memref<8x512xf32, #tpu.memory_space<vmem>>, vector<16xf32>,
            tpu.vector_store %arg7[%swap3A_150, %swap3A_151], %add3A_149 {strides = array<i32>} : memref<8x512xf32, #tpu.memory_space<vmem>>, vector<16xf32>,
            %get3A_153 = arith.index_cast %add3A_88 : i32 to index
            %get3A_154 = arith.constant 32 : index
            %get3A_155 = tpu.vector_load %arg7[%get3A_153, %get3A_154] {strides = array<i32>} : memref<8x512xf32, #tpu.memory_space<vmem>>, vector<16xf32>,
            %sub3A_156 = arith.subi %add3A_130, %mul3A_78 : i32
            %get3A_157 = arith.index_cast %sub3A_156 : i32 to index
            %get3A_158 = arith.constant 32 : index
            %get3A_159 = tpu.vector_load %arg6[%get3A_157, %get3A_158] {strides = array<i32>} : memref<32x512xf32, #tpu.memory_space<vmem>>, vector<16xf32>,
            %add3A_160 = arith.addf %get3A_155, %get3A_159 : vector<16xf32>
            %swap3A_161 = arith.index_cast %add3A_88 : i32 to index
            %swap3A_162 = arith.constant 32 : index
            %swap3A_163 = tpu.vector_load %arg7[%swap3A_161, %swap3A_162] {strides = array<i32>} : memref<8x512xf32, #tpu.memory_space<vmem>>, vector<16xf32>,
            tpu.vector_store %arg7[%swap3A_161, %swap3A_162], %add3A_160 {strides = array<i32>} : memref<8x512xf32, #tpu.memory_space<vmem>>, vector<16xf32>,
            %get3A_164 = arith.index_cast %add3A_88 : i32 to index
            %get3A_165 = arith.constant 48 : index
            %get3A_166 = tpu.vector_load %arg7[%get3A_164, %get3A_165] {strides = array<i32>} : memref<8x512xf32, #tpu.memory_space<vmem>>, vector<16xf32>,
            %sub3A_167 = arith.subi %add3A_130, %mul3A_78 : i32
            %get3A_168 = arith.index_cast %sub3A_167 : i32 to index
            %get3A_169 = arith.constant 48 : index
            %get3A_170 = tpu.vector_load %arg6[%get3A_168, %get3A_169] {strides = array<i32>} : memref<32x512xf32, #tpu.memory_space<vmem>>, vector<16xf32>,
            %add3A_171 = arith.addf %get3A_166, %get3A_170 : vector<16xf32>
            %swap3A_172 = arith.index_cast %add3A_88 : i32 to index
            %swap3A_173 = arith.constant 48 : index
            %swap3A_174 = tpu.vector_load %arg7[%swap3A_172, %swap3A_173] {strides = array<i32>} : memref<8x512xf32, #tpu.memory_space<vmem>>, vector<16xf32>,
            tpu.vector_store %arg7[%swap3A_172, %swap3A_173], %add3A_171 {strides = array<i32>} : memref<8x512xf32, #tpu.memory_space<vmem>>, vector<16xf32>,
            %get3A_175 = arith.index_cast %add3A_88 : i32 to index
            %get3A_176 = arith.constant 64 : index
            %get3A_177 = tpu.vector_load %arg7[%get3A_175, %get3A_176] {strides = array<i32>} : memref<8x512xf32, #tpu.memory_space<vmem>>, vector<16xf32>,
            %sub3A_178 = arith.subi %add3A_130, %mul3A_78 : i32
            %get3A_179 = arith.index_cast %sub3A_178 : i32 to index
            %get3A_180 = arith.constant 64 : index
            %get3A_181 = tpu.vector_load %arg6[%get3A_179, %get3A_180] {strides = array<i32>} : memref<32x512xf32, #tpu.memory_space<vmem>>, vector<16xf32>,
            %add3A_182 = arith.addf %get3A_177, %get3A_181 : vector<16xf32>
            %swap3A_183 = arith.index_cast %add3A_88 : i32 to index
            %swap3A_184 = arith.constant 64 : index
            %swap3A_185 = tpu.vector_load %arg7[%swap3A_183, %swap3A_184] {strides = array<i32>} : memref<8x512xf32, #tpu.memory_space<vmem>>, vector<16xf32>,
            tpu.vector_store %arg7[%swap3A_183, %swap3A_184], %add3A_182 {strides = array<i32>} : memref<8x512xf32, #tpu.memory_space<vmem>>, vector<16xf32>,
            %get3A_186 = arith.index_cast %add3A_88 : i32 to index
            %get3A_187 = arith.constant 80 : index
            %get3A_188 = tpu.vector_load %arg7[%get3A_186, %get3A_187] {strides = array<i32>} : memref<8x512xf32, #tpu.memory_space<vmem>>, vector<16xf32>,
            %sub3A_189 = arith.subi %add3A_130, %mul3A_78 : i32
            %get3A_190 = arith.index_cast %sub3A_189 : i32 to index
            %get3A_191 = arith.constant 80 : index
            %get3A_192 = tpu.vector_load %arg6[%get3A_190, %get3A_191] {strides = array<i32>} : memref<32x512xf32, #tpu.memory_space<vmem>>, vector<16xf32>,
            %add3A_193 = arith.addf %get3A_188, %get3A_192 : vector<16xf32>
            %swap3A_194 = arith.index_cast %add3A_88 : i32 to index
            %swap3A_195 = arith.constant 80 : index
            %swap3A_196 = tpu.vector_load %arg7[%swap3A_194, %swap3A_195] {strides = array<i32>} : memref<8x512xf32, #tpu.memory_space<vmem>>, vector<16xf32>,
            tpu.vector_store %arg7[%swap3A_194, %swap3A_195], %add3A_193 {strides = array<i32>} : memref<8x512xf32, #tpu.memory_space<vmem>>, vector<16xf32>,
            %get3A_197 = arith.index_cast %add3A_88 : i32 to index
            %get3A_198 = arith.constant 96 : index
            %get3A_199 = tpu.vector_load %arg7[%get3A_197, %get3A_198] {strides = array<i32>} : memref<8x512xf32, #tpu.memory_space<vmem>>, vector<16xf32>,
            %sub3A_200 = arith.subi %add3A_130, %mul3A_78 : i32
            %get3A_201 = arith.index_cast %sub3A_200 : i32 to index
            %get3A_202 = arith.constant 96 : index
            %get3A_203 = tpu.vector_load %arg6[%get3A_201, %get3A_202] {strides = array<i32>} : memref<32x512xf32, #tpu.memory_space<vmem>>, vector<16xf32>,
            %add3A_204 = arith.addf %get3A_199, %get3A_203 : vector<16xf32>
            %swap3A_205 = arith.index_cast %add3A_88 : i32 to index
            %swap3A_206 = arith.constant 96 : index
            %swap3A_207 = tpu.vector_load %arg7[%swap3A_205, %swap3A_206] {strides = array<i32>} : memref<8x512xf32, #tpu.memory_space<vmem>>, vector<16xf32>,
            tpu.vector_store %arg7[%swap3A_205, %swap3A_206], %add3A_204 {strides = array<i32>} : memref<8x512xf32, #tpu.memory_space<vmem>>, vector<16xf32>,
            %get3A_208 = arith.index_cast %add3A_88 : i32 to index
            %get3A_209 = arith.constant 112 : index
            %get3A_210 = tpu.vector_load %arg7[%get3A_208, %get3A_209] {strides = array<i32>} : memref<8x512xf32, #tpu.memory_space<vmem>>, vector<16xf32>,
            %sub3A_211 = arith.subi %add3A_130, %mul3A_78 : i32
            %get3A_212 = arith.index_cast %sub3A_211 : i32 to index
            %get3A_213 = arith.constant 112 : index
            %get3A_214 = tpu.vector_load %arg6[%get3A_212, %get3A_213] {strides = array<i32>} : memref<32x512xf32, #tpu.memory_space<vmem>>, vector<16xf32>,
            %add3A_215 = arith.addf %get3A_210, %get3A_214 : vector<16xf32>
            %swap3A_216 = arith.index_cast %add3A_88 : i32 to index
            %swap3A_217 = arith.constant 112 : index
            %swap3A_218 = tpu.vector_load %arg7[%swap3A_216, %swap3A_217] {strides = array<i32>} : memref<8x512xf32, #tpu.memory_space<vmem>>, vector<16xf32>,
            tpu.vector_store %arg7[%swap3A_216, %swap3A_217], %add3A_215 {strides = array<i32>} : memref<8x512xf32, #tpu.memory_space<vmem>>, vector<16xf32>,
            %get3A_219 = arith.index_cast %add3A_88 : i32 to index
            %get3A_220 = arith.constant 128 : index
            %get3A_221 = tpu.vector_load %arg7[%get3A_219, %get3A_220] {strides = array<i32>} : memref<8x512xf32, #tpu.memory_space<vmem>>, vector<16xf32>,
            %sub3A_222 = arith.subi %add3A_130, %mul3A_78 : i32
            %get3A_223 = arith.index_cast %sub3A_222 : i32 to index
            %get3A_224 = arith.constant 128 : index
            %get3A_225 = tpu.vector_load %arg6[%get3A_223, %get3A_224] {strides = array<i32>} : memref<32x512xf32, #tpu.memory_space<vmem>>, vector<16xf32>,
            %add3A_226 = arith.addf %get3A_221, %get3A_225 : vector<16xf32>
            %swap3A_227 = arith.index_cast %add3A_88 : i32 to index
            %swap3A_228 = arith.constant 128 : index
            %swap3A_229 = tpu.vector_load %arg7[%swap3A_227, %swap3A_228] {strides = array<i32>} : memref<8x512xf32, #tpu.memory_space<vmem>>, vector<16xf32>,
            tpu.vector_store %arg7[%swap3A_227, %swap3A_228], %add3A_226 {strides = array<i32>} : memref<8x512xf32, #tpu.memory_space<vmem>>, vector<16xf32>,
            %get3A_230 = arith.index_cast %add3A_88 : i32 to index
            %get3A_231 = arith.constant 144 : index
            %get3A_232 = tpu.vector_load %arg7[%get3A_230, %get3A_231] {strides = array<i32>} : memref<8x512xf32, #tpu.memory_space<vmem>>, vector<16xf32>,
            %sub3A_233 = arith.subi %add3A_130, %mul3A_78 : i32
            %get3A_234 = arith.index_cast %sub3A_233 : i32 to index
            %get3A_235 = arith.constant 144 : index
            %get3A_236 = tpu.vector_load %arg6[%get3A_234, %get3A_235] {strides = array<i32>} : memref<32x512xf32, #tpu.memory_space<vmem>>, vector<16xf32>,
            %add3A_237 = arith.addf %get3A_232, %get3A_236 : vector<16xf32>
            %swap3A_238 = arith.index_cast %add3A_88 : i32 to index
            %swap3A_239 = arith.constant 144 : index
            %swap3A_240 = tpu.vector_load %arg7[%swap3A_238, %swap3A_239] {strides = array<i32>} : memref<8x512xf32, #tpu.memory_space<vmem>>, vector<16xf32>,
            tpu.vector_store %arg7[%swap3A_238, %swap3A_239], %add3A_237 {strides = array<i32>} : memref<8x512xf32, #tpu.memory_space<vmem>>, vector<16xf32>,
            %get3A_241 = arith.index_cast %add3A_88 : i32 to index
            %get3A_242 = arith.constant 160 : index
            %get3A_243 = tpu.vector_load %arg7[%get3A_241, %get3A_242] {strides = array<i32>} : memref<8x512xf32, #tpu.memory_space<vmem>>, vector<16xf32>,
            %sub3A_244 = arith.subi %add3A_130, %mul3A_78 : i32
            %get3A_245 = arith.index_cast %sub3A_244 : i32 to index
            %get3A_246 = arith.constant 160 : index
            %get3A_247 = tpu.vector_load %arg6[%get3A_245, %get3A_246] {strides = array<i32>} : memref<32x512xf32, #tpu.memory_space<vmem>>, vector<16xf32>,
            %add3A_248 = arith.addf %get3A_243, %get3A_247 : vector<16xf32>
            %swap3A_249 = arith.index_cast %add3A_88 : i32 to index
            %swap3A_250 = arith.constant 160 : index
            %swap3A_251 = tpu.vector_load %arg7[%swap3A_249, %swap3A_250] {strides = array<i32>} : memref<8x512xf32, #tpu.memory_space<vmem>>, vector<16xf32>,
            tpu.vector_store %arg7[%swap3A_249, %swap3A_250], %add3A_248 {strides = array<i32>} : memref<8x512xf32, #tpu.memory_space<vmem>>, vector<16xf32>,
            %get3A_252 = arith.index_cast %add3A_88 : i32 to index
            %get3A_253 = arith.constant 176 : index
            %get3A_254 = tpu.vector_load %arg7[%get3A_252, %get3A_253] {strides = array<i32>} : memref<8x512xf32, #tpu.memory_space<vmem>>, vector<16xf32>,
            %sub3A_255 = arith.subi %add3A_130, %mul3A_78 : i32
            %get3A_256 = arith.index_cast %sub3A_255 : i32 to index
            %get3A_257 = arith.constant 176 : index
            %get3A_258 = tpu.vector_load %arg6[%get3A_256, %get3A_257] {strides = array<i32>} : memref<32x512xf32, #tpu.memory_space<vmem>>, vector<16xf32>,
            %add3A_259 = arith.addf %get3A_254, %get3A_258 : vector<16xf32>
            %swap3A_260 = arith.index_cast %add3A_88 : i32 to index
            %swap3A_261 = arith.constant 176 : index
            %swap3A_262 = tpu.vector_load %arg7[%swap3A_260, %swap3A_261] {strides = array<i32>} : memref<8x512xf32, #tpu.memory_space<vmem>>, vector<16xf32>,
            tpu.vector_store %arg7[%swap3A_260, %swap3A_261], %add3A_259 {strides = array<i32>} : memref<8x512xf32, #tpu.memory_space<vmem>>, vector<16xf32>,
            %get3A_263 = arith.index_cast %add3A_88 : i32 to index
            %get3A_264 = arith.constant 192 : index
            %get3A_265 = tpu.vector_load %arg7[%get3A_263, %get3A_264] {strides = array<i32>} : memref<8x512xf32, #tpu.memory_space<vmem>>, vector<16xf32>,
            %sub3A_266 = arith.subi %add3A_130, %mul3A_78 : i32
            %get3A_267 = arith.index_cast %sub3A_266 : i32 to index
            %get3A_268 = arith.constant 192 : index
            %get3A_269 = tpu.vector_load %arg6[%get3A_267, %get3A_268] {strides = array<i32>} : memref<32x512xf32, #tpu.memory_space<vmem>>, vector<16xf32>,
            %add3A_270 = arith.addf %get3A_265, %get3A_269 : vector<16xf32>
            %swap3A_271 = arith.index_cast %add3A_88 : i32 to index
            %swap3A_272 = arith.constant 192 : index
            %swap3A_273 = tpu.vector_load %arg7[%swap3A_271, %swap3A_272] {strides = array<i32>} : memref<8x512xf32, #tpu.memory_space<vmem>>, vector<16xf32>,
            tpu.vector_store %arg7[%swap3A_271, %swap3A_272], %add3A_270 {strides = array<i32>} : memref<8x512xf32, #tpu.memory_space<vmem>>, vector<16xf32>,
            %get3A_274 = arith.index_cast %add3A_88 : i32 to index
            %get3A_275 = arith.constant 208 : index
            %get3A_276 = tpu.vector_load %arg7[%get3A_274, %get3A_275] {strides = array<i32>} : memref<8x512xf32, #tpu.memory_space<vmem>>, vector<16xf32>,
            %sub3A_277 = arith.subi %add3A_130, %mul3A_78 : i32
            %get3A_278 = arith.index_cast %sub3A_277 : i32 to index
            %get3A_279 = arith.constant 208 : index
            %get3A_280 = tpu.vector_load %arg6[%get3A_278, %get3A_279] {strides = array<i32>} : memref<32x512xf32, #tpu.memory_space<vmem>>, vector<16xf32>,
            %add3A_281 = arith.addf %get3A_276, %get3A_280 : vector<16xf32>
            %swap3A_282 = arith.index_cast %add3A_88 : i32 to index
            %swap3A_283 = arith.constant 208 : index
            %swap3A_284 = tpu.vector_load %arg7[%swap3A_282, %swap3A_283] {strides = array<i32>} : memref<8x512xf32, #tpu.memory_space<vmem>>, vector<16xf32>,
            tpu.vector_store %arg7[%swap3A_282, %swap3A_283], %add3A_281 {strides = array<i32>} : memref<8x512xf32, #tpu.memory_space<vmem>>, vector<16xf32>,
            %get3A_285 = arith.index_cast %add3A_88 : i32 to index
            %get3A_286 = arith.constant 224 : index
            %get3A_287 = tpu.vector_load %arg7[%get3A_285, %get3A_286] {strides = array<i32>} : memref<8x512xf32, #tpu.memory_space<vmem>>, vector<16xf32>,
            %sub3A_288 = arith.subi %add3A_130, %mul3A_78 : i32
            %get3A_289 = arith.index_cast %sub3A_288 : i32 to index
            %get3A_290 = arith.constant 224 : index
            %get3A_291 = tpu.vector_load %arg6[%get3A_289, %get3A_290] {strides = array<i32>} : memref<32x512xf32, #tpu.memory_space<vmem>>, vector<16xf32>,
            %add3A_292 = arith.addf %get3A_287, %get3A_291 : vector<16xf32>
            %swap3A_293 = arith.index_cast %add3A_88 : i32 to index
            %swap3A_294 = arith.constant 224 : index
            %swap3A_295 = tpu.vector_load %arg7[%swap3A_293, %swap3A_294] {strides = array<i32>} : memref<8x512xf32, #tpu.memory_space<vmem>>, vector<16xf32>,
            tpu.vector_store %arg7[%swap3A_293, %swap3A_294], %add3A_292 {strides = array<i32>} : memref<8x512xf32, #tpu.memory_space<vmem>>, vector<16xf32>,
            %get3A_296 = arith.index_cast %add3A_88 : i32 to index
            %get3A_297 = arith.constant 240 : index
            %get3A_298 = tpu.vector_load %arg7[%get3A_296, %get3A_297] {strides = array<i32>} : memref<8x512xf32, #tpu.memory_space<vmem>>, vector<16xf32>,
            %sub3A_299 = arith.subi %add3A_130, %mul3A_78 : i32
            %get3A_300 = arith.index_cast %sub3A_299 : i32 to index
            %get3A_301 = arith.constant 240 : index
            %get3A_302 = tpu.vector_load %arg6[%get3A_300, %get3A_301] {strides = array<i32>} : memref<32x512xf32, #tpu.memory_space<vmem>>, vector<16xf32>,
            %add3A_303 = arith.addf %get3A_298, %get3A_302 : vector<16xf32>
            %swap3A_304 = arith.index_cast %add3A_88 : i32 to index
            %swap3A_305 = arith.constant 240 : index
            %swap3A_306 = tpu.vector_load %arg7[%swap3A_304, %swap3A_305] {strides = array<i32>} : memref<8x512xf32, #tpu.memory_space<vmem>>, vector<16xf32>,
            tpu.vector_store %arg7[%swap3A_304, %swap3A_305], %add3A_303 {strides = array<i32>} : memref<8x512xf32, #tpu.memory_space<vmem>>, vector<16xf32>,
            %get3A_307 = arith.index_cast %add3A_88 : i32 to index
            %get3A_308 = arith.constant 256 : index
            %get3A_309 = tpu.vector_load %arg7[%get3A_307, %get3A_308] {strides = array<i32>} : memref<8x512xf32, #tpu.memory_space<vmem>>, vector<16xf32>,
            %sub3A_310 = arith.subi %add3A_130, %mul3A_78 : i32
            %get3A_311 = arith.index_cast %sub3A_310 : i32 to index
            %get3A_312 = arith.constant 256 : index
            %get3A_313 = tpu.vector_load %arg6[%get3A_311, %get3A_312] {strides = array<i32>} : memref<32x512xf32, #tpu.memory_space<vmem>>, vector<16xf32>,
            %add3A_314 = arith.addf %get3A_309, %get3A_313 : vector<16xf32>
            %swap3A_315 = arith.index_cast %add3A_88 : i32 to index
            %swap3A_316 = arith.constant 256 : index
            %swap3A_317 = tpu.vector_load %arg7[%swap3A_315, %swap3A_316] {strides = array<i32>} : memref<8x512xf32, #tpu.memory_space<vmem>>, vector<16xf32>,
            tpu.vector_store %arg7[%swap3A_315, %swap3A_316], %add3A_314 {strides = array<i32>} : memref<8x512xf32, #tpu.memory_space<vmem>>, vector<16xf32>,
            %get3A_318 = arith.index_cast %add3A_88 : i32 to index
            %get3A_319 = arith.constant 272 : index
            %get3A_320 = tpu.vector_load %arg7[%get3A_318, %get3A_319] {strides = array<i32>} : memref<8x512xf32, #tpu.memory_space<vmem>>, vector<16xf32>,
            %sub3A_321 = arith.subi %add3A_130, %mul3A_78 : i32
            %get3A_322 = arith.index_cast %sub3A_321 : i32 to index
            %get3A_323 = arith.constant 272 : index
            %get3A_324 = tpu.vector_load %arg6[%get3A_322, %get3A_323] {strides = array<i32>} : memref<32x512xf32, #tpu.memory_space<vmem>>, vector<16xf32>,
            %add3A_325 = arith.addf %get3A_320, %get3A_324 : vector<16xf32>
            %swap3A_326 = arith.index_cast %add3A_88 : i32 to index
            %swap3A_327 = arith.constant 272 : index
            %swap3A_328 = tpu.vector_load %arg7[%swap3A_326, %swap3A_327] {strides = array<i32>} : memref<8x512xf32, #tpu.memory_space<vmem>>, vector<16xf32>,
            tpu.vector_store %arg7[%swap3A_326, %swap3A_327], %add3A_325 {strides = array<i32>} : memref<8x512xf32, #tpu.memory_space<vmem>>, vector<16xf32>,
            %get3A_329 = arith.index_cast %add3A_88 : i32 to index
            %get3A_330 = arith.constant 288 : index
            %get3A_331 = tpu.vector_load %arg7[%get3A_329, %get3A_330] {strides = array<i32>} : memref<8x512xf32, #tpu.memory_space<vmem>>, vector<16xf32>,
            %sub3A_332 = arith.subi %add3A_130, %mul3A_78 : i32
            %get3A_333 = arith.index_cast %sub3A_332 : i32 to index
            %get3A_334 = arith.constant 288 : index
            %get3A_335 = tpu.vector_load %arg6[%get3A_333, %get3A_334] {strides = array<i32>} : memref<32x512xf32, #tpu.memory_space<vmem>>, vector<16xf32>,
            %add3A_336 = arith.addf %get3A_331, %get3A_335 : vector<16xf32>
            %swap3A_337 = arith.index_cast %add3A_88 : i32 to index
            %swap3A_338 = arith.constant 288 : index
            %swap3A_339 = tpu.vector_load %arg7[%swap3A_337, %swap3A_338] {strides = array<i32>} : memref<8x512xf32, #tpu.memory_space<vmem>>, vector<16xf32>,
            tpu.vector_store %arg7[%swap3A_337, %swap3A_338], %add3A_336 {strides = array<i32>} : memref<8x512xf32, #tpu.memory_space<vmem>>, vector<16xf32>,
            %get3A_340 = arith.index_cast %add3A_88 : i32 to index
            %get3A_341 = arith.constant 304 : index
            %get3A_342 = tpu.vector_load %arg7[%get3A_340, %get3A_341] {strides = array<i32>} : memref<8x512xf32, #tpu.memory_space<vmem>>, vector<16xf32>,
            %sub3A_343 = arith.subi %add3A_130, %mul3A_78 : i32
            %get3A_344 = arith.index_cast %sub3A_343 : i32 to index
            %get3A_345 = arith.constant 304 : index
            %get3A_346 = tpu.vector_load %arg6[%get3A_344, %get3A_345] {strides = array<i32>} : memref<32x512xf32, #tpu.memory_space<vmem>>, vector<16xf32>,
            %add3A_347 = arith.addf %get3A_342, %get3A_346 : vector<16xf32>
            %swap3A_348 = arith.index_cast %add3A_88 : i32 to index
            %swap3A_349 = arith.constant 304 : index
            %swap3A_350 = tpu.vector_load %arg7[%swap3A_348, %swap3A_349] {strides = array<i32>} : memref<8x512xf32, #tpu.memory_space<vmem>>, vector<16xf32>,
            tpu.vector_store %arg7[%swap3A_348, %swap3A_349], %add3A_347 {strides = array<i32>} : memref<8x512xf32, #tpu.memory_space<vmem>>, vector<16xf32>,
            %get3A_351 = arith.index_cast %add3A_88 : i32 to index
            %get3A_352 = arith.constant 320 : index
            %get3A_353 = tpu.vector_load %arg7[%get3A_351, %get3A_352] {strides = array<i32>} : memref<8x512xf32, #tpu.memory_space<vmem>>, vector<16xf32>,
            %sub3A_354 = arith.subi %add3A_130, %mul3A_78 : i32
            %get3A_355 = arith.index_cast %sub3A_354 : i32 to index
            %get3A_356 = arith.constant 320 : index
            %get3A_357 = tpu.vector_load %arg6[%get3A_355, %get3A_356] {strides = array<i32>} : memref<32x512xf32, #tpu.memory_space<vmem>>, vector<16xf32>,
            %add3A_358 = arith.addf %get3A_353, %get3A_357 : vector<16xf32>
            %swap3A_359 = arith.index_cast %add3A_88 : i32 to index
            %swap3A_360 = arith.constant 320 : index
            %swap3A_361 = tpu.vector_load %arg7[%swap3A_359, %swap3A_360] {strides = array<i32>} : memref<8x512xf32, #tpu.memory_space<vmem>>, vector<16xf32>,
            tpu.vector_store %arg7[%swap3A_359, %swap3A_360], %add3A_358 {strides = array<i32>} : memref<8x512xf32, #tpu.memory_space<vmem>>, vector<16xf32>,
            %get3A_362 = arith.index_cast %add3A_88 : i32 to index
            %get3A_363 = arith.constant 336 : index
            %get3A_364 = tpu.vector_load %arg7[%get3A_362, %get3A_363] {strides = array<i32>} : memref<8x512xf32, #tpu.memory_space<vmem>>, vector<16xf32>,
            %sub3A_365 = arith.subi %add3A_130, %mul3A_78 : i32
            %get3A_366 = arith.index_cast %sub3A_365 : i32 to index
            %get3A_367 = arith.constant 336 : index
            %get3A_368 = tpu.vector_load %arg6[%get3A_366, %get3A_367] {strides = array<i32>} : memref<32x512xf32, #tpu.memory_space<vmem>>, vector<16xf32>,
            %add3A_369 = arith.addf %get3A_364, %get3A_368 : vector<16xf32>
            %swap3A_370 = arith.index_cast %add3A_88 : i32 to index
            %swap3A_371 = arith.constant 336 : index
            %swap3A_372 = tpu.vector_load %arg7[%swap3A_370, %swap3A_371] {strides = array<i32>} : memref<8x512xf32, #tpu.memory_space<vmem>>, vector<16xf32>,
            tpu.vector_store %arg7[%swap3A_370, %swap3A_371], %add3A_369 {strides = array<i32>} : memref<8x512xf32, #tpu.memory_space<vmem>>, vector<16xf32>,
            %get3A_373 = arith.index_cast %add3A_88 : i32 to index
            %get3A_374 = arith.constant 352 : index
            %get3A_375 = tpu.vector_load %arg7[%get3A_373, %get3A_374] {strides = array<i32>} : memref<8x512xf32, #tpu.memory_space<vmem>>, vector<16xf32>,
            %sub3A_376 = arith.subi %add3A_130, %mul3A_78 : i32
            %get3A_377 = arith.index_cast %sub3A_376 : i32 to index
            %get3A_378 = arith.constant 352 : index
            %get3A_379 = tpu.vector_load %arg6[%get3A_377, %get3A_378] {strides = array<i32>} : memref<32x512xf32, #tpu.memory_space<vmem>>, vector<16xf32>,
            %add3A_380 = arith.addf %get3A_375, %get3A_379 : vector<16xf32>
            %swap3A_381 = arith.index_cast %add3A_88 : i32 to index
            %swap3A_382 = arith.constant 352 : index
            %swap3A_383 = tpu.vector_load %arg7[%swap3A_381, %swap3A_382] {strides = array<i32>} : memref<8x512xf32, #tpu.memory_space<vmem>>, vector<16xf32>,
            tpu.vector_store %arg7[%swap3A_381, %swap3A_382], %add3A_380 {strides = array<i32>} : memref<8x512xf32, #tpu.memory_space<vmem>>, vector<16xf32>,
            %get3A_384 = arith.index_cast %add3A_88 : i32 to index
            %get3A_385 = arith.constant 368 : index
            %get3A_386 = tpu.vector_load %arg7[%get3A_384, %get3A_385] {strides = array<i32>} : memref<8x512xf32, #tpu.memory_space<vmem>>, vector<16xf32>,
            %sub3A_387 = arith.subi %add3A_130, %mul3A_78 : i32
            %get3A_388 = arith.index_cast %sub3A_387 : i32 to index
            %get3A_389 = arith.constant 368 : index
            %get3A_390 = tpu.vector_load %arg6[%get3A_388, %get3A_389] {strides = array<i32>} : memref<32x512xf32, #tpu.memory_space<vmem>>, vector<16xf32>,
            %add3A_391 = arith.addf %get3A_386, %get3A_390 : vector<16xf32>
            %swap3A_392 = arith.index_cast %add3A_88 : i32 to index
            %swap3A_393 = arith.constant 368 : index
            %swap3A_394 = tpu.vector_load %arg7[%swap3A_392, %swap3A_393] {strides = array<i32>} : memref<8x512xf32, #tpu.memory_space<vmem>>, vector<16xf32>,
            tpu.vector_store %arg7[%swap3A_392, %swap3A_393], %add3A_391 {strides = array<i32>} : memref<8x512xf32, #tpu.memory_space<vmem>>, vector<16xf32>,
            %get3A_395 = arith.index_cast %add3A_88 : i32 to index
            %get3A_396 = arith.constant 384 : index
            %get3A_397 = tpu.vector_load %arg7[%get3A_395, %get3A_396] {strides = array<i32>} : memref<8x512xf32, #tpu.memory_space<vmem>>, vector<16xf32>,
            %sub3A_398 = arith.subi %add3A_130, %mul3A_78 : i32
            %get3A_399 = arith.index_cast %sub3A_398 : i32 to index
            %get3A_400 = arith.constant 384 : index
            %get3A_401 = tpu.vector_load %arg6[%get3A_399, %get3A_400] {strides = array<i32>} : memref<32x512xf32, #tpu.memory_space<vmem>>, vector<16xf32>,
            %add3A_402 = arith.addf %get3A_397, %get3A_401 : vector<16xf32>
            %swap3A_403 = arith.index_cast %add3A_88 : i32 to index
            %swap3A_404 = arith.constant 384 : index
            %swap3A_405 = tpu.vector_load %arg7[%swap3A_403, %swap3A_404] {strides = array<i32>} : memref<8x512xf32, #tpu.memory_space<vmem>>, vector<16xf32>,
            tpu.vector_store %arg7[%swap3A_403, %swap3A_404], %add3A_402 {strides = array<i32>} : memref<8x512xf32, #tpu.memory_space<vmem>>, vector<16xf32>,
            %get3A_406 = arith.index_cast %add3A_88 : i32 to index
            %get3A_407 = arith.constant 400 : index
            %get3A_408 = tpu.vector_load %arg7[%get3A_406, %get3A_407] {strides = array<i32>} : memref<8x512xf32, #tpu.memory_space<vmem>>, vector<16xf32>,
            %sub3A_409 = arith.subi %add3A_130, %mul3A_78 : i32
            %get3A_410 = arith.index_cast %sub3A_409 : i32 to index
            %get3A_411 = arith.constant 400 : index
            %get3A_412 = tpu.vector_load %arg6[%get3A_410, %get3A_411] {strides = array<i32>} : memref<32x512xf32, #tpu.memory_space<vmem>>, vector<16xf32>,
            %add3A_413 = arith.addf %get3A_408, %get3A_412 : vector<16xf32>
            %swap3A_414 = arith.index_cast %add3A_88 : i32 to index
            %swap3A_415 = arith.constant 400 : index
            %swap3A_416 = tpu.vector_load %arg7[%swap3A_414, %swap3A_415] {strides = array<i32>} : memref<8x512xf32, #tpu.memory_space<vmem>>, vector<16xf32>,
            tpu.vector_store %arg7[%swap3A_414, %swap3A_415], %add3A_413 {strides = array<i32>} : memref<8x512xf32, #tpu.memory_space<vmem>>, vector<16xf32>,
            %get3A_417 = arith.index_cast %add3A_88 : i32 to index
            %get3A_418 = arith.constant 416 : index
            %get3A_419 = tpu.vector_load %arg7[%get3A_417, %get3A_418] {strides = array<i32>} : memref<8x512xf32, #tpu.memory_space<vmem>>, vector<16xf32>,
            %sub3A_420 = arith.subi %add3A_130, %mul3A_78 : i32
            %get3A_421 = arith.index_cast %sub3A_420 : i32 to index
            %get3A_422 = arith.constant 416 : index
            %get3A_423 = tpu.vector_load %arg6[%get3A_421, %get3A_422] {strides = array<i32>} : memref<32x512xf32, #tpu.memory_space<vmem>>, vector<16xf32>,
            %add3A_424 = arith.addf %get3A_419, %get3A_423 : vector<16xf32>
            %swap3A_425 = arith.index_cast %add3A_88 : i32 to index
            %swap3A_426 = arith.constant 416 : index
            %swap3A_427 = tpu.vector_load %arg7[%swap3A_425, %swap3A_426] {strides = array<i32>} : memref<8x512xf32, #tpu.memory_space<vmem>>, vector<16xf32>,
            tpu.vector_store %arg7[%swap3A_425, %swap3A_426], %add3A_424 {strides = array<i32>} : memref<8x512xf32, #tpu.memory_space<vmem>>, vector<16xf32>,
            %get3A_428 = arith.index_cast %add3A_88 : i32 to index
            %get3A_429 = arith.constant 432 : index
            %get3A_430 = tpu.vector_load %arg7[%get3A_428, %get3A_429] {strides = array<i32>} : memref<8x512xf32, #tpu.memory_space<vmem>>, vector<16xf32>,
            %sub3A_431 = arith.subi %add3A_130, %mul3A_78 : i32
            %get3A_432 = arith.index_cast %sub3A_431 : i32 to index
            %get3A_433 = arith.constant 432 : index
            %get3A_434 = tpu.vector_load %arg6[%get3A_432, %get3A_433] {strides = array<i32>} : memref<32x512xf32, #tpu.memory_space<vmem>>, vector<16xf32>,
            %add3A_435 = arith.addf %get3A_430, %get3A_434 : vector<16xf32>
            %swap3A_436 = arith.index_cast %add3A_88 : i32 to index
            %swap3A_437 = arith.constant 432 : index
            %swap3A_438 = tpu.vector_load %arg7[%swap3A_436, %swap3A_437] {strides = array<i32>} : memref<8x512xf32, #tpu.memory_space<vmem>>, vector<16xf32>,
            tpu.vector_store %arg7[%swap3A_436, %swap3A_437], %add3A_435 {strides = array<i32>} : memref<8x512xf32, #tpu.memory_space<vmem>>, vector<16xf32>,
            %get3A_439 = arith.index_cast %add3A_88 : i32 to index
            %get3A_440 = arith.constant 448 : index
            %get3A_441 = tpu.vector_load %arg7[%get3A_439, %get3A_440] {strides = array<i32>} : memref<8x512xf32, #tpu.memory_space<vmem>>, vector<16xf32>,
            %sub3A_442 = arith.subi %add3A_130, %mul3A_78 : i32
            %get3A_443 = arith.index_cast %sub3A_442 : i32 to index
            %get3A_444 = arith.constant 448 : index
            %get3A_445 = tpu.vector_load %arg6[%get3A_443, %get3A_444] {strides = array<i32>} : memref<32x512xf32, #tpu.memory_space<vmem>>, vector<16xf32>,
            %add3A_446 = arith.addf %get3A_441, %get3A_445 : vector<16xf32>
            %swap3A_447 = arith.index_cast %add3A_88 : i32 to index
            %swap3A_448 = arith.constant 448 : index
            %swap3A_449 = tpu.vector_load %arg7[%swap3A_447, %swap3A_448] {strides = array<i32>} : memref<8x512xf32, #tpu.memory_space<vmem>>, vector<16xf32>,
            tpu.vector_store %arg7[%swap3A_447, %swap3A_448], %add3A_446 {strides = array<i32>} : memref<8x512xf32, #tpu.memory_space<vmem>>, vector<16xf32>,
            %get3A_450 = arith.index_cast %add3A_88 : i32 to index
            %get3A_451 = arith.constant 464 : index
            %get3A_452 = tpu.vector_load %arg7[%get3A_450, %get3A_451] {strides = array<i32>} : memref<8x512xf32, #tpu.memory_space<vmem>>, vector<16xf32>,
            %sub3A_453 = arith.subi %add3A_130, %mul3A_78 : i32
            %get3A_454 = arith.index_cast %sub3A_453 : i32 to index
            %get3A_455 = arith.constant 464 : index
            %get3A_456 = tpu.vector_load %arg6[%get3A_454, %get3A_455] {strides = array<i32>} : memref<32x512xf32, #tpu.memory_space<vmem>>, vector<16xf32>,
            %add3A_457 = arith.addf %get3A_452, %get3A_456 : vector<16xf32>
            %swap3A_458 = arith.index_cast %add3A_88 : i32 to index
            %swap3A_459 = arith.constant 464 : index
            %swap3A_460 = tpu.vector_load %arg7[%swap3A_458, %swap3A_459] {strides = array<i32>} : memref<8x512xf32, #tpu.memory_space<vmem>>, vector<16xf32>,
            tpu.vector_store %arg7[%swap3A_458, %swap3A_459], %add3A_457 {strides = array<i32>} : memref<8x512xf32, #tpu.memory_space<vmem>>, vector<16xf32>,
            %get3A_461 = arith.index_cast %add3A_88 : i32 to index
            %get3A_462 = arith.constant 480 : index
            %get3A_463 = tpu.vector_load %arg7[%get3A_461, %get3A_462] {strides = array<i32>} : memref<8x512xf32, #tpu.memory_space<vmem>>, vector<16xf32>,
            %sub3A_464 = arith.subi %add3A_130, %mul3A_78 : i32
            %get3A_465 = arith.index_cast %sub3A_464 : i32 to index
            %get3A_466 = arith.constant 480 : index
            %get3A_467 = tpu.vector_load %arg6[%get3A_465, %get3A_466] {strides = array<i32>} : memref<32x512xf32, #tpu.memory_space<vmem>>, vector<16xf32>,
            %add3A_468 = arith.addf %get3A_463, %get3A_467 : vector<16xf32>
            %swap3A_469 = arith.index_cast %add3A_88 : i32 to index
            %swap3A_470 = arith.constant 480 : index
            %swap3A_471 = tpu.vector_load %arg7[%swap3A_469, %swap3A_470] {strides = array<i32>} : memref<8x512xf32, #tpu.memory_space<vmem>>, vector<16xf32>,
            tpu.vector_store %arg7[%swap3A_469, %swap3A_470], %add3A_468 {strides = array<i32>} : memref<8x512xf32, #tpu.memory_space<vmem>>, vector<16xf32>,
            %get3A_472 = arith.index_cast %add3A_88 : i32 to index
            %get3A_473 = arith.constant 496 : index
            %get3A_474 = tpu.vector_load %arg7[%get3A_472, %get3A_473] {strides = array<i32>} : memref<8x512xf32, #tpu.memory_space<vmem>>, vector<16xf32>,
            %sub3A_475 = arith.subi %add3A_130, %mul3A_78 : i32
            %get3A_476 = arith.index_cast %sub3A_475 : i32 to index
            %get3A_477 = arith.constant 496 : index
            %get3A_478 = tpu.vector_load %arg6[%get3A_476, %get3A_477] {strides = array<i32>} : memref<32x512xf32, #tpu.memory_space<vmem>>, vector<16xf32>,
            %add3A_479 = arith.addf %get3A_474, %get3A_478 : vector<16xf32>
            %swap3A_480 = arith.index_cast %add3A_88 : i32 to index
            %swap3A_481 = arith.constant 496 : index
            %swap3A_482 = tpu.vector_load %arg7[%swap3A_480, %swap3A_481] {strides = array<i32>} : memref<8x512xf32, #tpu.memory_space<vmem>>, vector<16xf32>,
            tpu.vector_store %arg7[%swap3A_480, %swap3A_481], %add3A_479 {strides = array<i32>} : memref<8x512xf32, #tpu.memory_space<vmem>>, vector<16xf32>,
          }
        }
        %scan3A_83 = arith.constant 8 : i32
      }
      %scan3A_69 = arith.constant 0 : i32
      %scan3A_70 = arith.constant 8 : i32
      %scan3A_71 = arith.addi %scan3A_69, %scan3A_70 : i32
      %scan3A_72 = arith.constant 1 : i32
      scf.for %scan3A_74 = %scan3A_69 to %scan3A_71 step %scan3A_72  : i32 {
        %mul3A_75 = arith.constant 1 : i32
        %mul3A_76 = arith.muli %scan3A_74, %mul3A_75 : i32
        %add3A_77 = arith.constant 0 : i32
        %add3A_78 = arith.addi %add3A_77, %mul3A_76 : i32
        %add3A_79 = arith.constant 1 : i32
        %add3A_80 = arith.addi %add3A_78, %add3A_79 : i32
        %eq3A_81 = vector.broadcast %add3A_80 : i32 to vector<16xi32>
        %eq3A_82 = arith.cmpi eq, %iota3A, %eq3A_81 : vector<16xi32>
        %jit3A_83 = arith.constant 0 : i32
        %broadcast_in_dim3A_84 = vector.broadcast %jit3A_83 : i32 to vector<16xi32>
        %select_n3A_85 = arith.select %eq3A_82, %get3A_16, %broadcast_in_dim3A_84 : vector<16xi1>, vector<16xi32>
        %reduce_sum3A_86 = arith.constant true
        %reduce_sum3A_87 = vector.broadcast %reduce_sum3A_86 : i1 to vector<16xi1>
        %reduce_sum3A_88 = tpu.scan <sum>, %select_n3A_85 masked %reduce_sum3A_87 : vector<16xi32>, vector<16xi1> -> vector<16xi32>
        %reduce_sum3A_89 = vector.extract %reduce_sum3A_88[15] : i32 from vector<16xi32>
        %eq3A_90 = vector.broadcast %add3A_78 : i32 to vector<16xi32>
        %eq3A_91 = arith.cmpi eq, %iota3A, %eq3A_90 : vector<16xi32>
        %jit3A_92 = arith.constant 0 : i32
        %broadcast_in_dim3A_93 = vector.broadcast %jit3A_92 : i32 to vector<16xi32>
        %select_n3A_94 = arith.select %eq3A_91, %get3A_16, %broadcast_in_dim3A_93 : vector<16xi1>, vector<16xi32>
        %reduce_sum3A_95 = arith.constant true
        %reduce_sum3A_96 = vector.broadcast %reduce_sum3A_95 : i1 to vector<16xi1>
        %reduce_sum3A_97 = tpu.scan <sum>, %select_n3A_94 masked %reduce_sum3A_96 : vector<16xi32>, vector<16xi1> -> vector<16xi32>
        %reduce_sum3A_98 = vector.extract %reduce_sum3A_97[15] : i32 from vector<16xi32>
        %sub3A_99 = arith.subi %reduce_sum3A_89, %reduce_sum3A_98 : i32
        %convert_element_type3A_100 = arith.sitofp %sub3A_99 : i32 to f32
        %broadcast_in_dim3A_101 = vector.broadcast %convert_element_type3A_100 : f32 to vector<16xf32>
        %max3A = arith.constant 1.000000e+00 : f32
        %max3A_102 = vector.broadcast %max3A : f32 to vector<16xf32>
        %max3A_103 = arith.maximumf %broadcast_in_dim3A_101, %max3A_102 : vector<16xf32>
        %div3A_104 = arith.constant 1.000000e+00 : f32
        %div3A_105 = vector.broadcast %div3A_104 : f32 to vector<16xf32>
        %div3A_106 = arith.divf %div3A_105, %max3A_103 : vector<16xf32>
        %get3A_107 = arith.index_cast %add3A_78 : i32 to index
        %get3A_108 = arith.constant 0 : index
        %get3A_109 = tpu.vector_load %arg7[%get3A_107, %get3A_108] {strides = array<i32>} : memref<8x512xf32, #tpu.memory_space<vmem>>, vector<16xf32>,
        %mul3A_110 = arith.mulf %get3A_109, %div3A_106 : vector<16xf32>
        %swap3A_111 = arith.index_cast %add3A_78 : i32 to index
        %swap3A_112 = arith.constant 0 : index
        %swap3A_113 = tpu.vector_load %arg7[%swap3A_111, %swap3A_112] {strides = array<i32>} : memref<8x512xf32, #tpu.memory_space<vmem>>, vector<16xf32>,
        tpu.vector_store %arg7[%swap3A_111, %swap3A_112], %mul3A_110 {strides = array<i32>} : memref<8x512xf32, #tpu.memory_space<vmem>>, vector<16xf32>,
        %get3A_114 = arith.index_cast %add3A_78 : i32 to index
        %get3A_115 = arith.constant 16 : index
        %get3A_116 = tpu.vector_load %arg7[%get3A_114, %get3A_115] {strides = array<i32>} : memref<8x512xf32, #tpu.memory_space<vmem>>, vector<16xf32>,
        %mul3A_117 = arith.mulf %get3A_116, %div3A_106 : vector<16xf32>
        %swap3A_118 = arith.index_cast %add3A_78 : i32 to index
        %swap3A_119 = arith.constant 16 : index
        %swap3A_120 = tpu.vector_load %arg7[%swap3A_118, %swap3A_119] {strides = array<i32>} : memref<8x512xf32, #tpu.memory_space<vmem>>, vector<16xf32>,
        tpu.vector_store %arg7[%swap3A_118, %swap3A_119], %mul3A_117 {strides = array<i32>} : memref<8x512xf32, #tpu.memory_space<vmem>>, vector<16xf32>,
        %get3A_121 = arith.index_cast %add3A_78 : i32 to index
        %get3A_122 = arith.constant 32 : index
        %get3A_123 = tpu.vector_load %arg7[%get3A_121, %get3A_122] {strides = array<i32>} : memref<8x512xf32, #tpu.memory_space<vmem>>, vector<16xf32>,
        %mul3A_124 = arith.mulf %get3A_123, %div3A_106 : vector<16xf32>
        %swap3A_125 = arith.index_cast %add3A_78 : i32 to index
        %swap3A_126 = arith.constant 32 : index
        %swap3A_127 = tpu.vector_load %arg7[%swap3A_125, %swap3A_126] {strides = array<i32>} : memref<8x512xf32, #tpu.memory_space<vmem>>, vector<16xf32>,
        tpu.vector_store %arg7[%swap3A_125, %swap3A_126], %mul3A_124 {strides = array<i32>} : memref<8x512xf32, #tpu.memory_space<vmem>>, vector<16xf32>,
        %get3A_128 = arith.index_cast %add3A_78 : i32 to index
        %get3A_129 = arith.constant 48 : index
        %get3A_130 = tpu.vector_load %arg7[%get3A_128, %get3A_129] {strides = array<i32>} : memref<8x512xf32, #tpu.memory_space<vmem>>, vector<16xf32>,
        %mul3A_131 = arith.mulf %get3A_130, %div3A_106 : vector<16xf32>
        %swap3A_132 = arith.index_cast %add3A_78 : i32 to index
        %swap3A_133 = arith.constant 48 : index
        %swap3A_134 = tpu.vector_load %arg7[%swap3A_132, %swap3A_133] {strides = array<i32>} : memref<8x512xf32, #tpu.memory_space<vmem>>, vector<16xf32>,
        tpu.vector_store %arg7[%swap3A_132, %swap3A_133], %mul3A_131 {strides = array<i32>} : memref<8x512xf32, #tpu.memory_space<vmem>>, vector<16xf32>,
        %get3A_135 = arith.index_cast %add3A_78 : i32 to index
        %get3A_136 = arith.constant 64 : index
        %get3A_137 = tpu.vector_load %arg7[%get3A_135, %get3A_136] {strides = array<i32>} : memref<8x512xf32, #tpu.memory_space<vmem>>, vector<16xf32>,
        %mul3A_138 = arith.mulf %get3A_137, %div3A_106 : vector<16xf32>
        %swap3A_139 = arith.index_cast %add3A_78 : i32 to index
        %swap3A_140 = arith.constant 64 : index
        %swap3A_141 = tpu.vector_load %arg7[%swap3A_139, %swap3A_140] {strides = array<i32>} : memref<8x512xf32, #tpu.memory_space<vmem>>, vector<16xf32>,
        tpu.vector_store %arg7[%swap3A_139, %swap3A_140], %mul3A_138 {strides = array<i32>} : memref<8x512xf32, #tpu.memory_space<vmem>>, vector<16xf32>,
        %get3A_142 = arith.index_cast %add3A_78 : i32 to index
        %get3A_143 = arith.constant 80 : index
        %get3A_144 = tpu.vector_load %arg7[%get3A_142, %get3A_143] {strides = array<i32>} : memref<8x512xf32, #tpu.memory_space<vmem>>, vector<16xf32>,
        %mul3A_145 = arith.mulf %get3A_144, %div3A_106 : vector<16xf32>
        %swap3A_146 = arith.index_cast %add3A_78 : i32 to index
        %swap3A_147 = arith.constant 80 : index
        %swap3A_148 = tpu.vector_load %arg7[%swap3A_146, %swap3A_147] {strides = array<i32>} : memref<8x512xf32, #tpu.memory_space<vmem>>, vector<16xf32>,
        tpu.vector_store %arg7[%swap3A_146, %swap3A_147], %mul3A_145 {strides = array<i32>} : memref<8x512xf32, #tpu.memory_space<vmem>>, vector<16xf32>,
        %get3A_149 = arith.index_cast %add3A_78 : i32 to index
        %get3A_150 = arith.constant 96 : index
        %get3A_151 = tpu.vector_load %arg7[%get3A_149, %get3A_150] {strides = array<i32>} : memref<8x512xf32, #tpu.memory_space<vmem>>, vector<16xf32>,
        %mul3A_152 = arith.mulf %get3A_151, %div3A_106 : vector<16xf32>
        %swap3A_153 = arith.index_cast %add3A_78 : i32 to index
        %swap3A_154 = arith.constant 96 : index
        %swap3A_155 = tpu.vector_load %arg7[%swap3A_153, %swap3A_154] {strides = array<i32>} : memref<8x512xf32, #tpu.memory_space<vmem>>, vector<16xf32>,
        tpu.vector_store %arg7[%swap3A_153, %swap3A_154], %mul3A_152 {strides = array<i32>} : memref<8x512xf32, #tpu.memory_space<vmem>>, vector<16xf32>,
        %get3A_156 = arith.index_cast %add3A_78 : i32 to index
        %get3A_157 = arith.constant 112 : index
        %get3A_158 = tpu.vector_load %arg7[%get3A_156, %get3A_157] {strides = array<i32>} : memref<8x512xf32, #tpu.memory_space<vmem>>, vector<16xf32>,
        %mul3A_159 = arith.mulf %get3A_158, %div3A_106 : vector<16xf32>
        %swap3A_160 = arith.index_cast %add3A_78 : i32 to index
        %swap3A_161 = arith.constant 112 : index
        %swap3A_162 = tpu.vector_load %arg7[%swap3A_160, %swap3A_161] {strides = array<i32>} : memref<8x512xf32, #tpu.memory_space<vmem>>, vector<16xf32>,
        tpu.vector_store %arg7[%swap3A_160, %swap3A_161], %mul3A_159 {strides = array<i32>} : memref<8x512xf32, #tpu.memory_space<vmem>>, vector<16xf32>,
        %get3A_163 = arith.index_cast %add3A_78 : i32 to index
        %get3A_164 = arith.constant 128 : index
        %get3A_165 = tpu.vector_load %arg7[%get3A_163, %get3A_164] {strides = array<i32>} : memref<8x512xf32, #tpu.memory_space<vmem>>, vector<16xf32>,
        %mul3A_166 = arith.mulf %get3A_165, %div3A_106 : vector<16xf32>
        %swap3A_167 = arith.index_cast %add3A_78 : i32 to index
        %swap3A_168 = arith.constant 128 : index
        %swap3A_169 = tpu.vector_load %arg7[%swap3A_167, %swap3A_168] {strides = array<i32>} : memref<8x512xf32, #tpu.memory_space<vmem>>, vector<16xf32>,
        tpu.vector_store %arg7[%swap3A_167, %swap3A_168], %mul3A_166 {strides = array<i32>} : memref<8x512xf32, #tpu.memory_space<vmem>>, vector<16xf32>,
        %get3A_170 = arith.index_cast %add3A_78 : i32 to index
        %get3A_171 = arith.constant 144 : index
        %get3A_172 = tpu.vector_load %arg7[%get3A_170, %get3A_171] {strides = array<i32>} : memref<8x512xf32, #tpu.memory_space<vmem>>, vector<16xf32>,
        %mul3A_173 = arith.mulf %get3A_172, %div3A_106 : vector<16xf32>
        %swap3A_174 = arith.index_cast %add3A_78 : i32 to index
        %swap3A_175 = arith.constant 144 : index
        %swap3A_176 = tpu.vector_load %arg7[%swap3A_174, %swap3A_175] {strides = array<i32>} : memref<8x512xf32, #tpu.memory_space<vmem>>, vector<16xf32>,
        tpu.vector_store %arg7[%swap3A_174, %swap3A_175], %mul3A_173 {strides = array<i32>} : memref<8x512xf32, #tpu.memory_space<vmem>>, vector<16xf32>,
        %get3A_177 = arith.index_cast %add3A_78 : i32 to index
        %get3A_178 = arith.constant 160 : index
        %get3A_179 = tpu.vector_load %arg7[%get3A_177, %get3A_178] {strides = array<i32>} : memref<8x512xf32, #tpu.memory_space<vmem>>, vector<16xf32>,
        %mul3A_180 = arith.mulf %get3A_179, %div3A_106 : vector<16xf32>
        %swap3A_181 = arith.index_cast %add3A_78 : i32 to index
        %swap3A_182 = arith.constant 160 : index
        %swap3A_183 = tpu.vector_load %arg7[%swap3A_181, %swap3A_182] {strides = array<i32>} : memref<8x512xf32, #tpu.memory_space<vmem>>, vector<16xf32>,
        tpu.vector_store %arg7[%swap3A_181, %swap3A_182], %mul3A_180 {strides = array<i32>} : memref<8x512xf32, #tpu.memory_space<vmem>>, vector<16xf32>,
        %get3A_184 = arith.index_cast %add3A_78 : i32 to index
        %get3A_185 = arith.constant 176 : index
        %get3A_186 = tpu.vector_load %arg7[%get3A_184, %get3A_185] {strides = array<i32>} : memref<8x512xf32, #tpu.memory_space<vmem>>, vector<16xf32>,
        %mul3A_187 = arith.mulf %get3A_186, %div3A_106 : vector<16xf32>
        %swap3A_188 = arith.index_cast %add3A_78 : i32 to index
        %swap3A_189 = arith.constant 176 : index
        %swap3A_190 = tpu.vector_load %arg7[%swap3A_188, %swap3A_189] {strides = array<i32>} : memref<8x512xf32, #tpu.memory_space<vmem>>, vector<16xf32>,
        tpu.vector_store %arg7[%swap3A_188, %swap3A_189], %mul3A_187 {strides = array<i32>} : memref<8x512xf32, #tpu.memory_space<vmem>>, vector<16xf32>,
        %get3A_191 = arith.index_cast %add3A_78 : i32 to index
        %get3A_192 = arith.constant 192 : index
        %get3A_193 = tpu.vector_load %arg7[%get3A_191, %get3A_192] {strides = array<i32>} : memref<8x512xf32, #tpu.memory_space<vmem>>, vector<16xf32>,
        %mul3A_194 = arith.mulf %get3A_193, %div3A_106 : vector<16xf32>
        %swap3A_195 = arith.index_cast %add3A_78 : i32 to index
        %swap3A_196 = arith.constant 192 : index
        %swap3A_197 = tpu.vector_load %arg7[%swap3A_195, %swap3A_196] {strides = array<i32>} : memref<8x512xf32, #tpu.memory_space<vmem>>, vector<16xf32>,
        tpu.vector_store %arg7[%swap3A_195, %swap3A_196], %mul3A_194 {strides = array<i32>} : memref<8x512xf32, #tpu.memory_space<vmem>>, vector<16xf32>,
        %get3A_198 = arith.index_cast %add3A_78 : i32 to index
        %get3A_199 = arith.constant 208 : index
        %get3A_200 = tpu.vector_load %arg7[%get3A_198, %get3A_199] {strides = array<i32>} : memref<8x512xf32, #tpu.memory_space<vmem>>, vector<16xf32>,
        %mul3A_201 = arith.mulf %get3A_200, %div3A_106 : vector<16xf32>
        %swap3A_202 = arith.index_cast %add3A_78 : i32 to index
        %swap3A_203 = arith.constant 208 : index
        %swap3A_204 = tpu.vector_load %arg7[%swap3A_202, %swap3A_203] {strides = array<i32>} : memref<8x512xf32, #tpu.memory_space<vmem>>, vector<16xf32>,
        tpu.vector_store %arg7[%swap3A_202, %swap3A_203], %mul3A_201 {strides = array<i32>} : memref<8x512xf32, #tpu.memory_space<vmem>>, vector<16xf32>,
        %get3A_205 = arith.index_cast %add3A_78 : i32 to index
        %get3A_206 = arith.constant 224 : index
        %get3A_207 = tpu.vector_load %arg7[%get3A_205, %get3A_206] {strides = array<i32>} : memref<8x512xf32, #tpu.memory_space<vmem>>, vector<16xf32>,
        %mul3A_208 = arith.mulf %get3A_207, %div3A_106 : vector<16xf32>
        %swap3A_209 = arith.index_cast %add3A_78 : i32 to index
        %swap3A_210 = arith.constant 224 : index
        %swap3A_211 = tpu.vector_load %arg7[%swap3A_209, %swap3A_210] {strides = array<i32>} : memref<8x512xf32, #tpu.memory_space<vmem>>, vector<16xf32>,
        tpu.vector_store %arg7[%swap3A_209, %swap3A_210], %mul3A_208 {strides = array<i32>} : memref<8x512xf32, #tpu.memory_space<vmem>>, vector<16xf32>,
        %get3A_212 = arith.index_cast %add3A_78 : i32 to index
        %get3A_213 = arith.constant 240 : index
        %get3A_214 = tpu.vector_load %arg7[%get3A_212, %get3A_213] {strides = array<i32>} : memref<8x512xf32, #tpu.memory_space<vmem>>, vector<16xf32>,
        %mul3A_215 = arith.mulf %get3A_214, %div3A_106 : vector<16xf32>
        %swap3A_216 = arith.index_cast %add3A_78 : i32 to index
        %swap3A_217 = arith.constant 240 : index
        %swap3A_218 = tpu.vector_load %arg7[%swap3A_216, %swap3A_217] {strides = array<i32>} : memref<8x512xf32, #tpu.memory_space<vmem>>, vector<16xf32>,
        tpu.vector_store %arg7[%swap3A_216, %swap3A_217], %mul3A_215 {strides = array<i32>} : memref<8x512xf32, #tpu.memory_space<vmem>>, vector<16xf32>,
        %get3A_219 = arith.index_cast %add3A_78 : i32 to index
        %get3A_220 = arith.constant 256 : index
        %get3A_221 = tpu.vector_load %arg7[%get3A_219, %get3A_220] {strides = array<i32>} : memref<8x512xf32, #tpu.memory_space<vmem>>, vector<16xf32>,
        %mul3A_222 = arith.mulf %get3A_221, %div3A_106 : vector<16xf32>
        %swap3A_223 = arith.index_cast %add3A_78 : i32 to index
        %swap3A_224 = arith.constant 256 : index
        %swap3A_225 = tpu.vector_load %arg7[%swap3A_223, %swap3A_224] {strides = array<i32>} : memref<8x512xf32, #tpu.memory_space<vmem>>, vector<16xf32>,
        tpu.vector_store %arg7[%swap3A_223, %swap3A_224], %mul3A_222 {strides = array<i32>} : memref<8x512xf32, #tpu.memory_space<vmem>>, vector<16xf32>,
        %get3A_226 = arith.index_cast %add3A_78 : i32 to index
        %get3A_227 = arith.constant 272 : index
        %get3A_228 = tpu.vector_load %arg7[%get3A_226, %get3A_227] {strides = array<i32>} : memref<8x512xf32, #tpu.memory_space<vmem>>, vector<16xf32>,
        %mul3A_229 = arith.mulf %get3A_228, %div3A_106 : vector<16xf32>
        %swap3A_230 = arith.index_cast %add3A_78 : i32 to index
        %swap3A_231 = arith.constant 272 : index
        %swap3A_232 = tpu.vector_load %arg7[%swap3A_230, %swap3A_231] {strides = array<i32>} : memref<8x512xf32, #tpu.memory_space<vmem>>, vector<16xf32>,
        tpu.vector_store %arg7[%swap3A_230, %swap3A_231], %mul3A_229 {strides = array<i32>} : memref<8x512xf32, #tpu.memory_space<vmem>>, vector<16xf32>,
        %get3A_233 = arith.index_cast %add3A_78 : i32 to index
        %get3A_234 = arith.constant 288 : index
        %get3A_235 = tpu.vector_load %arg7[%get3A_233, %get3A_234] {strides = array<i32>} : memref<8x512xf32, #tpu.memory_space<vmem>>, vector<16xf32>,
        %mul3A_236 = arith.mulf %get3A_235, %div3A_106 : vector<16xf32>
        %swap3A_237 = arith.index_cast %add3A_78 : i32 to index
        %swap3A_238 = arith.constant 288 : index
        %swap3A_239 = tpu.vector_load %arg7[%swap3A_237, %swap3A_238] {strides = array<i32>} : memref<8x512xf32, #tpu.memory_space<vmem>>, vector<16xf32>,
        tpu.vector_store %arg7[%swap3A_237, %swap3A_238], %mul3A_236 {strides = array<i32>} : memref<8x512xf32, #tpu.memory_space<vmem>>, vector<16xf32>,
        %get3A_240 = arith.index_cast %add3A_78 : i32 to index
        %get3A_241 = arith.constant 304 : index
        %get3A_242 = tpu.vector_load %arg7[%get3A_240, %get3A_241] {strides = array<i32>} : memref<8x512xf32, #tpu.memory_space<vmem>>, vector<16xf32>,
        %mul3A_243 = arith.mulf %get3A_242, %div3A_106 : vector<16xf32>
        %swap3A_244 = arith.index_cast %add3A_78 : i32 to index
        %swap3A_245 = arith.constant 304 : index
        %swap3A_246 = tpu.vector_load %arg7[%swap3A_244, %swap3A_245] {strides = array<i32>} : memref<8x512xf32, #tpu.memory_space<vmem>>, vector<16xf32>,
        tpu.vector_store %arg7[%swap3A_244, %swap3A_245], %mul3A_243 {strides = array<i32>} : memref<8x512xf32, #tpu.memory_space<vmem>>, vector<16xf32>,
        %get3A_247 = arith.index_cast %add3A_78 : i32 to index
        %get3A_248 = arith.constant 320 : index
        %get3A_249 = tpu.vector_load %arg7[%get3A_247, %get3A_248] {strides = array<i32>} : memref<8x512xf32, #tpu.memory_space<vmem>>, vector<16xf32>,
        %mul3A_250 = arith.mulf %get3A_249, %div3A_106 : vector<16xf32>
        %swap3A_251 = arith.index_cast %add3A_78 : i32 to index
        %swap3A_252 = arith.constant 320 : index
        %swap3A_253 = tpu.vector_load %arg7[%swap3A_251, %swap3A_252] {strides = array<i32>} : memref<8x512xf32, #tpu.memory_space<vmem>>, vector<16xf32>,
        tpu.vector_store %arg7[%swap3A_251, %swap3A_252], %mul3A_250 {strides = array<i32>} : memref<8x512xf32, #tpu.memory_space<vmem>>, vector<16xf32>,
        %get3A_254 = arith.index_cast %add3A_78 : i32 to index
        %get3A_255 = arith.constant 336 : index
        %get3A_256 = tpu.vector_load %arg7[%get3A_254, %get3A_255] {strides = array<i32>} : memref<8x512xf32, #tpu.memory_space<vmem>>, vector<16xf32>,
        %mul3A_257 = arith.mulf %get3A_256, %div3A_106 : vector<16xf32>
        %swap3A_258 = arith.index_cast %add3A_78 : i32 to index
        %swap3A_259 = arith.constant 336 : index
        %swap3A_260 = tpu.vector_load %arg7[%swap3A_258, %swap3A_259] {strides = array<i32>} : memref<8x512xf32, #tpu.memory_space<vmem>>, vector<16xf32>,
        tpu.vector_store %arg7[%swap3A_258, %swap3A_259], %mul3A_257 {strides = array<i32>} : memref<8x512xf32, #tpu.memory_space<vmem>>, vector<16xf32>,
        %get3A_261 = arith.index_cast %add3A_78 : i32 to index
        %get3A_262 = arith.constant 352 : index
        %get3A_263 = tpu.vector_load %arg7[%get3A_261, %get3A_262] {strides = array<i32>} : memref<8x512xf32, #tpu.memory_space<vmem>>, vector<16xf32>,
        %mul3A_264 = arith.mulf %get3A_263, %div3A_106 : vector<16xf32>
        %swap3A_265 = arith.index_cast %add3A_78 : i32 to index
        %swap3A_266 = arith.constant 352 : index
        %swap3A_267 = tpu.vector_load %arg7[%swap3A_265, %swap3A_266] {strides = array<i32>} : memref<8x512xf32, #tpu.memory_space<vmem>>, vector<16xf32>,
        tpu.vector_store %arg7[%swap3A_265, %swap3A_266], %mul3A_264 {strides = array<i32>} : memref<8x512xf32, #tpu.memory_space<vmem>>, vector<16xf32>,
        %get3A_268 = arith.index_cast %add3A_78 : i32 to index
        %get3A_269 = arith.constant 368 : index
        %get3A_270 = tpu.vector_load %arg7[%get3A_268, %get3A_269] {strides = array<i32>} : memref<8x512xf32, #tpu.memory_space<vmem>>, vector<16xf32>,
        %mul3A_271 = arith.mulf %get3A_270, %div3A_106 : vector<16xf32>
        %swap3A_272 = arith.index_cast %add3A_78 : i32 to index
        %swap3A_273 = arith.constant 368 : index
        %swap3A_274 = tpu.vector_load %arg7[%swap3A_272, %swap3A_273] {strides = array<i32>} : memref<8x512xf32, #tpu.memory_space<vmem>>, vector<16xf32>,
        tpu.vector_store %arg7[%swap3A_272, %swap3A_273], %mul3A_271 {strides = array<i32>} : memref<8x512xf32, #tpu.memory_space<vmem>>, vector<16xf32>,
        %get3A_275 = arith.index_cast %add3A_78 : i32 to index
        %get3A_276 = arith.constant 384 : index
        %get3A_277 = tpu.vector_load %arg7[%get3A_275, %get3A_276] {strides = array<i32>} : memref<8x512xf32, #tpu.memory_space<vmem>>, vector<16xf32>,
        %mul3A_278 = arith.mulf %get3A_277, %div3A_106 : vector<16xf32>
        %swap3A_279 = arith.index_cast %add3A_78 : i32 to index
        %swap3A_280 = arith.constant 384 : index
        %swap3A_281 = tpu.vector_load %arg7[%swap3A_279, %swap3A_280] {strides = array<i32>} : memref<8x512xf32, #tpu.memory_space<vmem>>, vector<16xf32>,
        tpu.vector_store %arg7[%swap3A_279, %swap3A_280], %mul3A_278 {strides = array<i32>} : memref<8x512xf32, #tpu.memory_space<vmem>>, vector<16xf32>,
        %get3A_282 = arith.index_cast %add3A_78 : i32 to index
        %get3A_283 = arith.constant 400 : index
        %get3A_284 = tpu.vector_load %arg7[%get3A_282, %get3A_283] {strides = array<i32>} : memref<8x512xf32, #tpu.memory_space<vmem>>, vector<16xf32>,
        %mul3A_285 = arith.mulf %get3A_284, %div3A_106 : vector<16xf32>
        %swap3A_286 = arith.index_cast %add3A_78 : i32 to index
        %swap3A_287 = arith.constant 400 : index
        %swap3A_288 = tpu.vector_load %arg7[%swap3A_286, %swap3A_287] {strides = array<i32>} : memref<8x512xf32, #tpu.memory_space<vmem>>, vector<16xf32>,
        tpu.vector_store %arg7[%swap3A_286, %swap3A_287], %mul3A_285 {strides = array<i32>} : memref<8x512xf32, #tpu.memory_space<vmem>>, vector<16xf32>,
        %get3A_289 = arith.index_cast %add3A_78 : i32 to index
        %get3A_290 = arith.constant 416 : index
        %get3A_291 = tpu.vector_load %arg7[%get3A_289, %get3A_290] {strides = array<i32>} : memref<8x512xf32, #tpu.memory_space<vmem>>, vector<16xf32>,
        %mul3A_292 = arith.mulf %get3A_291, %div3A_106 : vector<16xf32>
        %swap3A_293 = arith.index_cast %add3A_78 : i32 to index
        %swap3A_294 = arith.constant 416 : index
        %swap3A_295 = tpu.vector_load %arg7[%swap3A_293, %swap3A_294] {strides = array<i32>} : memref<8x512xf32, #tpu.memory_space<vmem>>, vector<16xf32>,
        tpu.vector_store %arg7[%swap3A_293, %swap3A_294], %mul3A_292 {strides = array<i32>} : memref<8x512xf32, #tpu.memory_space<vmem>>, vector<16xf32>,
        %get3A_296 = arith.index_cast %add3A_78 : i32 to index
        %get3A_297 = arith.constant 432 : index
        %get3A_298 = tpu.vector_load %arg7[%get3A_296, %get3A_297] {strides = array<i32>} : memref<8x512xf32, #tpu.memory_space<vmem>>, vector<16xf32>,
        %mul3A_299 = arith.mulf %get3A_298, %div3A_106 : vector<16xf32>
        %swap3A_300 = arith.index_cast %add3A_78 : i32 to index
        %swap3A_301 = arith.constant 432 : index
        %swap3A_302 = tpu.vector_load %arg7[%swap3A_300, %swap3A_301] {strides = array<i32>} : memref<8x512xf32, #tpu.memory_space<vmem>>, vector<16xf32>,
        tpu.vector_store %arg7[%swap3A_300, %swap3A_301], %mul3A_299 {strides = array<i32>} : memref<8x512xf32, #tpu.memory_space<vmem>>, vector<16xf32>,
        %get3A_303 = arith.index_cast %add3A_78 : i32 to index
        %get3A_304 = arith.constant 448 : index
        %get3A_305 = tpu.vector_load %arg7[%get3A_303, %get3A_304] {strides = array<i32>} : memref<8x512xf32, #tpu.memory_space<vmem>>, vector<16xf32>,
        %mul3A_306 = arith.mulf %get3A_305, %div3A_106 : vector<16xf32>
        %swap3A_307 = arith.index_cast %add3A_78 : i32 to index
        %swap3A_308 = arith.constant 448 : index
        %swap3A_309 = tpu.vector_load %arg7[%swap3A_307, %swap3A_308] {strides = array<i32>} : memref<8x512xf32, #tpu.memory_space<vmem>>, vector<16xf32>,
        tpu.vector_store %arg7[%swap3A_307, %swap3A_308], %mul3A_306 {strides = array<i32>} : memref<8x512xf32, #tpu.memory_space<vmem>>, vector<16xf32>,
        %get3A_310 = arith.index_cast %add3A_78 : i32 to index
        %get3A_311 = arith.constant 464 : index
        %get3A_312 = tpu.vector_load %arg7[%get3A_310, %get3A_311] {strides = array<i32>} : memref<8x512xf32, #tpu.memory_space<vmem>>, vector<16xf32>,
        %mul3A_313 = arith.mulf %get3A_312, %div3A_106 : vector<16xf32>
        %swap3A_314 = arith.index_cast %add3A_78 : i32 to index
        %swap3A_315 = arith.constant 464 : index
        %swap3A_316 = tpu.vector_load %arg7[%swap3A_314, %swap3A_315] {strides = array<i32>} : memref<8x512xf32, #tpu.memory_space<vmem>>, vector<16xf32>,
        tpu.vector_store %arg7[%swap3A_314, %swap3A_315], %mul3A_313 {strides = array<i32>} : memref<8x512xf32, #tpu.memory_space<vmem>>, vector<16xf32>,
        %get3A_317 = arith.index_cast %add3A_78 : i32 to index
        %get3A_318 = arith.constant 480 : index
        %get3A_319 = tpu.vector_load %arg7[%get3A_317, %get3A_318] {strides = array<i32>} : memref<8x512xf32, #tpu.memory_space<vmem>>, vector<16xf32>,
        %mul3A_320 = arith.mulf %get3A_319, %div3A_106 : vector<16xf32>
        %swap3A_321 = arith.index_cast %add3A_78 : i32 to index
        %swap3A_322 = arith.constant 480 : index
        %swap3A_323 = tpu.vector_load %arg7[%swap3A_321, %swap3A_322] {strides = array<i32>} : memref<8x512xf32, #tpu.memory_space<vmem>>, vector<16xf32>,
        tpu.vector_store %arg7[%swap3A_321, %swap3A_322], %mul3A_320 {strides = array<i32>} : memref<8x512xf32, #tpu.memory_space<vmem>>, vector<16xf32>,
        %get3A_324 = arith.index_cast %add3A_78 : i32 to index
        %get3A_325 = arith.constant 496 : index
        %get3A_326 = tpu.vector_load %arg7[%get3A_324, %get3A_325] {strides = array<i32>} : memref<8x512xf32, #tpu.memory_space<vmem>>, vector<16xf32>,
        %mul3A_327 = arith.mulf %get3A_326, %div3A_106 : vector<16xf32>
        %swap3A_328 = arith.index_cast %add3A_78 : i32 to index
        %swap3A_329 = arith.constant 496 : index
        %swap3A_330 = tpu.vector_load %arg7[%swap3A_328, %swap3A_329] {strides = array<i32>} : memref<8x512xf32, #tpu.memory_space<vmem>>, vector<16xf32>,
        tpu.vector_store %arg7[%swap3A_328, %swap3A_329], %mul3A_327 {strides = array<i32>} : memref<8x512xf32, #tpu.memory_space<vmem>>, vector<16xf32>,
      }
      %scan3A_73 = arith.constant 8 : i32
      "tpu.region"() ({
        %run_scoped3A = tpu.sem_alloc : memref<!tpu.dma_semaphore, #tpu.memory_space<semaphore_mem>>
        %dma_start3A = arith.constant 0 : i32
        %dma_start3A_74 = arith.constant 0 : i32
        %dma_start3A_75 = tpu.memref_slice %arg4[%add3A, %dma_start3A, %dma_start3A_74] : memref<16x8x512xf32, #tpu.memory_space<hbm>> -> memref<1x8x512xf32, #tpu.memory_space<hbm>>
        %dma_start3A_76 = tpu.memref_squeeze %dma_start3A_75 : memref<1x8x512xf32, #tpu.memory_space<hbm>> -> memref<8x512xf32, #tpu.memory_space<hbm>>
        %dma_start3A_77 = arith.constant 0 : i32
        %dma_start3A_78 = arith.constant 0 : i32
        %dma_start3A_79 = tpu.memref_slice %arg4[%add3A, %dma_start3A_77, %dma_start3A_78] : memref<16x8x512xf32, #tpu.memory_space<hbm>> -> memref<1x8x512xf32, #tpu.memory_space<hbm>>
        %dma_start3A_80 = tpu.memref_squeeze %dma_start3A_79 : memref<1x8x512xf32, #tpu.memory_space<hbm>> -> memref<8x512xf32, #tpu.memory_space<hbm>>
        tpu.enqueue_dma source(%arg7 : memref<8x512xf32, #tpu.memory_space<vmem>>) target(%dma_start3A_80 : memref<8x512xf32, #tpu.memory_space<hbm>>) target_semaphore(%run_scoped3A : memref<!tpu.dma_semaphore, #tpu.memory_space<semaphore_mem>>)
        %dma_wait3A = arith.constant 0 : i32
        %dma_wait3A_81 = arith.constant 0 : i32
        %dma_wait3A_82 = tpu.memref_slice %arg4[%add3A, %dma_wait3A, %dma_wait3A_81] : memref<16x8x512xf32, #tpu.memory_space<hbm>> -> memref<1x8x512xf32, #tpu.memory_space<hbm>>
        %dma_wait3A_83 = tpu.memref_squeeze %dma_wait3A_82 : memref<1x8x512xf32, #tpu.memory_space<hbm>> -> memref<8x512xf32, #tpu.memory_space<hbm>>
        %dma_wait3A_84 = arith.constant 0 : i32
        %dma_wait3A_85 = arith.constant 0 : i32
        %dma_wait3A_86 = tpu.memref_slice %arg4[%add3A, %dma_wait3A_84, %dma_wait3A_85] : memref<16x8x512xf32, #tpu.memory_space<hbm>> -> memref<1x8x512xf32, #tpu.memory_space<hbm>>
        %dma_wait3A_87 = tpu.memref_squeeze %dma_wait3A_86 : memref<1x8x512xf32, #tpu.memory_space<hbm>> -> memref<8x512xf32, #tpu.memory_space<hbm>>
        tpu.wait_dma2 semaphore(%run_scoped3A : memref<!tpu.dma_semaphore, #tpu.memory_space<semaphore_mem>>) src(%arg7 : memref<8x512xf32, #tpu.memory_space<vmem>>) dst(%dma_wait3A_87 : memref<8x512xf32, #tpu.memory_space<hbm>>)
        tpu.yield
      }) : () -> ()
    } else {
    }
    return
  }
}

module attributes {stable_mosaic.version = 14 : i64} {
  func.func @_proj_body(%arg0: memref<128x512xf32, #tpu.memory_space<vmem>>, %arg1: memref<512x512xf32, #tpu.memory_space<vmem>>, %arg2: memref<1x512xf32, #tpu.memory_space<vmem>>, %arg3: memref<128x512xf32, #tpu.memory_space<vmem>>) attributes {dimension_semantics = [], scalar_prefetch = 0 : i64, scratch_operands = 0 : i64, tpu.core_type = #tpu.core_type<tc>} {
    %get3A = arith.constant 0 : index
    %get3A_0 = arith.constant 0 : index
    %get3A_1 = vector.load %arg0[%get3A, %get3A_0] : memref<128x512xf32, #tpu.memory_space<vmem>>, vector<128x512xf32>
    %get3A_2 = arith.constant 0 : index
    %get3A_3 = arith.constant 0 : index
    %get3A_4 = vector.load %arg1[%get3A_2, %get3A_3] : memref<512x512xf32, #tpu.memory_space<vmem>>, vector<512x512xf32>
    %dot_general3A = arith.constant dense<0.000000e+00> : vector<128x512xf32>
    %dot_general3A_5 = tpu.matmul %get3A_1, %get3A_4, %dot_general3A {dimension_numbers = #tpu.dot_dimension_numbers<[1], [1], [0], [0], [0, 0, 1, 0], [], []>, transpose_lhs_hint = false} : vector<128x512xf32>, vector<512x512xf32>, vector<128x512xf32> -> vector<128x512xf32>
    %get3A_6 = arith.constant 0 : index
    %get3A_7 = arith.constant 0 : index
    %get3A_8 = vector.load %arg2[%get3A_6, %get3A_7] : memref<1x512xf32, #tpu.memory_space<vmem>>, vector<1x512xf32>
    %add3A = vector.broadcast %get3A_8 : vector<1x512xf32> to vector<128x512xf32>
    %add3A_9 = arith.addf %dot_general3A_5, %add3A : vector<128x512xf32>
    %swap3A = arith.constant 0 : index
    %swap3A_10 = arith.constant 0 : index
    %swap3A_11 = vector.load %arg3[%swap3A, %swap3A_10] : memref<128x512xf32, #tpu.memory_space<vmem>>, vector<128x512xf32>
    tpu.vector_store %arg3[%swap3A, %swap3A_10], %add3A_9 {strides = array<i32>} : memref<128x512xf32, #tpu.memory_space<vmem>>, vector<128x512xf32>,
    return
  }
}

</mosaic_0001>

<sc_bundles>
// kernel: kernel.4.cloned.1.call-start
scs
__scs_entry_jumppad:
0x0: {  	(pc) =	sbr.rel $0x88, $3  }
0x1: {  	(tag) =	ssettag $0x0;
	lr =	simm.s32 $0x1  }
0x2: {  	[smem:$0x3F9D] =	sst lr;
	_ =	strace $0xD0000000  }
0x3: {  	_ = 	snop  }
0x4: {  	_ = 	snop  }
0x5: {  	_ = 	snop  }
0x6: {  	_ = 	snop  }
0x7: {  	_ = 	snop  }
__scs_overlays_trampoline_lowered:
0x8: {  	[smem:$0x3FAC] =	sst s0  }
0x9: {  	[smem:$0x3FAD] =	sst s1  }
0xa: {  	[smem:$0x3FAE] =	sst s2  }
0xb: {  	[smem:$0x3FAF] =	sst s3  }
0xc: {  	[smem:$0x3FB0] =	sst s4  }
0xd: {  	[smem:$0x3FB1] =	sst s5  }
0xe: {  	[smem:$0x3FB2] =	sst s6  }
0xf: {  	[smem:$0x3FB3] =	sst s7  }
0x10: {  	[smem:$0x3FB4] =	sst s8  }
0x11: {  	[smem:$0x3FB5] =	sst s9;
	s0 =	simm.s32 @!p0 $0x0  }
0x12: {  	s1 =	sld [smem:$0x3F9B];
	s0 =	simm.s32 @p0 $0x1  }
0x13: {  	[smem:$0x3FB6] =	sst s0;
	s0 =	simm.s32 @!p1 $0x0  }
0x14: {  	s2 =	sld [smem:$0x3F9A];
	s0 =	simm.s32 @p1 $0x1  }
0x15: {  	[smem:$0x3FB7] =	sst s0;
	s0 =	simm.s32 @!p2 $0x0  }
0x16: {  	s3 =	sld [smem:$0x3FDB];
	s0 =	simm.s32 @p2 $0x1  }
0x17: {  	s4 =	simm.s32 $0x1BF5;
	[smem:$0x3FB9] =	sst s0  }
0x18: {  	s0 =	sld [smem:$0x3F9C];
	_ =	swait.ge [sflag:s4], $0x0  }
0x19: {  	s7 =	sld [smem:$0x3F9D]  }
0x1a: {  	s8 =	sadd.s32 $0xFFFFE003, lr  }
0x1b: {  	s9 =	sadd.s32 $0xFFFFFEF7, lr;
	s5 =	simm.s32 $0xFFFFFFFF;
	p2 =	slt.u32 s8, $0xFFFFF086  }
0x1c: {  	p1 =	slt.u32 s9, $0xF7A;
	s5 =	simm.s32 @!p2 $0x0  }
0x1d: {  	s5 =	simm.s32 @p1 $0x1;
	p0 =	seq.s32 s7, s2  }
0x1e: {  	s7 =	smul.u32 @!p0 $0xF7A, s2;
	p2 =	seq.s32 @!p0 s5, $0x0  }
0x1f: {  	s9 =	smul.u32 $0xF7A, s1;
	s8 =	simm.s32 @!p0 $0x1BF5;
	p2 =	por !p2, p0  }
0x20: {  	[sflag:s8] =	ssyncset.s32 @!p0 $0xFFFFF086;
	s6 =	sadd.s32 @!p0 s3, s7;
	s7 =	simm.s32 @!p0 $0x108  }
0x21: {  	s3 =	sadd.s32 s3, s9;
	s6 =	sadd.s32 @!p0 $0x88, s6;
	s7 =	simm.s32 @p2 $0x1082  }
0x22: {  	[simem:s7], [sflag:s8] =	dma.local @!p0 [hbm:s6], $0xF7A  }
0x23: {  	s9 =	sor.u32 $0xD0000000, s2;
	s6 =	simm.s32 $0x108;
	_ =	swait.ge @!p0 [sflag:s8], $0x0  }
0x24: {  	s3 =	sadd.s32 $0x88, s3;
	s6 =	simm.s32 @!p1 $0x1082;
	[sflag:s4] =	ssyncset.s32 $0xFFFFF086  }
0x25: {  	[simem:s6], [sflag:s4] =	dma.local [hbm:s3], $0xF7A  }
0x26: {  	[smem:$0x3F9D] =	sst s1;
	(tag) =	ssettag s2;
	_ =	strace s9  }
0x27: {  	s1 =	sld [smem:$0x3FAD]  }
0x28: {  	s2 =	sld [smem:$0x3FAE]  }
0x29: {  	s4 =	sld [smem:$0x3FB0]  }
0x2a: {  	p0 =	seq.s32 s5, $0x0;
	s5 =	sld [smem:$0x3FB1]  }
0x2b: {  	s6 =	sld [smem:$0x3FB2]  }
0x2c: {  	s7 =	sld [smem:$0x3FB3]  }
0x2d: {  	s3 =	simm.s32 $0x108;
	s8 =	sld [smem:$0x3FB4]  }
0x2e: {  	s3 =	simm.s32 @!p0 $0x1082;
	s9 =	sld [smem:$0x3FB5]  }
0x2f: {  	lr =	sadd.s32 s0, s3;
	s0 =	sld [smem:$0x3FAC]  }
0x30: {  	s3 =	sld [smem:$0x3FAF]  }
0x31: {  	[smem:$0x3FB8] =	sst s10  }
0x32: {  	s10 =	sld [smem:$0x3FB6];
	_ =	sdelay $0x3  }
0x33: {  	p0 =	seq.s32 s10, $0x1;
	s10 =	sld [smem:$0x3FB8];
	_ =	sdelay $0x3  }
0x34: {  	[smem:$0x3FB8] =	sst s10  }
0x35: {  	s10 =	sld [smem:$0x3FB7];
	_ =	sdelay $0x3  }
0x36: {  	p1 =	seq.s32 s10, $0x1;
	s10 =	sld [smem:$0x3FB8];
	_ =	sdelay $0x3  }
0x37: {  	[smem:$0x3FB8] =	sst s10  }
0x38: {  	s10 =	sld [smem:$0x3FB9]  }
0x39: {  	_ = 	snop;
	(pc) =	sbr.ind lr, $3  }
0x3a: {  	_ = 	snop  }
0x3b: {  	_ = 	snop  }
0x3c: {  	p2 =	seq.s32 s10, $0x1;
	s10 =	sld [smem:$0x3FB8]  }
0x3d: {  	_ =	shalt  }
0x3e: {  	_ =	shalt  }
0x3f: {  	_ =	shalt  }
0x40: {  	_ =	shalt  }
0x41: {  	_ =	shalt  }
0x42: {  	_ =	shalt  }
0x43: {  	_ =	shalt  }
0x44: {  	_ =	shalt  }
0x45: {  	_ =	shalt  }
0x46: {  	_ =	shalt  }
0x47: {  	_ =	shalt  }
0x48: {  	_ =	shalt  }
0x49: {  	_ =	shalt  }
0x4a: {  	_ =	shalt  }
0x4b: {  	_ =	shalt  }
0x4c: {  	_ =	shalt  }
0x4d: {  	_ =	shalt  }
0x4e: {  	_ =	shalt  }
0x4f: {  	_ =	shalt  }
0x50: {  	_ =	shalt  }
0x51: {  	_ =	shalt  }
0x52: {  	_ =	shalt  }
0x53: {  	_ =	shalt  }
0x54: {  	_ =	shalt  }
0x55: {  	_ =	shalt  }
0x56: {  	_ =	shalt  }
0x57: {  	_ =	shalt  }
0x58: {  	_ =	shalt  }
0x59: {  	_ =	shalt  }
0x5a: {  	_ =	shalt  }
0x5b: {  	_ =	shalt  }
0x5c: {  	_ =	shalt  }
0x5d: {  	_ =	shalt  }
0x5e: {  	_ =	shalt  }
0x5f: {  	_ =	shalt  }
0x60: {  	_ =	shalt  }
0x61: {  	_ =	shalt  }
0x62: {  	_ =	shalt  }
0x63: {  	_ =	shalt  }
0x64: {  	_ =	shalt  }
0x65: {  	_ =	shalt  }
0x66: {  	_ =	shalt  }
0x67: {  	_ =	shalt  }
0x68: {  	_ =	shalt  }
0x69: {  	_ =	shalt  }
0x6a: {  	_ =	shalt  }
0x6b: {  	_ =	shalt  }
0x6c: {  	_ =	shalt  }
0x6d: {  	_ =	shalt  }
0x6e: {  	_ =	shalt  }
0x6f: {  	_ =	shalt  }
0x70: {  	_ =	shalt  }
0x71: {  	_ =	shalt  }
0x72: {  	_ =	shalt  }
0x73: {  	_ =	shalt  }
0x74: {  	_ =	shalt  }
0x75: {  	_ =	shalt  }
0x76: {  	_ =	shalt  }
0x77: {  	_ =	shalt  }
0x78: {  	_ =	shalt  }
0x79: {  	_ =	shalt  }
0x7a: {  	_ =	shalt  }
0x7b: {  	_ =	shalt  }
0x7c: {  	_ =	shalt  }
0x7d: {  	_ =	shalt  }
0x7e: {  	_ =	shalt  }
0x7f: {  	_ =	shalt  }
0x80: {  	_ =	shalt  }
0x81: {  	_ =	shalt  }
0x82: {  	_ =	shalt  }
0x83: {  	_ =	shalt  }
0x84: {  	_ =	shalt  }
0x85: {  	_ =	shalt  }
0x86: {  	_ =	shalt  }
0x87: {  	_ =	shalt  }
.Lfunc_end0:
.L_simem_size_0:
called_computation_lowered:
.L_overlay_start_0:
0x88: {  	s2 =	sld [smem:$0x3FD9]  }
0x89: {  	s3 =	sld [smem:$0x3FFE];
	_ =	sdelay $0x1  }
0x8a: {  	s1 =	srdreg.scid  }
0x8b: {  	s0 =	sand.u32 $0x1, s1  }
0x8c: {  	s18 =	sshll.u32 s0, $0xA;
	s2 =	sadd.s32 s3, s2  }
0x8d: {  	s2 =	sadd.s32 s2, s18  }
0x8e: {  	[smem:$0x3FC4] =	sst s2  }
0x8f: {  	_ = 	snop  }
0x90: {  	s2 =	sld [smem:$0x3FC9]  }
0x91: {  	s19 =	sld [smem:$0x3FC8]  }
0x92: {  	s4 =	sld [smem:$0x3FD0];
	(tm) =	ssettm $0x1  }
0x93: {  	s5 =	sld [smem:$0x3FFB];
	_ =	sdelay $0x3  }
0x94: {  	_ =	strace s5  }
0x95: {  	s5 =	sld [smem:$0x3FFC];
	_ =	sdelay $0x3  }
0x96: {  	_ =	strace s5  }
0x97: {  	s5 =	sld [smem:$0x3FFD];
	_ =	sdelay $0x3  }
0x98: {  	_ =	strace s5  }
0x99: {  	_ =	strace $0x8FFFFFFF  }
0x9a: {  	s20 =	sld [smem:$0x3FDB];
	_ =	sdelay $0x1  }
0x9b: {  	s6 =	simm.s32 $_scs_section_size  }
0x9c: {  	s7 =	simm.s32 $_size__tile_overlayer_lowered;
	s8 =	simm.s32 $_tile_overlayer_lowered  }
0x9d: {  	s23 =	simm.s32 $0x1BFF;
	s22 =	sshll.u32 s8, $0x1;
	s5 =	sadd.s32 s6, s20  }
0x9e: {  	s9 =	simm.s32 $0x0;
	s21 =	sshll.u32 s7, $0x1;
	s7 =	sadd.s32 s22, s5  }
0x9f: {  	[timem:s9], [sflag:s23] =	dma.local [hbm:s7], s21  }
0xa0: {  	_ =	swait.ge [sflag:s23], s21  }
0xa1: {  	s6 =	ssub.s32 $0x0, s21;
	[sflag:s23] =	ssyncset.done $0x0  }
0xa2: {  	[sflag:s23] =	ssyncadd.s32 s6;
	_ =	sdelay $0x1  }
0xa3: {  	s24 =	simm.s32 $0x1B8B  }
0xa4: {  	_ =	swait.ge [sflag:s24], $0x1  }
0xa5: {  	[sflag:s24] =	ssyncset.done $0x0  }
0xa6: {  	s25 =	simm.s32 $0x1B8E;
	[sflag:s24] =	ssyncadd.s32 $0xFFFFFFFF  }
0xa7: {  	s26 =	simm.s32 $execute0_lowered;
	[smem:$0x3FD2] =	sst s25  }
0xa8: {  	s6 =	sshll.u32 s26, $0x1;
	_ =	strace $0x80000046;
	[dreg:$0x1] =	wrdreg $0xFFFFFFFF  }
0xa9: {  	s28 =	simm.s32 $_size_execute0_lowered;
	s5 =	sadd.s32 s5, s6;
	[dreg:$0x0] =	wrdreg $0x0  }
0xaa: {  	s6 =	sshll.u32 s28, $0x1;
	[dreg:$0x2] =	wrdreg s5  }
0xab: {  	[dreg:$0x3] =	wrdreg s6  }
0xac: {  	[dreg:$0x4] =	wrdreg $0xC0  }
0xad: {  	_ =	task [dreg:s9], $0x5FFFF  }
0xae: {  	[dreg:$0x1] =	wrdreg $0xFFFFFFFF  }
0xaf: {  	[dreg:$0x0] =	wrdreg $0x60  }
0xb0: {  	[dreg:$0x2] =	wrdreg s2  }
0xb1: {  	[dreg:$0x3] =	wrdreg s19  }
0xb2: {  	[dreg:$0x4] =	wrdreg s4  }
0xb3: {  	[dreg:$0x5] =	wrdreg $0x9  }
0xb4: {  	_ =	task.clear_ibuf [dreg:s9], $0x6FFFF;
	_ =	strace $0x90000046  }
0xb5: {  	s29 =	simm.s32 $0x9;
	_ =	strace $0x80000048  }
0xb6: {  	_ =	swait.ge [sflag:s29], $0x1  }
0xb7: {  	[sflag:s29] =	ssyncadd.s32 $0xFFFFFFFF  }
0xb8: {  	_ =	strace $0x90000048  }
0xb9: {  	_ =	sfence  }
0xba: {  	s30 =	sld [smem:$0x0];
	_ =	sdelay $0x2  }
0xbb: {  	s31 =	sshll.u32 s1, $0xD;
	s1 =	sshrl.u32 s1, $0x2  }
0xbc: {  	s3 =	sand.u32 $0x4000, s31;
	s1 =	sadd.s32 s1, s30  }
0xbd: {  	s0 =	sor.u32 s3, s0;
	s1 =	sshll.u32 s1, $0x11  }
0xbe: {  	s0 =	sor.u32 s1, s0  }
0xbf: {  	s0 =	sadd.s32 $0x8F2B, s0  }
0xc0: {  	[sflag:s0] =	ssyncadd.remote.s32 $0x1  }
0xc1: {  	_ =	sfence.sel $0xFFFF  }
0xc2: {  	[dreg:$0x0] =	wrdreg $0xFFFFFFFF;
	(pc) =	sbr.abs _section_cstart, $3  }
0xc3: {  	[dreg:$0x1] =	wrdreg $0xFFFFFFFF  }
0xc4: {  	_ =	task.clear_ibuf [dreg:s9], $0x2FFFF;
	_ =	strace $0x9FFFFFFF  }
0xc5: {  	(tm) =	ssettm $0x7FFFFFFF  }
tec
execute0_lowered:
.L_overlay_start_1:
0x0: {  	(tag) =	ssettag $0x1  }
0x1: {  	s2 =	stileid.u32  }
0x2: {  	p0 =	sgt.u32 s2, $0x7  }
.Ltmp0:
0x3: {  	s1 =	rddreg [dreg:$0x0];
	(pc) =	sbr.rel @p0 .LBB2_17-.Ltmp0, $4  }
0x4: {  	s6 =	rddreg [dreg:$0x1]  }
0x5: {  	s5 =	rddreg [dreg:$0x2];
	s3 =	simm.s32 $0x0  }
0x6: {  	[smem:$0x7FF] =	sst s3  }
0x7: {  	s0 =	rddreg [dreg:$0x3];
	_ =	strace $0x80000047  }
0x8: {  	s4 =	srdreg.scid  }
0x9: {  	s7 =	sshll.u32 s2, $0x1;
	s4 =	sand.u32 $0x1, s4  }
0xa: {  	s7 =	sor.u32 s4, s7  }
0xb: {  	s11 =	simm.s32 $0x0;
	s8 =	ssub.s32 $0x2, s4;
	s9 =	sshll.u32 s7, $0x9  }
0xc: {  	s10 =	sshrl.u32 s8, $0x1;
	s4 =	sshll.u32 s7, $0x15;
	s5 =	sadd.s32 s5, s9  }
0xd: {  	v0 =	vimm.s32 $0x1000;
	vm0 =	vcmask $0x300;
	v1 =	vimm.f32 $0.0e+00;
	s31 =	ssub.s32 s8, s10;
	s6 =	sadd.s32 s6, s9;
	s8 =	simm.s32 $0x1  }
0xe: {  	v2 =	vlaneseq.u32;
	v0 =	vsel vm0, $0x0, v0;
	vm0 =	vcmask $0x1F24;
	s9 =	simm.s32 $0x1000;
	s10 =	simm.s32 $0x5000;
	s7 =	smax.u32 s31, $0x1  }
.LBB2_2:
0xf: {  	s12 =	simm.s32 $0x0  }
0x10: {  	[tilespmem:s12], [sflag:$0x1] =	stream.linear.gather [hbm4b:s6+s12], $0x1000, $0x38;
	[tilespmem:$0x6080] =	vst v63  }
0x11: {  	p0 =	por $0x0, $0x0;
	_ =	swait.ge [sflag:s8], $0x1000  }
0x12: {  	s13 =	sand.u32 @!p0 $0x3E00, s12;
	[sflag:s8] =	ssyncset.done $0x0  }
0x13: {  	s14 =	sand.u32 @!p0 $0x70, s12;
	s13 =	sshrl.u32 @!p0 s13, $0x2;
	[sflag:s8] =	ssyncadd.s32 $0xFFFFF000  }
0x14: {  	s13 =	sor.u32 @!p0 s14, s13;
	[tilespmem:$0x6000] =	vst v0  }
0x15: {  	v3 =	vld @!p0 [tilespmem:s13+$0x0];
	_ =	sdelay $0x4  }
0x16: {  	(xrf0) =	vadd.scan.msk.s32 @!p0 $0xffff, v3;
	_ =	sdelay $0x5  }
0x17: {  	v4, _, _ =	vpop @!p0 (xrf0)  }
0x18: {  	(v2sf) =	vpush @!p0 v4, $0xF;
	_ =	sdelay $0x7  }
0x19: {  	v4 =	vadd.s32 @!p0 s12, v4  }
0x1a: {  	vm1 =	vgt.s32 @!p0 v3, $0x0;
	vm2 =	vlt.s32 @!p0 v4, $0x9  }
0x1b: {  	vm3 =	vlt.s32 @!p0 v4, $0xF;
	vm1 =	vmand @!p0 vm1, vm2  }
0x1c: {  	v3 =	vnsel @!p0 vm3, $0xF, v4;
	_ =	sdelay $0x1  }
0x1d: {  	v4 =	vlaneseq.u32 @!p0  }
0x1e: {  	v4 =	vadd.s32 @!p0 $0x1, v4  }
0x1f: {  	s14 =	simm.s32 @!p0 $0x6000;
	[smem:$0x0] =	sst s12;
	v4 =	vadd.s32 @!p0 s12, v4;
	s15 =	spop @!p0 (v2sf)  }
0x20: {  	s13 =	simm.s32 $0x40;
	[tilespmem:v3+s14+$0x0] =	vst.idx.msk @!p0 vm1, v4;
	s14 =	simm.s32 $0x10;
	s15 =	sadd.s32 @!p0 $0x0, s15  }
.LBB2_3:
0x21: {  	s16 =	smov.u32 s12  }
0x22: {  	s12 =	smov.u32 s15;
	[smem:$0x0] =	sst @!p0 s15  }
0x23: {  	s12 =	smov.u32 @p0 s16;
	s15 =	smov.u32 s13;
	s13 =	sadd.s32 $0x40, s13  }
0x24: {  	p0 =	sgt.s32 s12, $0x7;
	p1 =	sne.s32 s13, $0x4000  }
0x25: {  	s15 =	sand.u32 @!p0 $0x3E00, s15;
	v3 =	vlaneseq.u32 @!p0  }
0x26: {  	s16 =	sand.u32 @!p0 $0x70, s14;
	s15 =	sshrl.u32 @!p0 s15, $0x2;
	v3 =	vadd.s32 @!p0 $0x1, v3  }
0x27: {  	s15 =	sor.u32 @!p0 s16, s15;
	v3 =	vadd.s32 @!p0 s14, v3  }
0x28: {  	v4 =	vld @!p0 [tilespmem:s15+$0x0];
	_ =	sdelay $0x4  }
0x29: {  	vm1 =	vgt.s32 @!p0 v4, $0x0;
	(xrf0) =	vadd.scan.msk.s32 @!p0 $0xffff, v4;
	_ =	sdelay $0x5  }
0x2a: {  	v4, _, _ =	vpop @!p0 (xrf0)  }
0x2b: {  	v5 =	vadd.s32 @!p0 s12, v4;
	(v2sf) =	vpush @!p0 v4, $0xF  }
0x2c: {  	vm2 =	vlt.s32 @!p0 v5, $0x9;
	vm3 =	vlt.s32 @!p0 v5, $0xF  }
0x2d: {  	vm1 =	vmand @!p0 vm1, vm2;
	v4 =	vnsel @!p0 vm3, $0xF, v5;
	_ =	sdelay $0x4  }
0x2e: {  	s15 =	simm.s32 @!p0 $0x6000  }
0x2f: {  	[tilespmem:v4+s15+$0x0] =	vst.idx.msk @!p0 vm1, v3;
	_ =	sdelay $0x3  }
.Ltmp1:
0x30: {  	(pc) =	sbr.rel @p1 .LBB2_3-.Ltmp1, $3  }
0x31: {  	_ =	sdelay $0x1  }
0x32: {  	s15 =	spop @!p0 (v2sf)  }
0x33: {  	s14 =	sadd.s32 $0x10, s14;
	s15 =	sadd.s32 @!p0 s12, s15  }
0x34: {  	v3 =	vld [tilespmem:$0x6000];
	_ =	sdelay $0x1  }
0x35: {  	[smem:$0x0] =	sst @!p0 s15;
	s14 =	simm.s32 $0xFFFFFC00;
	s12 =	simm.s32 $0xFFFFF200  }
.LBB2_5:
0x36: {  	p0 =	sne.s32 s12, $0xFFFFFE00;
	[tilespmem:s14+$0x6070] =	vst v1  }
0x37: {  	[tilespmem:s14+$0x5400] =	vst v1  }
0x38: {  	[tilespmem:s14+$0x5410] =	vst v1  }
0x39: {  	[tilespmem:s14+$0x5420] =	vst v1  }
0x3a: {  	[tilespmem:s14+$0x5430] =	vst v1  }
0x3b: {  	[tilespmem:s14+$0x5440] =	vst v1  }
0x3c: {  	[tilespmem:s14+$0x5450] =	vst v1  }
0x3d: {  	[tilespmem:s14+$0x5460] =	vst v1  }
0x3e: {  	[tilespmem:s14+$0x5470] =	vst v1  }
0x3f: {  	[tilespmem:s14+$0x5800] =	vst v1  }
0x40: {  	[tilespmem:s14+$0x5810] =	vst v1  }
0x41: {  	[tilespmem:s14+$0x5820] =	vst v1  }
0x42: {  	[tilespmem:s14+$0x5830] =	vst v1  }
0x43: {  	[tilespmem:s14+$0x5840] =	vst v1  }
0x44: {  	[tilespmem:s14+$0x5850] =	vst v1  }
0x45: {  	[tilespmem:s14+$0x5860] =	vst v1  }
0x46: {  	[tilespmem:s14+$0x5870] =	vst v1  }
0x47: {  	[tilespmem:s14+$0x5C00] =	vst v1  }
0x48: {  	[tilespmem:s14+$0x5C10] =	vst v1  }
0x49: {  	[tilespmem:s14+$0x5C20] =	vst v1  }
0x4a: {  	[tilespmem:s14+$0x5C30] =	vst v1  }
0x4b: {  	[tilespmem:s14+$0x5C40] =	vst v1  }
0x4c: {  	[tilespmem:s14+$0x5C50] =	vst v1  }
0x4d: {  	[tilespmem:s14+$0x5C60] =	vst v1  }
0x4e: {  	[tilespmem:s14+$0x5C70] =	vst v1  }
0x4f: {  	[tilespmem:s14+$0x6000] =	vst v1  }
0x50: {  	[tilespmem:s14+$0x6010] =	vst v1  }
.Ltmp2:
0x51: {  	[tilespmem:s14+$0x6020] =	vst v1;
	(pc) =	sbr.rel @p0 .LBB2_5-.Ltmp2, $4  }
0x52: {  	[tilespmem:s14+$0x6030] =	vst v1  }
0x53: {  	[tilespmem:s14+$0x6040] =	vst v1  }
0x54: {  	[tilespmem:s14+$0x6050] =	vst v1  }
0x55: {  	[tilespmem:s14+$0x6060] =	vst v1;
	s14 =	sshra.s32 s12, $0x2;
	s12 =	sadd.s32 $0x200, s12  }
0x56: {  	v4 =	vsel vm0, $0x0, v3  }
0x57: {  	(xrf0) =	vadd.scan.msk.s32 $0xffff, v4;
	_ =	sdelay $0x2  }
0x58: {  	[tilespmem:s14+$0x6070] =	vst v1  }
0x59: {  	[tilespmem:s14+$0x5400] =	vst v1  }
0x5a: {  	[tilespmem:s14+$0x5410] =	vst v1  }
0x5b: {  	[tilespmem:s14+$0x5420] =	vst v1;
	v4, _, _ =	vpop (xrf0)  }
0x5c: {  	[tilespmem:s14+$0x5430] =	vst v1;
	(v2sf) =	vpush v4, $0xF  }
0x5d: {  	[tilespmem:s14+$0x5440] =	vst v1  }
0x5e: {  	[tilespmem:s14+$0x5450] =	vst v1  }
0x5f: {  	[tilespmem:s14+$0x5460] =	vst v1  }
0x60: {  	[tilespmem:s14+$0x5470] =	vst v1  }
0x61: {  	[tilespmem:s14+$0x5800] =	vst v1  }
0x62: {  	[tilespmem:s14+$0x5810] =	vst v1  }
0x63: {  	[tilespmem:s14+$0x5820] =	vst v1  }
0x64: {  	[tilespmem:s14+$0x5830] =	vst v1  }
0x65: {  	[tilespmem:s14+$0x5840] =	vst v1  }
0x66: {  	[tilespmem:s14+$0x5850] =	vst v1  }
0x67: {  	[tilespmem:s14+$0x5860] =	vst v1  }
0x68: {  	[tilespmem:s14+$0x5870] =	vst v1  }
0x69: {  	[tilespmem:s14+$0x5C00] =	vst v1  }
0x6a: {  	[tilespmem:s14+$0x5C10] =	vst v1  }
0x6b: {  	[tilespmem:s14+$0x5C20] =	vst v1;
	s12 =	spop (v2sf)  }
0x6c: {  	[tilespmem:s14+$0x5C30] =	vst v1;
	s12 =	sadd.s32 $0x1F, s12  }
0x6d: {  	[tilespmem:s14+$0x5C40] =	vst v1;
	s13 =	sand.u32 $0x1F, s12  }
0x6e: {  	[tilespmem:s14+$0x5C50] =	vst v1;
	s15 =	sshra.s32 s12, $0x1F;
	p0 =	slt.s32 s12, $0x1;
	p1 =	sne.s32 s13, $0x0  }
0x6f: {  	[tilespmem:s14+$0x5C60] =	vst v1;
	s31 =	sshrl.u32 s15, $0x1B;
	p0 =	por !p0, !p1  }
0x70: {  	[tilespmem:s14+$0x5C70] =	vst v1;
	s13 =	simm.s32 $0x1;
	s12 =	sadd.s32 s31, s12;
	p0 =	por !p0, !p0  }
0x71: {  	[tilespmem:s14+$0x6000] =	vst v1;
	s12 =	sshra.s32 s12, $0x5;
	s13 =	simm.s32 @!p0 $0x0  }
0x72: {  	[tilespmem:s14+$0x6010] =	vst v1;
	s12 =	ssub.s32 s12, s13  }
0x73: {  	[tilespmem:s14+$0x6020] =	vst v1;
	p0 =	slt.s32 s12, $0x1  }
.Ltmp3:
0x74: {  	[tilespmem:s14+$0x6030] =	vst v1;
	(pc) =	sbr.rel @!p0 .LBB2_7-.Ltmp3, $4  }
0x75: {  	[tilespmem:s14+$0x6040] =	vst v1  }
0x76: {  	[tilespmem:s14+$0x6050] =	vst v1  }
0x77: {  	[tilespmem:s14+$0x6060] =	vst v1;
	s14 =	simm.s32 $0x0  }
0x78: {  	s16 =	simm.s32 $0x0;
	s15 =	simm.s32 $0x0;
	s13 =	simm.s32 $0x0  }
.LBB2_14:
0x79: {  	s12 =	simm.s32 $0x0  }
0x7a: {  	s13 =	simm.s32 $0x1;
	v4 =	vmov s12  }
0x7b: {  	v5 =	vmov s13;
	vm1 =	veq.s32 v4, v2  }
0x7c: {  	vm2 =	veq.s32 v5, v2;
	v4 =	vnsel vm1, $0x0, v3  }
0x7d: {  	v5 =	vnsel vm2, $0x0, v3;
	(xrf0) =	vadd.scan.msk.s32 $0xffff, v4  }
0x7e: {  	(xrf0) =	vadd.scan.msk.s32 $0xffff, v5;
	_ =	sdelay $0x4  }
0x7f: {  	v4, _, _ =	vpop (xrf0)  }
0x80: {  	v6, _, _ =	vpop (xrf0);
	(v2sf) =	vpush v4, $0xF  }
0x81: {  	(v2sf) =	vpush v6, $0xF;
	_ =	sdelay $0x7  }
0x82: {  	s13 =	simm.s32 $0x5800  }
0x83: {  	v7 =	vld [tilespmem:s13+$0x410]  }
0x84: {  	v8 =	vld [tilespmem:s13+$0x70]  }
0x85: {  	v9 =	vld [tilespmem:s13+$0x60]  }
0x86: {  	v10 =	vld [tilespmem:s13+$0x50]  }
0x87: {  	v11 =	vld [tilespmem:s13+$0x400]  }
0x88: {  	v12 =	vld [tilespmem:s13+$0x440];
	s31 =	spop (v2sf)  }
0x89: {  	v13 =	vld [tilespmem:s13+$0x450];
	s14 =	spop (v2sf)  }
0x8a: {  	v17 =	vld [tilespmem:s13+$0x0];
	s12 =	ssub.s32 s14, s31  }
0x8b: {  	v15 =	vld [tilespmem:s13+$0x460];
	s12 =	scvt.s32.f32 s12  }
0x8c: {  	v16 =	vld [tilespmem:s13+$0x470]  }
0x8d: {  	v18 =	vld [tilespmem:s13+$0x10];
	v14 =	vmov s12  }
0x8e: {  	v20 =	vld [tilespmem:s13+$0x20];
	v14 =	vmax.f32 v14, $1.000000000e+00  }
0x8f: {  	v21 =	vld [tilespmem:s13+$0xFFFFFC60];
	s14 =	simm.s32 $0x2;
	v14 =	vbroadcast v14, $0x0  }
0x90: {  	v23 =	vld [tilespmem:s13+$0xFFFFFC50];
	v19 =	vmov s14  }
0x91: {  	v26 =	vld [tilespmem:s13+$0xFFFFFC40];
	vm1 =	veq.s32 v19, v2;
	(erf) = vrcp.f32 v14  }
0x92: {  	v24 =	vld [tilespmem:s13+$0xFFFFFC30];
	(xrf0) =	vadd.scan.msk.s32 $0xffff, v5;
	v14 =	vnsel vm1, $0x0, v3  }
0x93: {  	v25 =	vld [tilespmem:s13+$0xFFFFFC20];
	(xrf0) =	vadd.scan.msk.s32 $0xffff, v14  }
0x94: {  	v22 =	vld [tilespmem:s13+$0xFFFFF820]  }
0x95: {  	v28 =	vld [tilespmem:s13+$0xFFFFF830]  }
0x96: {  	v29 =	vld [tilespmem:s13+$0xFFFFF850]  }
0x97: {  	v31 =	vld [tilespmem:s13+$0xFFFFF860]  }
0x98: {  	v32 =	vld [tilespmem:s13+$0xFFFFF870];
	v19, _, _ =	vpop (xrf0)  }
0x99: {  	v33 =	vld [tilespmem:s13+$0xFFFFFC00];
	(v2sf) =	vpush v19, $0xF;
	v27, _, _ =	vpop (xrf0)  }
0x9a: {  	v4 =	vld [tilespmem:s13+$0x430];
	(v2sf) =	vpush v27, $0xF;
	v30 =	vpop (erf)  }
0x9b: {  	v34 =	vld [tilespmem:s13+$0xFFFFFC10];
	v16 =	vmul.f32 v16, v30  }
0x9c: {  	v6 =	vld [tilespmem:s13+$0x420];
	v15 =	vmul.f32 v15, v30  }
0x9d: {  	v35 =	vld [tilespmem:s13+$0xFFFFF800];
	v13 =	vmul.f32 v13, v30;
	[tilespmem:s13+$0x470] =	vst v16  }
0x9e: {  	v14 =	vld [tilespmem:s13+$0xFFFFF810];
	v12 =	vmul.f32 v12, v30;
	[tilespmem:s13+$0x460] =	vst v15  }
0x9f: {  	v5 =	vld [tilespmem:s13+$0x40];
	v4 =	vmul.f32 v4, v30;
	[tilespmem:s13+$0x450] =	vst v13  }
0xa0: {  	v36 =	vld [tilespmem:s13+$0x30];
	v8 =	vmul.f32 v8, v30;
	[tilespmem:s13+$0x440] =	vst v12  }
0xa1: {  	v37 =	vld [tilespmem:s13+$0xFFFFFC70];
	v6 =	vmul.f32 v6, v30;
	[tilespmem:s13+$0x430] =	vst v4  }
0xa2: {  	s12 =	simm.s32 $0x5880;
	v27 =	vld [tilespmem:s13+$0xFFFFF840];
	v18 =	vmul.f32 v18, v30;
	[tilespmem:s13+$0x70] =	vst v8  }
0xa3: {  	v9 =	vmul.f32 v9, v30;
	v38 =	vmul.f32 v14, v30;
	[tilespmem:s13+$0x420] =	vst v6;
	v4 =	vld [tilespmem:s12+$0x70]  }
0xa4: {  	v15 =	vmul.f32 v5, v30;
	v5 =	vmul.f32 v7, v30;
	[tilespmem:s13+$0x10] =	vst v18;
	v7 =	vld [tilespmem:s12+$0x430]  }
0xa5: {  	v16 =	vmul.f32 v28, v30;
	v28 =	vmul.f32 v21, v30;
	[tilespmem:s13+$0x60] =	vst v9;
	v21 =	vld [tilespmem:s12+$0x450]  }
0xa6: {  	v19 =	vmul.f32 v22, v30;
	v6 =	vmul.f32 v10, v30;
	[tilespmem:s13+$0x410] =	vst v5;
	v5 =	vld [tilespmem:s12+$0x60]  }
0xa7: {  	v22 =	vmul.f32 v17, v30;
	[tilespmem:s13+$0xFFFFFC60] =	vst v28;
	v28 =	vmul.f32 v26, v30;
	v26 =	vld [tilespmem:s12+$0x470]  }
0xa8: {  	v14 =	vmul.f32 v29, v30;
	v9 =	vmul.f32 v11, v30;
	s15 =	spop (v2sf);
	[tilespmem:s13+$0x50] =	vst v6;
	v8 =	vld [tilespmem:s12+$0x420]  }
0xa9: {  	[tilespmem:s13+$0x0] =	vst v22;
	v13 =	vmul.f32 v27, v30;
	v27 =	vmul.f32 v37, v30;
	v6 =	vld [tilespmem:s12+$0x50];
	s16 =	spop (v2sf)  }
0xaa: {  	v17 =	vmul.f32 v33, v30;
	v10 =	vmul.f32 v20, v30;
	[tilespmem:s13+$0x400] =	vst v9;
	v20 =	vld [tilespmem:s12+$0x440];
	s15 =	ssub.s32 s16, s15  }
0xab: {  	v25 =	vmul.f32 v25, v30;
	[tilespmem:s13+$0xFFFFFC70] =	vst v27;
	v27 =	vmul.f32 v24, v30;
	v24 =	vld [tilespmem:s12+$0x460];
	s15 =	scvt.s32.f32 s15  }
0xac: {  	v29 =	vmul.f32 v23, v30;
	v23 =	vmul.f32 v36, v30;
	[tilespmem:s13+$0xFFFFF810] =	vst v38;
	v9 =	vld [tilespmem:s12+$0x410]  }
0xad: {  	v12 =	vmul.f32 v31, v30;
	v18 =	vmul.f32 v34, v30;
	[tilespmem:s13+$0x20] =	vst v10;
	v11 =	vld [tilespmem:s12+$0x400];
	v31 =	vmov s15  }
0xae: {  	v22 =	vmul.f32 v35, v30;
	[tilespmem:s13+$0x40] =	vst v15;
	v15 =	vmul.f32 v32, v30;
	v10 =	vld [tilespmem:s12+$0x0];
	v30 =	vmax.f32 v31, $1.000000000e+00  }
.LBB2_15:
0xaf: {  	v31 =	vmov s14;
	p0 =	sne.s32 s14, $0x7;
	s14 =	sadd.s32 $0x1, s14;
	v30 =	vbroadcast v30, $0x0;
	v32 =	vld [tilespmem:s12+$0x10];
	[tilespmem:s13+$0xFFFFFC50] =	vst v29  }
0xb0: {  	v29 =	vmov s14;
	vm1 =	veq.s32 v31, v2;
	v31 =	vld [tilespmem:s12+$0x20];
	[tilespmem:s13+$0xFFFFF820] =	vst v19  }
0xb1: {  	vm2 =	veq.s32 v29, v2;
	v19 =	vnsel vm1, $0x0, v3;
	v33 =	vld [tilespmem:s12+$0xFFFFFC60];
	(erf) = vrcp.f32 v30;
	[tilespmem:s13+$0xFFFFFC40] =	vst v28  }
0xb2: {  	v28 =	vnsel vm2, $0x0, v3;
	(xrf0) =	vadd.scan.msk.s32 $0xffff, v19;
	v29 =	vld [tilespmem:s12+$0xFFFFFC50];
	[tilespmem:s13+$0xFFFFF830] =	vst v16  }
0xb3: {  	(xrf0) =	vadd.scan.msk.s32 $0xffff, v28;
	v28 =	vld [tilespmem:s12+$0xFFFFFC40];
	[tilespmem:s13+$0xFFFFFC30] =	vst v27  }
0xb4: {  	v27 =	vld [tilespmem:s12+$0xFFFFFC30];
	[tilespmem:s13+$0xFFFFF840] =	vst v13  }
0xb5: {  	v13 =	vld [tilespmem:s12+$0x40];
	[tilespmem:s13+$0xFFFFFC20] =	vst v25  }
0xb6: {  	v25 =	vld [tilespmem:s12+$0xFFFFFC20];
	[tilespmem:s13+$0xFFFFF850] =	vst v14  }
0xb7: {  	v14 =	vld [tilespmem:s12+$0xFFFFF810];
	[tilespmem:s13+$0xFFFFF800] =	vst v22  }
0xb8: {  	v16, _, _ =	vpop (xrf0);
	v19 =	vld [tilespmem:s12+$0xFFFFF820];
	[tilespmem:s13+$0xFFFFF860] =	vst v12  }
0xb9: {  	v12, _, _ =	vpop (xrf0);
	(v2sf) =	vpush v16, $0xF;
	v16 =	vld [tilespmem:s12+$0xFFFFF830];
	[tilespmem:s13+$0xFFFFF870] =	vst v15  }
0xba: {  	(v2sf) =	vpush v12, $0xF;
	v12 =	vld [tilespmem:s12+$0xFFFFF840];
	v30 =	vpop (erf);
	[tilespmem:s13+$0xFFFFFC00] =	vst v17  }
0xbb: {  	v15 =	vld [tilespmem:s12+$0xFFFFF850];
	v34 =	vmul.f32 v13, v30;
	v13 =	vmul.f32 v26, v30;
	[tilespmem:s13+$0xFFFFFC10] =	vst v18  }
0xbc: {  	v35 =	vmul.f32 v14, v30;
	v17 =	vld [tilespmem:s12+$0xFFFFF860];
	v14 =	vmul.f32 v24, v30;
	[tilespmem:s13+$0x30] =	vst v23;
	s13 =	smov.u32 s12  }
0xbd: {  	v21 =	vmul.f32 v21, v30;
	v19 =	vmul.f32 v19, v30;
	v18 =	vld [tilespmem:s12+$0xFFFFF870];
	[tilespmem:s12+$0x470] =	vst v13  }
0xbe: {  	v20 =	vmul.f32 v20, v30;
	v16 =	vmul.f32 v16, v30;
	v22 =	vld [tilespmem:s12+$0xFFFFFC00];
	[tilespmem:s12+$0x460] =	vst v14  }
0xbf: {  	v7 =	vmul.f32 v7, v30;
	v13 =	vmul.f32 v12, v30;
	v23 =	vld [tilespmem:s12+$0xFFFFFC10];
	[tilespmem:s12+$0x450] =	vst v21  }
0xc0: {  	v8 =	vmul.f32 v8, v30;
	v21 =	vld [tilespmem:s12+$0xFFFFF800];
	v14 =	vmul.f32 v15, v30;
	[tilespmem:s12+$0x440] =	vst v20  }
0xc1: {  	v9 =	vmul.f32 v9, v30;
	v12 =	vmul.f32 v17, v30;
	v24 =	vld [tilespmem:s12+$0x30];
	[tilespmem:s12+$0x430] =	vst v7  }
0xc2: {  	v11 =	vmul.f32 v11, v30;
	s12 =	sadd.s32 $0x80, s12;
	v15 =	vmul.f32 v18, v30;
	v20 =	vld [tilespmem:s13+$0xFFFFFC70];
	[tilespmem:s13+$0x420] =	vst v8  }
0xc3: {  	v4 =	vmul.f32 v4, v30;
	v7 =	vld [tilespmem:s12+$0x430];
	v17 =	vmul.f32 v22, v30;
	[tilespmem:s13+$0x410] =	vst v9  }
0xc4: {  	v5 =	vmul.f32 v5, v30;
	v8 =	vld [tilespmem:s12+$0x420];
	v18 =	vmul.f32 v23, v30;
	[tilespmem:s13+$0x400] =	vst v11  }
0xc5: {  	v6 =	vmul.f32 v6, v30;
	v9 =	vld [tilespmem:s12+$0x410];
	v22 =	vmul.f32 v21, v30;
	[tilespmem:s13+$0x70] =	vst v4  }
0xc6: {  	v25 =	vmul.f32 v25, v30;
	v21 =	vmul.f32 v31, v30;
	v4 =	vld [tilespmem:s12+$0x70];
	[tilespmem:s13+$0x60] =	vst v5  }
0xc7: {  	v27 =	vmul.f32 v27, v30;
	v23 =	vmul.f32 v32, v30;
	v5 =	vld [tilespmem:s12+$0x60];
	[tilespmem:s13+$0x50] =	vst v6  }
0xc8: {  	v10 =	vmul.f32 v10, v30;
	v26 =	vmul.f32 v20, v30;
	v6 =	vld [tilespmem:s12+$0x50];
	s15 =	spop (v2sf);
	[tilespmem:s13+$0x40] =	vst v34  }
0xc9: {  	v29 =	vmul.f32 v29, v30;
	v31 =	vmul.f32 v33, v30;
	v11 =	vld [tilespmem:s12+$0x400];
	s16 =	spop (v2sf);
	[tilespmem:s13+$0x20] =	vst v21  }
.Ltmp4:
0xca: {  	v28 =	vmul.f32 v28, v30;
	s15 =	ssub.s32 s16, s15;
	v20 =	vld [tilespmem:s12+$0x440];
	[tilespmem:s13+$0x10] =	vst v23;
	v23 =	vmul.f32 v24, v30;
	(pc) =	sbr.rel @p0 .LBB2_15-.Ltmp4, $4  }
0xcb: {  	s15 =	scvt.s32.f32 s15;
	v21 =	vld [tilespmem:s12+$0x450];
	[tilespmem:s13+$0x0] =	vst v10  }
0xcc: {  	v10 =	vld [tilespmem:s12+$0x0];
	[tilespmem:s13+$0xFFFFFC70] =	vst v26  }
0xcd: {  	v26 =	vmov s15;
	v24 =	vld [tilespmem:s12+$0x460];
	[tilespmem:s13+$0xFFFFFC60] =	vst v31  }
0xce: {  	v30 =	vmax.f32 v26, $1.000000000e+00;
	v26 =	vld [tilespmem:s12+$0x470];
	[tilespmem:s13+$0xFFFFF810] =	vst v35  }
0xcf: {  	[tilespmem:s13+$0xFFFFFC50] =	vst v29;
	v3 =	vbroadcast v30, $0x0  }
0xd0: {  	[tilespmem:s13+$0xFFFFF820] =	vst v19  }
0xd1: {  	[tilespmem:s13+$0xFFFFF830] =	vst v16;
	(erf) = vrcp.f32 v3  }
0xd2: {  	[tilespmem:s13+$0xFFFFF840] =	vst v13  }
0xd3: {  	[tilespmem:s13+$0xFFFFF850] =	vst v14;
	v34 =	vld [tilespmem:s12+$0x10]  }
0xd4: {  	[tilespmem:s13+$0xFFFFF860] =	vst v12;
	v36 =	vld [tilespmem:s12+$0x20]  }
0xd5: {  	[tilespmem:s13+$0xFFFFF870] =	vst v15;
	v38 =	vld [tilespmem:s12+$0x40]  }
0xd6: {  	[tilespmem:s13+$0x30] =	vst v23;
	v29 =	vld [tilespmem:s12+$0xFFFFFC60]  }
0xd7: {  	[tilespmem:s13+$0xFFFFFC40] =	vst v28;
	v13 =	vld [tilespmem:s12+$0xFFFFF810]  }
0xd8: {  	[tilespmem:s13+$0xFFFFF800] =	vst v22;
	v3 =	vld [tilespmem:s12+$0xFFFFFC50]  }
0xd9: {  	v32 =	vld [tilespmem:s12+$0xFFFFFC40];
	[tilespmem:s13+$0xFFFFFC30] =	vst v27  }
0xda: {  	v33 =	vld [tilespmem:s12+$0xFFFFFC30];
	[tilespmem:s13+$0xFFFFFC20] =	vst v25;
	v37 =	vpop (erf)  }
0xdb: {  	v35 =	vld [tilespmem:s12+$0xFFFFFC20];
	[tilespmem:s13+$0xFFFFFC00] =	vst v17;
	v39 =	vmul.f32 v26, v37  }
0xdc: {  	[tilespmem:s13+$0xFFFFFC10] =	vst v18;
	v40 =	vmul.f32 v24, v37  }
0xdd: {  	v21 =	vmul.f32 v21, v37;
	[tilespmem:s12+$0x470] =	vst v39  }
0xde: {  	v20 =	vmul.f32 v20, v37;
	[tilespmem:s12+$0x460] =	vst v40  }
0xdf: {  	v7 =	vmul.f32 v7, v37;
	[tilespmem:s12+$0x450] =	vst v21  }
0xe0: {  	v8 =	vmul.f32 v8, v37;
	[tilespmem:s12+$0x440] =	vst v20  }
0xe1: {  	v9 =	vmul.f32 v9, v37;
	[tilespmem:s12+$0x430] =	vst v7  }
0xe2: {  	v41 =	vmul.f32 v11, v37;
	[tilespmem:s12+$0x420] =	vst v8  }
0xe3: {  	v4 =	vmul.f32 v4, v37;
	[tilespmem:s12+$0x410] =	vst v9  }
0xe4: {  	v5 =	vmul.f32 v5, v37;
	[tilespmem:s12+$0x400] =	vst v41  }
0xe5: {  	v43 =	vld [tilespmem:s12+$0xFFFFFC70];
	v6 =	vmul.f32 v6, v37;
	[tilespmem:s12+$0x70] =	vst v4  }
0xe6: {  	v44 =	vmul.f32 v38, v37;
	[tilespmem:s12+$0x60] =	vst v5  }
0xe7: {  	v45 =	vmul.f32 v36, v37;
	[tilespmem:s12+$0x50] =	vst v6  }
0xe8: {  	v46 =	vmul.f32 v34, v37;
	[tilespmem:s12+$0x40] =	vst v44  }
0xe9: {  	v48 =	vmul.f32 v10, v37;
	[tilespmem:s12+$0x20] =	vst v45  }
0xea: {  	v49 =	vmul.f32 v43, v37;
	[tilespmem:s12+$0x10] =	vst v46  }
0xeb: {  	v61 =	vld [tilespmem:s12+$0xFFFFFC00];
	v51 =	vmul.f32 v29, v37;
	[tilespmem:s12+$0x0] =	vst v48  }
0xec: {  	v42 =	vld [tilespmem:s12+$0x30];
	v53 =	vmul.f32 v13, v37;
	[tilespmem:s12+$0xFFFFFC70] =	vst v49  }
0xed: {  	v47 =	vld [tilespmem:s12+$0xFFFFF820];
	v3 =	vmul.f32 v3, v37;
	[tilespmem:s12+$0xFFFFFC60] =	vst v51  }
0xee: {  	v50 =	vld [tilespmem:s12+$0xFFFFF830];
	v57 =	vmul.f32 v32, v37;
	[tilespmem:s12+$0xFFFFF810] =	vst v53  }
0xef: {  	v52 =	vld [tilespmem:s12+$0xFFFFF840];
	v60 =	vmul.f32 v33, v37;
	[tilespmem:s12+$0xFFFFFC50] =	vst v3  }
0xf0: {  	v55 =	vld [tilespmem:s12+$0xFFFFF850];
	v62 =	vmul.f32 v61, v37;
	[tilespmem:s12+$0xFFFFFC40] =	vst v57  }
0xf1: {  	v63 =	vmul.f32 v42, v37;
	[tilespmem:s12+$0xFFFFFC30] =	vst v60  }
0xf2: {  	v54 =	vld [tilespmem:s12+$0xFFFFF800];
	v4 =	vmul.f32 v47, v37;
	[tilespmem:s12+$0xFFFFFC00] =	vst v62  }
0xf3: {  	v56 =	vld [tilespmem:s12+$0xFFFFF860];
	v3 =	vmul.f32 v50, v37;
	[tilespmem:s12+$0x30] =	vst v63  }
0xf4: {  	v59 =	vld [tilespmem:s12+$0xFFFFF870];
	v9 =	vmul.f32 v52, v37;
	[tilespmem:s12+$0xFFFFF820] =	vst v4  }
0xf5: {  	v58 =	vld [tilespmem:s12+$0xFFFFFC10];
	v7 =	vmul.f32 v55, v37;
	[tilespmem:s12+$0xFFFFF830] =	vst v3  }
0xf6: {  	v3 =	vmul.f32 v35, v37;
	[tilespmem:s12+$0xFFFFF840] =	vst v9  }
0xf7: {  	v5 =	vmul.f32 v54, v37;
	[tilespmem:s12+$0xFFFFF850] =	vst v7  }
0xf8: {  	[tilespmem:s12+$0xFFFFFC20] =	vst v3;
	v3 =	vmul.f32 v56, v37  }
0xf9: {  	v4 =	vmul.f32 v59, v37;
	[tilespmem:s12+$0xFFFFF800] =	vst v5  }
0xfa: {  	[tilespmem:s12+$0xFFFFF860] =	vst v3;
	v3 =	vmul.f32 v58, v37  }
0xfb: {  	s11 =	sadd.s32 $0x1, s11;
	[tilespmem:s12+$0xFFFFF870] =	vst v4  }
0xfc: {  	p0 =	sne.s32 s11, s7;
	[tilespmem:s12+$0xFFFFFC10] =	vst v3  }
0xfd: {  	[hbm4b:s5+s3] =	stream.linear.scatter [tilespmem:s10], [sflag:$0x1], $0x1000, $0x38;
	[tilespmem:$0x6080] =	vst v63  }
.Ltmp5:
0xfe: {  	_ = 	snop;
	(pc) =	sbr.rel @p0 .LBB2_2-.Ltmp5, $4  }
.Ltmp6:
0xff: {  	_ = 	snop;
	(pc) =	sbr.rel @!p0 .LBB2_17-.Ltmp6, $4  }
0x100: {  	_ =	swait.ge [sflag:s8], $0x1000  }
0x101: {  	[sflag:s8] =	ssyncset.done $0x0  }
0x102: {  	[sflag:s8] =	ssyncadd.s32 $0xFFFFF000  }
0x103: {  	_ = 	snop  }
.LBB2_13:
0x104: {  	s16 =	sadd.s32 $0x1, s16  }
0x105: {  	p0 =	sne.s32 s16, s12  }
.Ltmp7:
0x106: {  	_ = 	snop;
	(pc) =	sbr.rel @!p0 .LBB2_14-.Ltmp7, $2  }
0x107: {  	_ =	sdelay $0x2  }
0x108: {  	s15 =	sadd.s32 $0x20, s15;
	s14 =	sadd.s32 $0xFFFFFFE0, s14  }
.LBB2_7:
0x109: {  	s17 =	sshll.u32 s16, $0xE  }
0x10a: {  	s17 =	sadd.s32 s4, s17  }
0x10b: {  	s17 =	sshrl.u32 s17, $0x3  }
.Ltmp8:
0x10c: {  	s17 =	sadd.s32 s1, s17;
	(pc) =	sbr.rel .LBB2_9-.Ltmp8, $4  }
0x10d: {  	[tilespmem:s9], [sflag:$0x1] =	stream.linear.gather [hbm4b:s17+s13], $0x4000, $0x38;
	[tilespmem:$0x6080] =	vst v63  }
0x10e: {  	_ =	swait.ge [sflag:s8], $0x4000  }
0x10f: {  	s17 =	sshll.u32 s16, $0x5;
	[sflag:s8] =	ssyncset.done $0x0  }
0x110: {  	s19 =	simm.s32 $0x0;
	s18 =	sadd.s32 $0x20, s17;
	[sflag:s8] =	ssyncadd.s32 $0xFFFFC000  }
.LBB2_12:
0x111: {  	[tilespmem:s21+$0x5C70] =	vst v35  }
.LBB2_8:
0x112: {  	p0 =	seq.s32 s19, $0x8  }
.Ltmp9:
0x113: {  	_ = 	snop;
	(pc) =	sbr.rel @p0 .LBB2_13-.Ltmp9, $1  }
0x114: {  	_ =	sdelay $0x3  }
.LBB2_9:
0x115: {  	s21 =	smov.u32 s19;
	v4 =	vmov s19;
	s19 =	sadd.s32 $0x1, s19  }
0x116: {  	vm1 =	veq.s32 v4, v2;
	v4 =	vmov s19  }
0x117: {  	v5 =	vnsel vm1, $0x0, v3;
	vm1 =	veq.s32 v4, v2  }
0x118: {  	(xrf0) =	vadd.scan.msk.s32 $0xffff, v5;
	v4 =	vnsel vm1, $0x0, v3  }
0x119: {  	(xrf0) =	vadd.scan.msk.s32 $0xffff, v4;
	_ =	sdelay $0x4  }
0x11a: {  	v4, _, _ =	vpop (xrf0)  }
0x11b: {  	(v2sf) =	vpush v4, $0xF;
	v4, _, _ =	vpop (xrf0)  }
0x11c: {  	(v2sf) =	vpush v4, $0xF;
	_ =	sdelay $0xd  }
0x11d: {  	s22 =	spop (v2sf)  }
0x11e: {  	s23 =	smov.u32 s17;
	s20 =	spop (v2sf)  }
0x11f: {  	s24 =	smov.u32 s18;
	p0 =	sgt.s32 s22, s17;
	p1 =	slt.s32 s20, s18  }
0x120: {  	s23 =	smov.u32 @p0 s22;
	s24 =	smov.u32 @p1 s20  }
0x121: {  	s20 =	ssub.s32 s24, s23  }
0x122: {  	p0 =	slt.s32 s20, $0x1  }
.Ltmp10:
0x123: {  	_ = 	snop;
	(pc) =	sbr.rel @p0 .LBB2_8-.Ltmp10, $1  }
0x124: {  	_ =	sdelay $0x3  }
0x125: {  	p0 =	sgt.s32 s22, s15;
	s23 =	smov.u32 s15  }
0x126: {  	s23 =	smov.u32 @p0 s22  }
0x127: {  	s22 =	sadd.s32 s23, s14  }
0x128: {  	s21 =	sshll.u32 s21, $0x7;
	s23 =	sshll.u32 s23, $0x7;
	s24 =	sshll.u32 s22, $0x9  }
0x129: {  	s21 =	sand.u32 $0x3FFFFF80, s21;
	s25 =	sand.u32 $0x380, s23;
	s22 =	sand.u32 $0xFFFFF000, s24  }
0x12a: {  	v4 =	vld [tilespmem:s21+$0x5000];
	s22 =	sor.u32 s25, s22  }
0x12b: {  	v5 =	vld [tilespmem:s22+$0x1000];
	_ =	sdelay $0x4  }
0x12c: {  	v4 =	vadd.f32 v5, v4;
	_ =	sdelay $0x1  }
0x12d: {  	v5 =	vld [tilespmem:s21+$0x5010];
	[tilespmem:s21+$0x5000] =	vst v4  }
0x12e: {  	v6 =	vld [tilespmem:s22+$0x1010];
	_ =	sdelay $0x4  }
0x12f: {  	v5 =	vadd.f32 v6, v5;
	_ =	sdelay $0x1  }
0x130: {  	v6 =	vld [tilespmem:s21+$0x5020];
	[tilespmem:s21+$0x5010] =	vst v5  }
0x131: {  	v7 =	vld [tilespmem:s22+$0x1020];
	_ =	sdelay $0x4  }
0x132: {  	v6 =	vadd.f32 v7, v6;
	_ =	sdelay $0x1  }
0x133: {  	v7 =	vld [tilespmem:s21+$0x5030];
	[tilespmem:s21+$0x5020] =	vst v6  }
0x134: {  	v8 =	vld [tilespmem:s22+$0x1030];
	_ =	sdelay $0x4  }
0x135: {  	v7 =	vadd.f32 v8, v7;
	_ =	sdelay $0x1  }
0x136: {  	v8 =	vld [tilespmem:s21+$0x5040];
	[tilespmem:s21+$0x5030] =	vst v7  }
0x137: {  	v9 =	vld [tilespmem:s22+$0x1040];
	_ =	sdelay $0x4  }
0x138: {  	v8 =	vadd.f32 v9, v8;
	_ =	sdelay $0x1  }
0x139: {  	v9 =	vld [tilespmem:s21+$0x5050];
	[tilespmem:s21+$0x5040] =	vst v8  }
0x13a: {  	v10 =	vld [tilespmem:s22+$0x1050];
	_ =	sdelay $0x4  }
0x13b: {  	v9 =	vadd.f32 v10, v9;
	_ =	sdelay $0x1  }
0x13c: {  	v10 =	vld [tilespmem:s21+$0x5060];
	[tilespmem:s21+$0x5050] =	vst v9  }
0x13d: {  	v11 =	vld [tilespmem:s22+$0x1060];
	_ =	sdelay $0x4  }
0x13e: {  	v10 =	vadd.f32 v11, v10;
	_ =	sdelay $0x1  }
0x13f: {  	v11 =	vld [tilespmem:s21+$0x5070];
	[tilespmem:s21+$0x5060] =	vst v10  }
0x140: {  	v12 =	vld [tilespmem:s22+$0x1070];
	_ =	sdelay $0x4  }
0x141: {  	v11 =	vadd.f32 v12, v11;
	_ =	sdelay $0x1  }
0x142: {  	v12 =	vld [tilespmem:s21+$0x5400];
	[tilespmem:s21+$0x5070] =	vst v11  }
0x143: {  	v13 =	vld [tilespmem:s22+$0x1400];
	_ =	sdelay $0x4  }
0x144: {  	v12 =	vadd.f32 v13, v12;
	_ =	sdelay $0x1  }
0x145: {  	v13 =	vld [tilespmem:s21+$0x5410];
	[tilespmem:s21+$0x5400] =	vst v12  }
0x146: {  	v14 =	vld [tilespmem:s22+$0x1410];
	_ =	sdelay $0x4  }
0x147: {  	v13 =	vadd.f32 v14, v13;
	_ =	sdelay $0x1  }
0x148: {  	v14 =	vld [tilespmem:s21+$0x5420];
	[tilespmem:s21+$0x5410] =	vst v13  }
0x149: {  	v15 =	vld [tilespmem:s22+$0x1420];
	_ =	sdelay $0x4  }
0x14a: {  	v14 =	vadd.f32 v15, v14;
	_ =	sdelay $0x1  }
0x14b: {  	v15 =	vld [tilespmem:s21+$0x5430];
	[tilespmem:s21+$0x5420] =	vst v14  }
0x14c: {  	v16 =	vld [tilespmem:s22+$0x1430];
	_ =	sdelay $0x4  }
0x14d: {  	v15 =	vadd.f32 v16, v15;
	_ =	sdelay $0x1  }
0x14e: {  	v16 =	vld [tilespmem:s21+$0x5440];
	[tilespmem:s21+$0x5430] =	vst v15  }
0x14f: {  	v17 =	vld [tilespmem:s22+$0x1440];
	_ =	sdelay $0x4  }
0x150: {  	v16 =	vadd.f32 v17, v16;
	_ =	sdelay $0x1  }
0x151: {  	v17 =	vld [tilespmem:s21+$0x5450];
	[tilespmem:s21+$0x5440] =	vst v16  }
0x152: {  	v18 =	vld [tilespmem:s22+$0x1450];
	_ =	sdelay $0x4  }
0x153: {  	v17 =	vadd.f32 v18, v17;
	_ =	sdelay $0x1  }
0x154: {  	v18 =	vld [tilespmem:s21+$0x5460];
	[tilespmem:s21+$0x5450] =	vst v17  }
0x155: {  	v19 =	vld [tilespmem:s22+$0x1460];
	_ =	sdelay $0x4  }
0x156: {  	v18 =	vadd.f32 v19, v18;
	_ =	sdelay $0x1  }
0x157: {  	v19 =	vld [tilespmem:s21+$0x5470];
	[tilespmem:s21+$0x5460] =	vst v18  }
0x158: {  	v20 =	vld [tilespmem:s22+$0x1470];
	_ =	sdelay $0x4  }
0x159: {  	v19 =	vadd.f32 v20, v19;
	_ =	sdelay $0x1  }
0x15a: {  	v20 =	vld [tilespmem:s21+$0x5800];
	[tilespmem:s21+$0x5470] =	vst v19  }
0x15b: {  	v21 =	vld [tilespmem:s22+$0x1800];
	_ =	sdelay $0x4  }
0x15c: {  	v20 =	vadd.f32 v21, v20;
	_ =	sdelay $0x1  }
0x15d: {  	v21 =	vld [tilespmem:s21+$0x5810];
	[tilespmem:s21+$0x5800] =	vst v20  }
0x15e: {  	v22 =	vld [tilespmem:s22+$0x1810];
	_ =	sdelay $0x4  }
0x15f: {  	v21 =	vadd.f32 v22, v21;
	_ =	sdelay $0x1  }
0x160: {  	v22 =	vld [tilespmem:s21+$0x5820];
	[tilespmem:s21+$0x5810] =	vst v21  }
0x161: {  	v23 =	vld [tilespmem:s22+$0x1820];
	_ =	sdelay $0x4  }
0x162: {  	v22 =	vadd.f32 v23, v22;
	_ =	sdelay $0x1  }
0x163: {  	v23 =	vld [tilespmem:s21+$0x5830];
	[tilespmem:s21+$0x5820] =	vst v22  }
0x164: {  	v24 =	vld [tilespmem:s22+$0x1830];
	_ =	sdelay $0x4  }
0x165: {  	v23 =	vadd.f32 v24, v23;
	_ =	sdelay $0x1  }
0x166: {  	v24 =	vld [tilespmem:s21+$0x5840];
	[tilespmem:s21+$0x5830] =	vst v23  }
0x167: {  	v25 =	vld [tilespmem:s22+$0x1840];
	_ =	sdelay $0x4  }
0x168: {  	v24 =	vadd.f32 v25, v24;
	_ =	sdelay $0x1  }
0x169: {  	v25 =	vld [tilespmem:s21+$0x5850];
	[tilespmem:s21+$0x5840] =	vst v24  }
0x16a: {  	v26 =	vld [tilespmem:s22+$0x1850];
	_ =	sdelay $0x4  }
0x16b: {  	v25 =	vadd.f32 v26, v25;
	_ =	sdelay $0x1  }
0x16c: {  	v26 =	vld [tilespmem:s21+$0x5860];
	[tilespmem:s21+$0x5850] =	vst v25  }
0x16d: {  	v27 =	vld [tilespmem:s22+$0x1860];
	_ =	sdelay $0x4  }
0x16e: {  	v26 =	vadd.f32 v27, v26;
	_ =	sdelay $0x1  }
0x16f: {  	v27 =	vld [tilespmem:s21+$0x5870];
	[tilespmem:s21+$0x5860] =	vst v26  }
0x170: {  	v28 =	vld [tilespmem:s22+$0x1870];
	_ =	sdelay $0x4  }
0x171: {  	v27 =	vadd.f32 v28, v27;
	_ =	sdelay $0x1  }
0x172: {  	v28 =	vld [tilespmem:s21+$0x5C00];
	[tilespmem:s21+$0x5870] =	vst v27  }
0x173: {  	v29 =	vld [tilespmem:s22+$0x1C00];
	_ =	sdelay $0x4  }
0x174: {  	v28 =	vadd.f32 v29, v28;
	_ =	sdelay $0x1  }
0x175: {  	v29 =	vld [tilespmem:s21+$0x5C10];
	[tilespmem:s21+$0x5C00] =	vst v28  }
0x176: {  	v30 =	vld [tilespmem:s22+$0x1C10];
	_ =	sdelay $0x4  }
0x177: {  	v29 =	vadd.f32 v30, v29;
	_ =	sdelay $0x1  }
0x178: {  	v30 =	vld [tilespmem:s21+$0x5C20];
	[tilespmem:s21+$0x5C10] =	vst v29  }
0x179: {  	v31 =	vld [tilespmem:s22+$0x1C20];
	_ =	sdelay $0x4  }
0x17a: {  	v30 =	vadd.f32 v31, v30;
	_ =	sdelay $0x1  }
0x17b: {  	v31 =	vld [tilespmem:s21+$0x5C30];
	[tilespmem:s21+$0x5C20] =	vst v30  }
0x17c: {  	v32 =	vld [tilespmem:s22+$0x1C30];
	_ =	sdelay $0x4  }
0x17d: {  	v31 =	vadd.f32 v32, v31;
	_ =	sdelay $0x1  }
0x17e: {  	v60 =	vld [tilespmem:s21+$0x5C40];
	[tilespmem:s21+$0x5C30] =	vst v31  }
0x17f: {  	v33 =	vld [tilespmem:s22+$0x1C40];
	_ =	sdelay $0x4  }
0x180: {  	v32 =	vadd.f32 v33, v60;
	_ =	sdelay $0x1  }
0x181: {  	v61 =	vld [tilespmem:s21+$0x5C50];
	[tilespmem:s21+$0x5C40] =	vst v32  }
0x182: {  	v34 =	vld [tilespmem:s22+$0x1C50];
	_ =	sdelay $0x4  }
0x183: {  	v33 =	vadd.f32 v34, v61;
	_ =	sdelay $0x1  }
0x184: {  	v62 =	vld [tilespmem:s21+$0x5C60];
	[tilespmem:s21+$0x5C50] =	vst v33  }
0x185: {  	v35 =	vld [tilespmem:s22+$0x1C60];
	_ =	sdelay $0x4  }
0x186: {  	v34 =	vadd.f32 v35, v62;
	_ =	sdelay $0x1  }
0x187: {  	v63 =	vld [tilespmem:s21+$0x5C70];
	[tilespmem:s21+$0x5C60] =	vst v34  }
0x188: {  	v36 =	vld [tilespmem:s22+$0x1C70]  }
0x189: {  	p0 =	sgt.s32 s20, $0x1  }
.Ltmp11:
0x18a: {  	_ = 	snop;
	(pc) =	sbr.rel @!p0 .LBB2_12-.Ltmp11, $3  }
0x18b: {  	_ =	sdelay $0x1  }
0x18c: {  	v35 =	vadd.f32 v36, v63  }
0x18d: {  	s23 =	sadd.s32 $0x80, s23;
	s24 =	sadd.s32 $0x200, s24;
	s22 =	simm.s32 $0x1  }
.LBB2_11:
0x18e: {  	s25 =	sand.u32 $0xFFFFF000, s24;
	s26 =	sand.u32 $0x380, s23;
	s22 =	sadd.s32 $0x1, s22  }
0x18f: {  	s25 =	sor.u32 s26, s25;
	p0 =	slt.s32 s22, s20;
	[tilespmem:s21+$0x5C70] =	vst v35  }
0x190: {  	v36 =	vld [tilespmem:s25+$0x1000];
	_ =	sdelay $0x4  }
0x191: {  	v4 =	vadd.f32 v36, v4;
	_ =	sdelay $0x1  }
0x192: {  	[tilespmem:s21+$0x5000] =	vst v4  }
0x193: {  	v36 =	vld [tilespmem:s25+$0x1010];
	_ =	sdelay $0x4  }
0x194: {  	v5 =	vadd.f32 v36, v5;
	_ =	sdelay $0x1  }
0x195: {  	[tilespmem:s21+$0x5010] =	vst v5  }
0x196: {  	v36 =	vld [tilespmem:s25+$0x1020];
	_ =	sdelay $0x4  }
0x197: {  	v6 =	vadd.f32 v36, v6;
	_ =	sdelay $0x1  }
0x198: {  	[tilespmem:s21+$0x5020] =	vst v6  }
0x199: {  	v36 =	vld [tilespmem:s25+$0x1030];
	_ =	sdelay $0x4  }
0x19a: {  	v7 =	vadd.f32 v36, v7;
	_ =	sdelay $0x1  }
0x19b: {  	[tilespmem:s21+$0x5030] =	vst v7  }
0x19c: {  	v36 =	vld [tilespmem:s25+$0x1040];
	_ =	sdelay $0x4  }
0x19d: {  	v8 =	vadd.f32 v36, v8;
	_ =	sdelay $0x1  }
0x19e: {  	[tilespmem:s21+$0x5040] =	vst v8  }
0x19f: {  	v36 =	vld [tilespmem:s25+$0x1050];
	_ =	sdelay $0x4  }
0x1a0: {  	v9 =	vadd.f32 v36, v9;
	_ =	sdelay $0x1  }
0x1a1: {  	[tilespmem:s21+$0x5050] =	vst v9  }
0x1a2: {  	v36 =	vld [tilespmem:s25+$0x1060];
	_ =	sdelay $0x4  }
0x1a3: {  	v10 =	vadd.f32 v36, v10;
	_ =	sdelay $0x1  }
0x1a4: {  	[tilespmem:s21+$0x5060] =	vst v10  }
0x1a5: {  	v36 =	vld [tilespmem:s25+$0x1070];
	_ =	sdelay $0x4  }
0x1a6: {  	v11 =	vadd.f32 v36, v11;
	_ =	sdelay $0x1  }
0x1a7: {  	[tilespmem:s21+$0x5070] =	vst v11  }
0x1a8: {  	v36 =	vld [tilespmem:s25+$0x1400];
	_ =	sdelay $0x4  }
0x1a9: {  	v12 =	vadd.f32 v36, v12;
	_ =	sdelay $0x1  }
0x1aa: {  	[tilespmem:s21+$0x5400] =	vst v12  }
0x1ab: {  	v36 =	vld [tilespmem:s25+$0x1410];
	_ =	sdelay $0x4  }
0x1ac: {  	v13 =	vadd.f32 v36, v13;
	_ =	sdelay $0x1  }
0x1ad: {  	[tilespmem:s21+$0x5410] =	vst v13  }
0x1ae: {  	v36 =	vld [tilespmem:s25+$0x1420];
	_ =	sdelay $0x4  }
0x1af: {  	v14 =	vadd.f32 v36, v14;
	_ =	sdelay $0x1  }
0x1b0: {  	[tilespmem:s21+$0x5420] =	vst v14  }
0x1b1: {  	v36 =	vld [tilespmem:s25+$0x1430];
	_ =	sdelay $0x4  }
0x1b2: {  	v15 =	vadd.f32 v36, v15;
	_ =	sdelay $0x1  }
0x1b3: {  	[tilespmem:s21+$0x5430] =	vst v15  }
0x1b4: {  	v36 =	vld [tilespmem:s25+$0x1440];
	_ =	sdelay $0x4  }
0x1b5: {  	v16 =	vadd.f32 v36, v16;
	_ =	sdelay $0x1  }
0x1b6: {  	[tilespmem:s21+$0x5440] =	vst v16  }
0x1b7: {  	v36 =	vld [tilespmem:s25+$0x1450];
	_ =	sdelay $0x4  }
0x1b8: {  	v17 =	vadd.f32 v36, v17;
	_ =	sdelay $0x1  }
0x1b9: {  	[tilespmem:s21+$0x5450] =	vst v17  }
0x1ba: {  	v36 =	vld [tilespmem:s25+$0x1460];
	_ =	sdelay $0x4  }
0x1bb: {  	v18 =	vadd.f32 v36, v18;
	_ =	sdelay $0x1  }
0x1bc: {  	[tilespmem:s21+$0x5460] =	vst v18  }
0x1bd: {  	v36 =	vld [tilespmem:s25+$0x1470];
	_ =	sdelay $0x4  }
0x1be: {  	v19 =	vadd.f32 v36, v19;
	_ =	sdelay $0x1  }
0x1bf: {  	[tilespmem:s21+$0x5470] =	vst v19  }
0x1c0: {  	v36 =	vld [tilespmem:s25+$0x1800];
	_ =	sdelay $0x4  }
0x1c1: {  	v20 =	vadd.f32 v36, v20;
	_ =	sdelay $0x1  }
0x1c2: {  	[tilespmem:s21+$0x5800] =	vst v20  }
0x1c3: {  	v36 =	vld [tilespmem:s25+$0x1810];
	_ =	sdelay $0x4  }
0x1c4: {  	v21 =	vadd.f32 v36, v21;
	_ =	sdelay $0x1  }
0x1c5: {  	[tilespmem:s21+$0x5810] =	vst v21  }
0x1c6: {  	v36 =	vld [tilespmem:s25+$0x1820];
	_ =	sdelay $0x4  }
0x1c7: {  	v22 =	vadd.f32 v36, v22;
	_ =	sdelay $0x1  }
0x1c8: {  	[tilespmem:s21+$0x5820] =	vst v22  }
0x1c9: {  	v36 =	vld [tilespmem:s25+$0x1830];
	_ =	sdelay $0x4  }
0x1ca: {  	v23 =	vadd.f32 v36, v23;
	_ =	sdelay $0x1  }
0x1cb: {  	[tilespmem:s21+$0x5830] =	vst v23  }
0x1cc: {  	v36 =	vld [tilespmem:s25+$0x1840];
	_ =	sdelay $0x4  }
0x1cd: {  	v24 =	vadd.f32 v36, v24;
	_ =	sdelay $0x1  }
0x1ce: {  	[tilespmem:s21+$0x5840] =	vst v24  }
0x1cf: {  	v36 =	vld [tilespmem:s25+$0x1850];
	_ =	sdelay $0x4  }
0x1d0: {  	v25 =	vadd.f32 v36, v25;
	_ =	sdelay $0x1  }
0x1d1: {  	[tilespmem:s21+$0x5850] =	vst v25  }
0x1d2: {  	v36 =	vld [tilespmem:s25+$0x1860];
	_ =	sdelay $0x4  }
0x1d3: {  	v26 =	vadd.f32 v36, v26;
	_ =	sdelay $0x1  }
0x1d4: {  	[tilespmem:s21+$0x5860] =	vst v26  }
0x1d5: {  	v36 =	vld [tilespmem:s25+$0x1870];
	_ =	sdelay $0x4  }
0x1d6: {  	v27 =	vadd.f32 v36, v27;
	_ =	sdelay $0x1  }
0x1d7: {  	[tilespmem:s21+$0x5870] =	vst v27  }
0x1d8: {  	v36 =	vld [tilespmem:s25+$0x1C00];
	_ =	sdelay $0x4  }
0x1d9: {  	v28 =	vadd.f32 v36, v28;
	_ =	sdelay $0x1  }
0x1da: {  	[tilespmem:s21+$0x5C00] =	vst v28  }
0x1db: {  	v36 =	vld [tilespmem:s25+$0x1C10];
	_ =	sdelay $0x4  }
0x1dc: {  	v29 =	vadd.f32 v36, v29;
	_ =	sdelay $0x1  }
0x1dd: {  	[tilespmem:s21+$0x5C10] =	vst v29  }
0x1de: {  	v36 =	vld [tilespmem:s25+$0x1C20];
	_ =	sdelay $0x4  }
0x1df: {  	v30 =	vadd.f32 v36, v30;
	_ =	sdelay $0x1  }
0x1e0: {  	[tilespmem:s21+$0x5C20] =	vst v30  }
0x1e1: {  	v36 =	vld [tilespmem:s25+$0x1C30];
	_ =	sdelay $0x4  }
0x1e2: {  	v31 =	vadd.f32 v36, v31;
	_ =	sdelay $0x1  }
0x1e3: {  	[tilespmem:s21+$0x5C30] =	vst v31  }
0x1e4: {  	v36 =	vld [tilespmem:s25+$0x1C40];
	_ =	sdelay $0x4  }
0x1e5: {  	v32 =	vadd.f32 v36, v32;
	_ =	sdelay $0x1  }
0x1e6: {  	[tilespmem:s21+$0x5C40] =	vst v32  }
0x1e7: {  	v36 =	vld [tilespmem:s25+$0x1C50];
	_ =	sdelay $0x4  }
0x1e8: {  	v33 =	vadd.f32 v36, v33;
	_ =	sdelay $0x1  }
0x1e9: {  	[tilespmem:s21+$0x5C50] =	vst v33  }
0x1ea: {  	v36 =	vld [tilespmem:s25+$0x1C60];
	_ =	sdelay $0x4  }
0x1eb: {  	v34 =	vadd.f32 v36, v34;
	_ =	sdelay $0x1  }
0x1ec: {  	[tilespmem:s21+$0x5C60] =	vst v34  }
0x1ed: {  	v36 =	vld [tilespmem:s25+$0x1C70]  }
.Ltmp12:
0x1ee: {  	(pc) =	sbr.rel @p0 .LBB2_11-.Ltmp12, $2  }
0x1ef: {  	_ =	sdelay $0x2  }
0x1f0: {  	s23 =	sadd.s32 $0x80, s23;
	s24 =	sadd.s32 $0x200, s24;
	v35 =	vadd.f32 v36, v35  }
.Ltmp13:
0x1f1: {  	_ = 	snop;
	(pc) =	sbr.rel .LBB2_12-.Ltmp13, $1  }
0x1f2: {  	_ =	sdelay $0x3  }
.LBB2_17:
0x1f3: {  	_ =	sfence.sel $0x180000  }
0x1f4: {  	[bflag:$0x0] =	sbarrier.arrive $0xFFFF  }
0x1f5: {  	p0 =	sne.s32 s2, $0x0;
	_ =	strace $0x90000047  }
0x1f6: {  	s0 =	sadd.s32 @!p0 $0x100000, s0;
	[bflag:$0x2] =	sbarrier.arrive $0xFFFF  }
0x1f7: {  	[sflag:s0] =	ssyncadd.tile.s32 @!p0 $0x1;
	_ =	shalt  }
.Lfunc_end2:
_tile_overlayer_lowered:
.L_overlay_start_2:
0x1f8: {  	(tag) =	ssettag $0x2  }
0x1f9: {  	s0 =	rddreg [dreg:$0x0];
	s2 =	stileid.u32  }
0x1fa: {  	s1 =	rddreg [dreg:$0x1];
	p0 =	sne.s32 s2, $0x0  }
0x1fb: {  	s3 =	rddreg [dreg:$0x2];
	[bflag:$0x3] =	sbarrier.arrive $0xFFFF;
	s2 =	simm.s32 @!p0 $0x1C01  }
0x1fc: {  	[timem:s3], [sflag:s2] =	dma.local @!p0 [hbm:s0], s1  }
0x1fd: {  	s0 =	simm.s32 @!p0 $0x1  }
0x1fe: {  	_ =	swait.ge @!p0 [sflag:s0], s1  }
0x1ff: {  	s1 =	ssub.s32 @!p0 $0x0, s1;
	[sflag:s0] =	ssyncset.done @!p0 $0x0  }
0x200: {  	[sflag:s0] =	ssyncadd.s32 @!p0 s1  }
0x201: {  	[bflag:$0x3] =	sbarrier.arrive $0xFFFF  }
0x202: {  	_ =	shalt  }

</sc_bundles>
